<compile_context>
chip_gen: v7x
topology: tpu7x:2x2x1
jax: 0.10.2.dev20260603
libtpu: 0.0.44.dev20260713+nightly
codegen_flags: <defaults>
</compile_context>

<pallas_src>
import functools

import jax
import jax.numpy as jnp
from jax import lax
from jax.experimental import pallas as pl
from jax.experimental.pallas import tpu as pltpu
from jax.experimental.pallas import tpu_sc as plsc

_B = 16384
_NC, _NS, _L = 2, 16, 16
_NW = _NC * _NS
_BPW = _B // _NW
_BC = 128
_JPW = _BPW // _BC
_NH = 9
_NU = _NH * _JPW

_mesh = plsc.VectorSubcoreMesh(core_axis_name="c", subcore_axis_name="s")


@functools.partial(
    pl.kernel,
    mesh=_mesh,
    out_type=jax.ShapeDtypeStruct((9, 9, 9, _B), jnp.float32),
    scratch_types=[
        pltpu.VMEM((9, 9, _BC), jnp.float32),
        pltpu.VMEM((9, 9, _BC), jnp.float32),
        pltpu.VMEM((9, 9, _BC), jnp.float32),
        pltpu.VMEM((9, 9, _BC), jnp.float32),
        pltpu.VMEM((9, 9, _BC), jnp.float32),
        pltpu.VMEM((9, 9, _BC), jnp.float32),
        pltpu.SemaphoreType.DMA,
        pltpu.SemaphoreType.DMA,
        pltpu.SemaphoreType.DMA,
        pltpu.SemaphoreType.DMA,
        pltpu.SemaphoreType.DMA,
        pltpu.SemaphoreType.DMA,
    ],
    compiler_params=pltpu.CompilerParams(use_tc_tiling_on_sc=True),
)
def _sc_select(s_hbm, m_hbm, o_hbm, s0, s1, m0, m1, o0, o1,
               ss0, ss1, sm0, sm1, so0, so1):
    wid = lax.axis_index("s") * _NC + lax.axis_index("c")
    wbase = wid * _BPW
    sb, mb, ob = (s0, s1), (m0, m1), (o0, o1)
    ssem, msem, osem = (ss0, ss1), (sm0, sm1), (so0, so1)

    def slab(hbm, u):
        u = lax.rem(u + wid, _NU)
        h = u // _JPW
        boff = wbase + (u % _JPW) * _BC
        return hbm.at[:, h, :, pl.ds(boff, _BC)]

    _NL = _BC // _L

    def compute(sv, mv, ov):
        @plsc.parallel_loop(0, 9 * _NL)
        def gbody(g):
            w = g // _NL
            sl = pl.ds((g % _NL) * _L, _L)
            v = [sv[c, w, sl] for c in range(9)]
            mx = v[0]
            idxf = jnp.zeros((_L,), jnp.float32)
            for c in range(1, 9):
                gt = v[c] > mx
                mx = jnp.maximum(mx, v[c])
                idxf = jnp.where(gt, jnp.float32(c), idxf)
            for c in range(9):
                out = jnp.where(idxf == jnp.float32(c),
                                v[c] * mv[c, w, sl], 0.0)
                ov[c, w, sl] = out

    for k in (0, 1):
        pltpu.make_async_copy(slab(s_hbm, k), sb[k], ssem[k]).start()
        pltpu.make_async_copy(slab(m_hbm, k), mb[k], msem[k]).start()

    def gloop(gp, carry):
        for k in (0, 1):
            u = gp * 2 + k
            pltpu.make_async_copy(slab(s_hbm, u), sb[k], ssem[k]).wait()
            pltpu.make_async_copy(slab(m_hbm, u), mb[k], msem[k]).wait()

            @pl.when(u >= 2)
            def _wait_out():
                pltpu.make_async_copy(ob[k], slab(o_hbm, u), osem[k]).wait()

            compute(sb[k], mb[k], ob[k])
            pltpu.make_async_copy(ob[k], slab(o_hbm, u), osem[k]).start()

            @pl.when(u + 2 < _NU)
            def _next_in():
                pltpu.make_async_copy(slab(s_hbm, u + 2), sb[k], ssem[k]).start()
                pltpu.make_async_copy(slab(m_hbm, u + 2), mb[k], msem[k]).start()
        return carry

    lax.fori_loop(0, _NU // 2, gloop, 0)

    for k in (0, 1):
        u = _NU - 2 + k
        pltpu.make_async_copy(ob[k], slab(o_hbm, u), osem[k]).wait()


def kernel(sudoku, current_cell_mask):
    st = jnp.transpose(sudoku, (1, 2, 3, 0))
    mt = jnp.transpose(current_cell_mask, (1, 2, 3, 0))
    ot = _sc_select(st, mt)
    return jnp.transpose(ot, (3, 0, 1, 2))

# --- scband reference (transcript-rebuilt; emitter-appended) ---
"""Pipeline reference for scband-sudoku-select-one-variant-12446815224331 (READ-ONLY COPY).

The authoritative reference and input builder live on the scoring server;
editing this copy changes nothing except your own understanding.
"""

import jax, jax.numpy as jnp
import numpy as np


def setup_inputs(seed: int = 0) -> dict:
    key = jax.random.key(seed)
    k1, k2 = jax.random.split(key)
    sudoku = jax.random.normal(k1, (16384, 9, 9, 9), dtype=jnp.float32)
    current_cell_mask = jax.random.uniform(k2, (16384, 9, 9, 9), dtype=jnp.float32)
    return {"sudoku": sudoku, "current_cell_mask": current_cell_mask}


def reference(sudoku, current_cell_mask):
    # sudoku: [B, C, H, W], kernel_size k == C == 9
    B, C, H, W = sudoku.shape
    k = 9
    # sudoku.transpose(1, 3) -> [B, W, H, C]
    st = jnp.transpose(sudoku, (0, 3, 2, 1))
    # reshape to [B, H*W, C]
    st = st.reshape(B, H * W, C)
    # MaxPool1d(kernel_size=k, stride=k, return_indices=True) over last dim,
    # followed by MaxUnpool1d(kernel_size=k): keep only the max element in
    # each window of size k, zero everywhere else.
    groups = st.reshape(B, H * W, C // k, k)
    maxv = jnp.max(groups, axis=-1)               # pooled values [B, H*W, C//k]
    idx = jnp.argmax(groups, axis=-1)             # pooled indices [B, H*W, C//k]
    onehot = jax.nn.one_hot(idx, k, dtype=st.dtype)
    unpooled = (onehot * maxv[..., None]).reshape(B, H * W, C)
    # reshape back per original code: (B, H, W, C) then transpose(1, 3) -> [B, C, W, H]
    filt = unpooled.reshape(B, H, W, C)
    filt = jnp.transpose(filt, (0, 3, 2, 1))
    return filt * current_cell_mask

if __name__ == "__main__":
    import jax
    _d = setup_inputs()
    print(jax.jit(kernel)(*tuple(_d.values())))

</pallas_src>

<mosaic_0001>
#map = affine_map<(d0, d1) -> (0, 0, 0, 0)>
module attributes {stable_mosaic.version = 14 : i64} {
  func.func @_sc_select(%arg0: i32, %arg1: i32, %arg2: memref<9x9x9x16384xf32, #tpu.memory_space<hbm>>, %arg3: memref<9x9x9x16384xf32, #tpu.memory_space<hbm>>, %arg4: memref<9x9x9x16384xf32, #tpu.memory_space<hbm>>, %arg5: memref<9x9x128xf32, #tpu.memory_space<vmem>>, %arg6: memref<9x9x128xf32, #tpu.memory_space<vmem>>, %arg7: memref<9x9x128xf32, #tpu.memory_space<vmem>>, %arg8: memref<9x9x128xf32, #tpu.memory_space<vmem>>, %arg9: memref<9x9x128xf32, #tpu.memory_space<vmem>>, %arg10: memref<9x9x128xf32, #tpu.memory_space<vmem>>, %arg11: memref<!tpu.dma_semaphore, #tpu.memory_space<semaphore_mem>>, %arg12: memref<!tpu.dma_semaphore, #tpu.memory_space<semaphore_mem>>, %arg13: memref<!tpu.dma_semaphore, #tpu.memory_space<semaphore_mem>>, %arg14: memref<!tpu.dma_semaphore, #tpu.memory_space<semaphore_mem>>, %arg15: memref<!tpu.dma_semaphore, #tpu.memory_space<semaphore_mem>>, %arg16: memref<!tpu.dma_semaphore, #tpu.memory_space<semaphore_mem>>) attributes {dimension_semantics = [#tpu.dimension_semantics<core_parallel>, #tpu.dimension_semantics<subcore_parallel>], iteration_bounds = array<i64: 2, 16>, scalar_prefetch = 0 : i64, scratch_operands = 12 : i64, tpu.core_type = #tpu.core_type<sc_vector_subcore>, window_params = [{transform_indices = #map}, {transform_indices = #map}, {transform_indices = #map}]} {
    %mul3A = arith.constant 2 : i32
    %mul3A_0 = arith.muli %arg1, %mul3A : i32
    %add3A = arith.addi %mul3A_0, %arg0 : i32
    %mul3A_1 = arith.constant 512 : i32
    %mul3A_2 = arith.muli %add3A, %mul3A_1 : i32
    %add3A_3 = arith.constant 0 : i32
    %add3A_4 = arith.addi %add3A_3, %add3A : i32
    %rem3A = arith.constant 36 : i32
    %rem3A_5 = arith.remsi %add3A_4, %rem3A : i32
    %jit3A = arith.constant 4 : i32
    %div3A = arith.divsi %rem3A_5, %jit3A : i32
    %sign3A = arith.constant 0 : i32
    %sign3A_6 = arith.cmpi sgt, %rem3A_5, %sign3A : i32
    %sign3A_7 = arith.extui %sign3A_6 : i1 to i32
    %sign3A_8 = arith.constant 0 : i32
    %sign3A_9 = arith.cmpi slt, %rem3A_5, %sign3A_8 : i32
    %sign3A_10 = arith.extui %sign3A_9 : i1 to i32
    %sign3A_11 = arith.subi %sign3A_7, %sign3A_10 : i32
    %sign3A_12 = arith.constant 0 : i32
    %sign3A_13 = arith.cmpi sgt, %jit3A, %sign3A_12 : i32
    %sign3A_14 = arith.extui %sign3A_13 : i1 to i32
    %sign3A_15 = arith.constant 0 : i32
    %sign3A_16 = arith.cmpi slt, %jit3A, %sign3A_15 : i32
    %sign3A_17 = arith.extui %sign3A_16 : i1 to i32
    %sign3A_18 = arith.subi %sign3A_14, %sign3A_17 : i32
    %ne3A = arith.cmpi ne, %sign3A_11, %sign3A_18 : i32
    %rem3A_19 = arith.remsi %rem3A_5, %jit3A : i32
    %ne3A_20 = arith.constant 0 : i32
    %ne3A_21 = arith.cmpi ne, %rem3A_19, %ne3A_20 : i32
    %and3A = arith.andi %ne3A, %ne3A_21 : i1
    %sub3A = arith.constant 1 : i32
    %sub3A_22 = arith.subi %div3A, %sub3A : i32
    %select_n3A = arith.select %and3A, %sub3A_22, %div3A : i32
    %jit3A_23 = arith.constant 4 : i32
    %eq3A = arith.constant 0 : i32
    %eq3A_24 = arith.cmpi eq, %jit3A_23, %eq3A : i32
    %jit3A_25 = arith.constant 1 : i32
    %select_n3A_26 = arith.select %eq3A_24, %jit3A_25, %jit3A_23 : i32
    %rem3A_27 = arith.remsi %rem3A_5, %select_n3A_26 : i32
    %ne3A_28 = arith.constant 0 : i32
    %ne3A_29 = arith.cmpi ne, %rem3A_27, %ne3A_28 : i32
    %lt3A = arith.constant 0 : i32
    %lt3A_30 = arith.cmpi slt, %rem3A_27, %lt3A : i32
    %lt3A_31 = arith.constant 0 : i32
    %lt3A_32 = arith.cmpi slt, %select_n3A_26, %lt3A_31 : i32
    %ne3A_33 = arith.xori %lt3A_30, %lt3A_32 : i1
    %and3A_34 = arith.andi %ne3A_33, %ne3A_29 : i1
    %add3A_35 = arith.addi %rem3A_27, %select_n3A_26 : i32
    %select_n3A_36 = arith.select %and3A_34, %add3A_35, %rem3A_27 : i32
    %mul3A_37 = arith.constant 128 : i32
    %mul3A_38 = arith.muli %select_n3A_36, %mul3A_37 : i32
    %add3A_39 = arith.addi %mul3A_2, %mul3A_38 : i32
    %dma_start3A = arith.constant 0 : i32
    %dma_start3A_40 = arith.constant 0 : i32
    %dma_start3A_41 = tpu.memref_slice %arg2[%dma_start3A, %select_n3A, %dma_start3A_40, %add3A_39] : memref<9x9x9x16384xf32, #tpu.memory_space<hbm>> -> memref<9x1x9x128xf32, #tpu.memory_space<hbm>>
    %dma_start3A_42 = tpu.memref_squeeze %dma_start3A_41 : memref<9x1x9x128xf32, #tpu.memory_space<hbm>> -> memref<9x9x128xf32, #tpu.memory_space<hbm>>
    %dma_start3A_43 = arith.constant 0 : i32
    %dma_start3A_44 = arith.constant 0 : i32
    %dma_start3A_45 = tpu.memref_slice %arg2[%dma_start3A_43, %select_n3A, %dma_start3A_44, %add3A_39] : memref<9x9x9x16384xf32, #tpu.memory_space<hbm>> -> memref<9x1x9x128xf32, #tpu.memory_space<hbm>>
    %dma_start3A_46 = tpu.memref_squeeze %dma_start3A_45 : memref<9x1x9x128xf32, #tpu.memory_space<hbm>> -> memref<9x9x128xf32, #tpu.memory_space<hbm>>
    tpu.enqueue_dma source(%dma_start3A_46 : memref<9x9x128xf32, #tpu.memory_space<hbm>>) target(%arg5 : memref<9x9x128xf32, #tpu.memory_space<vmem>>) target_semaphore(%arg11 : memref<!tpu.dma_semaphore, #tpu.memory_space<semaphore_mem>>)
    %add3A_47 = arith.constant 0 : i32
    %add3A_48 = arith.addi %add3A_47, %add3A : i32
    %rem3A_49 = arith.constant 36 : i32
    %rem3A_50 = arith.remsi %add3A_48, %rem3A_49 : i32
    %jit3A_51 = arith.constant 4 : i32
    %div3A_52 = arith.divsi %rem3A_50, %jit3A_51 : i32
    %sign3A_53 = arith.constant 0 : i32
    %sign3A_54 = arith.cmpi sgt, %rem3A_50, %sign3A_53 : i32
    %sign3A_55 = arith.extui %sign3A_54 : i1 to i32
    %sign3A_56 = arith.constant 0 : i32
    %sign3A_57 = arith.cmpi slt, %rem3A_50, %sign3A_56 : i32
    %sign3A_58 = arith.extui %sign3A_57 : i1 to i32
    %sign3A_59 = arith.subi %sign3A_55, %sign3A_58 : i32
    %sign3A_60 = arith.constant 0 : i32
    %sign3A_61 = arith.cmpi sgt, %jit3A_51, %sign3A_60 : i32
    %sign3A_62 = arith.extui %sign3A_61 : i1 to i32
    %sign3A_63 = arith.constant 0 : i32
    %sign3A_64 = arith.cmpi slt, %jit3A_51, %sign3A_63 : i32
    %sign3A_65 = arith.extui %sign3A_64 : i1 to i32
    %sign3A_66 = arith.subi %sign3A_62, %sign3A_65 : i32
    %ne3A_67 = arith.cmpi ne, %sign3A_59, %sign3A_66 : i32
    %rem3A_68 = arith.remsi %rem3A_50, %jit3A_51 : i32
    %ne3A_69 = arith.constant 0 : i32
    %ne3A_70 = arith.cmpi ne, %rem3A_68, %ne3A_69 : i32
    %and3A_71 = arith.andi %ne3A_67, %ne3A_70 : i1
    %sub3A_72 = arith.constant 1 : i32
    %sub3A_73 = arith.subi %div3A_52, %sub3A_72 : i32
    %select_n3A_74 = arith.select %and3A_71, %sub3A_73, %div3A_52 : i32
    %jit3A_75 = arith.constant 4 : i32
    %eq3A_76 = arith.constant 0 : i32
    %eq3A_77 = arith.cmpi eq, %jit3A_75, %eq3A_76 : i32
    %jit3A_78 = arith.constant 1 : i32
    %select_n3A_79 = arith.select %eq3A_77, %jit3A_78, %jit3A_75 : i32
    %rem3A_80 = arith.remsi %rem3A_50, %select_n3A_79 : i32
    %ne3A_81 = arith.constant 0 : i32
    %ne3A_82 = arith.cmpi ne, %rem3A_80, %ne3A_81 : i32
    %lt3A_83 = arith.constant 0 : i32
    %lt3A_84 = arith.cmpi slt, %rem3A_80, %lt3A_83 : i32
    %lt3A_85 = arith.constant 0 : i32
    %lt3A_86 = arith.cmpi slt, %select_n3A_79, %lt3A_85 : i32
    %ne3A_87 = arith.xori %lt3A_84, %lt3A_86 : i1
    %and3A_88 = arith.andi %ne3A_87, %ne3A_82 : i1
    %add3A_89 = arith.addi %rem3A_80, %select_n3A_79 : i32
    %select_n3A_90 = arith.select %and3A_88, %add3A_89, %rem3A_80 : i32
    %mul3A_91 = arith.constant 128 : i32
    %mul3A_92 = arith.muli %select_n3A_90, %mul3A_91 : i32
    %add3A_93 = arith.addi %mul3A_2, %mul3A_92 : i32
    %dma_start3A_94 = arith.constant 0 : i32
    %dma_start3A_95 = arith.constant 0 : i32
    %dma_start3A_96 = tpu.memref_slice %arg3[%dma_start3A_94, %select_n3A_74, %dma_start3A_95, %add3A_93] : memref<9x9x9x16384xf32, #tpu.memory_space<hbm>> -> memref<9x1x9x128xf32, #tpu.memory_space<hbm>>
    %dma_start3A_97 = tpu.memref_squeeze %dma_start3A_96 : memref<9x1x9x128xf32, #tpu.memory_space<hbm>> -> memref<9x9x128xf32, #tpu.memory_space<hbm>>
    %dma_start3A_98 = arith.constant 0 : i32
    %dma_start3A_99 = arith.constant 0 : i32
    %dma_start3A_100 = tpu.memref_slice %arg3[%dma_start3A_98, %select_n3A_74, %dma_start3A_99, %add3A_93] : memref<9x9x9x16384xf32, #tpu.memory_space<hbm>> -> memref<9x1x9x128xf32, #tpu.memory_space<hbm>>
    %dma_start3A_101 = tpu.memref_squeeze %dma_start3A_100 : memref<9x1x9x128xf32, #tpu.memory_space<hbm>> -> memref<9x9x128xf32, #tpu.memory_space<hbm>>
    tpu.enqueue_dma source(%dma_start3A_101 : memref<9x9x128xf32, #tpu.memory_space<hbm>>) target(%arg7 : memref<9x9x128xf32, #tpu.memory_space<vmem>>) target_semaphore(%arg13 : memref<!tpu.dma_semaphore, #tpu.memory_space<semaphore_mem>>)
    %add3A_102 = arith.constant 1 : i32
    %add3A_103 = arith.addi %add3A_102, %add3A : i32
    %rem3A_104 = arith.constant 36 : i32
    %rem3A_105 = arith.remsi %add3A_103, %rem3A_104 : i32
    %jit3A_106 = arith.constant 4 : i32
    %div3A_107 = arith.divsi %rem3A_105, %jit3A_106 : i32
    %sign3A_108 = arith.constant 0 : i32
    %sign3A_109 = arith.cmpi sgt, %rem3A_105, %sign3A_108 : i32
    %sign3A_110 = arith.extui %sign3A_109 : i1 to i32
    %sign3A_111 = arith.constant 0 : i32
    %sign3A_112 = arith.cmpi slt, %rem3A_105, %sign3A_111 : i32
    %sign3A_113 = arith.extui %sign3A_112 : i1 to i32
    %sign3A_114 = arith.subi %sign3A_110, %sign3A_113 : i32
    %sign3A_115 = arith.constant 0 : i32
    %sign3A_116 = arith.cmpi sgt, %jit3A_106, %sign3A_115 : i32
    %sign3A_117 = arith.extui %sign3A_116 : i1 to i32
    %sign3A_118 = arith.constant 0 : i32
    %sign3A_119 = arith.cmpi slt, %jit3A_106, %sign3A_118 : i32
    %sign3A_120 = arith.extui %sign3A_119 : i1 to i32
    %sign3A_121 = arith.subi %sign3A_117, %sign3A_120 : i32
    %ne3A_122 = arith.cmpi ne, %sign3A_114, %sign3A_121 : i32
    %rem3A_123 = arith.remsi %rem3A_105, %jit3A_106 : i32
    %ne3A_124 = arith.constant 0 : i32
    %ne3A_125 = arith.cmpi ne, %rem3A_123, %ne3A_124 : i32
    %and3A_126 = arith.andi %ne3A_122, %ne3A_125 : i1
    %sub3A_127 = arith.constant 1 : i32
    %sub3A_128 = arith.subi %div3A_107, %sub3A_127 : i32
    %select_n3A_129 = arith.select %and3A_126, %sub3A_128, %div3A_107 : i32
    %jit3A_130 = arith.constant 4 : i32
    %eq3A_131 = arith.constant 0 : i32
    %eq3A_132 = arith.cmpi eq, %jit3A_130, %eq3A_131 : i32
    %jit3A_133 = arith.constant 1 : i32
    %select_n3A_134 = arith.select %eq3A_132, %jit3A_133, %jit3A_130 : i32
    %rem3A_135 = arith.remsi %rem3A_105, %select_n3A_134 : i32
    %ne3A_136 = arith.constant 0 : i32
    %ne3A_137 = arith.cmpi ne, %rem3A_135, %ne3A_136 : i32
    %lt3A_138 = arith.constant 0 : i32
    %lt3A_139 = arith.cmpi slt, %rem3A_135, %lt3A_138 : i32
    %lt3A_140 = arith.constant 0 : i32
    %lt3A_141 = arith.cmpi slt, %select_n3A_134, %lt3A_140 : i32
    %ne3A_142 = arith.xori %lt3A_139, %lt3A_141 : i1
    %and3A_143 = arith.andi %ne3A_142, %ne3A_137 : i1
    %add3A_144 = arith.addi %rem3A_135, %select_n3A_134 : i32
    %select_n3A_145 = arith.select %and3A_143, %add3A_144, %rem3A_135 : i32
    %mul3A_146 = arith.constant 128 : i32
    %mul3A_147 = arith.muli %select_n3A_145, %mul3A_146 : i32
    %add3A_148 = arith.addi %mul3A_2, %mul3A_147 : i32
    %dma_start3A_149 = arith.constant 0 : i32
    %dma_start3A_150 = arith.constant 0 : i32
    %dma_start3A_151 = tpu.memref_slice %arg2[%dma_start3A_149, %select_n3A_129, %dma_start3A_150, %add3A_148] : memref<9x9x9x16384xf32, #tpu.memory_space<hbm>> -> memref<9x1x9x128xf32, #tpu.memory_space<hbm>>
    %dma_start3A_152 = tpu.memref_squeeze %dma_start3A_151 : memref<9x1x9x128xf32, #tpu.memory_space<hbm>> -> memref<9x9x128xf32, #tpu.memory_space<hbm>>
    %dma_start3A_153 = arith.constant 0 : i32
    %dma_start3A_154 = arith.constant 0 : i32
    %dma_start3A_155 = tpu.memref_slice %arg2[%dma_start3A_153, %select_n3A_129, %dma_start3A_154, %add3A_148] : memref<9x9x9x16384xf32, #tpu.memory_space<hbm>> -> memref<9x1x9x128xf32, #tpu.memory_space<hbm>>
    %dma_start3A_156 = tpu.memref_squeeze %dma_start3A_155 : memref<9x1x9x128xf32, #tpu.memory_space<hbm>> -> memref<9x9x128xf32, #tpu.memory_space<hbm>>
    tpu.enqueue_dma source(%dma_start3A_156 : memref<9x9x128xf32, #tpu.memory_space<hbm>>) target(%arg6 : memref<9x9x128xf32, #tpu.memory_space<vmem>>) target_semaphore(%arg12 : memref<!tpu.dma_semaphore, #tpu.memory_space<semaphore_mem>>)
    %add3A_157 = arith.constant 1 : i32
    %add3A_158 = arith.addi %add3A_157, %add3A : i32
    %rem3A_159 = arith.constant 36 : i32
    %rem3A_160 = arith.remsi %add3A_158, %rem3A_159 : i32
    %jit3A_161 = arith.constant 4 : i32
    %div3A_162 = arith.divsi %rem3A_160, %jit3A_161 : i32
    %sign3A_163 = arith.constant 0 : i32
    %sign3A_164 = arith.cmpi sgt, %rem3A_160, %sign3A_163 : i32
    %sign3A_165 = arith.extui %sign3A_164 : i1 to i32
    %sign3A_166 = arith.constant 0 : i32
    %sign3A_167 = arith.cmpi slt, %rem3A_160, %sign3A_166 : i32
    %sign3A_168 = arith.extui %sign3A_167 : i1 to i32
    %sign3A_169 = arith.subi %sign3A_165, %sign3A_168 : i32
    %sign3A_170 = arith.constant 0 : i32
    %sign3A_171 = arith.cmpi sgt, %jit3A_161, %sign3A_170 : i32
    %sign3A_172 = arith.extui %sign3A_171 : i1 to i32
    %sign3A_173 = arith.constant 0 : i32
    %sign3A_174 = arith.cmpi slt, %jit3A_161, %sign3A_173 : i32
    %sign3A_175 = arith.extui %sign3A_174 : i1 to i32
    %sign3A_176 = arith.subi %sign3A_172, %sign3A_175 : i32
    %ne3A_177 = arith.cmpi ne, %sign3A_169, %sign3A_176 : i32
    %rem3A_178 = arith.remsi %rem3A_160, %jit3A_161 : i32
    %ne3A_179 = arith.constant 0 : i32
    %ne3A_180 = arith.cmpi ne, %rem3A_178, %ne3A_179 : i32
    %and3A_181 = arith.andi %ne3A_177, %ne3A_180 : i1
    %sub3A_182 = arith.constant 1 : i32
    %sub3A_183 = arith.subi %div3A_162, %sub3A_182 : i32
    %select_n3A_184 = arith.select %and3A_181, %sub3A_183, %div3A_162 : i32
    %jit3A_185 = arith.constant 4 : i32
    %eq3A_186 = arith.constant 0 : i32
    %eq3A_187 = arith.cmpi eq, %jit3A_185, %eq3A_186 : i32
    %jit3A_188 = arith.constant 1 : i32
    %select_n3A_189 = arith.select %eq3A_187, %jit3A_188, %jit3A_185 : i32
    %rem3A_190 = arith.remsi %rem3A_160, %select_n3A_189 : i32
    %ne3A_191 = arith.constant 0 : i32
    %ne3A_192 = arith.cmpi ne, %rem3A_190, %ne3A_191 : i32
    %lt3A_193 = arith.constant 0 : i32
    %lt3A_194 = arith.cmpi slt, %rem3A_190, %lt3A_193 : i32
    %lt3A_195 = arith.constant 0 : i32
    %lt3A_196 = arith.cmpi slt, %select_n3A_189, %lt3A_195 : i32
    %ne3A_197 = arith.xori %lt3A_194, %lt3A_196 : i1
    %and3A_198 = arith.andi %ne3A_197, %ne3A_192 : i1
    %add3A_199 = arith.addi %rem3A_190, %select_n3A_189 : i32
    %select_n3A_200 = arith.select %and3A_198, %add3A_199, %rem3A_190 : i32
    %mul3A_201 = arith.constant 128 : i32
    %mul3A_202 = arith.muli %select_n3A_200, %mul3A_201 : i32
    %add3A_203 = arith.addi %mul3A_2, %mul3A_202 : i32
    %dma_start3A_204 = arith.constant 0 : i32
    %dma_start3A_205 = arith.constant 0 : i32
    %dma_start3A_206 = tpu.memref_slice %arg3[%dma_start3A_204, %select_n3A_184, %dma_start3A_205, %add3A_203] : memref<9x9x9x16384xf32, #tpu.memory_space<hbm>> -> memref<9x1x9x128xf32, #tpu.memory_space<hbm>>
    %dma_start3A_207 = tpu.memref_squeeze %dma_start3A_206 : memref<9x1x9x128xf32, #tpu.memory_space<hbm>> -> memref<9x9x128xf32, #tpu.memory_space<hbm>>
    %dma_start3A_208 = arith.constant 0 : i32
    %dma_start3A_209 = arith.constant 0 : i32
    %dma_start3A_210 = tpu.memref_slice %arg3[%dma_start3A_208, %select_n3A_184, %dma_start3A_209, %add3A_203] : memref<9x9x9x16384xf32, #tpu.memory_space<hbm>> -> memref<9x1x9x128xf32, #tpu.memory_space<hbm>>
    %dma_start3A_211 = tpu.memref_squeeze %dma_start3A_210 : memref<9x1x9x128xf32, #tpu.memory_space<hbm>> -> memref<9x9x128xf32, #tpu.memory_space<hbm>>
    tpu.enqueue_dma source(%dma_start3A_211 : memref<9x9x128xf32, #tpu.memory_space<hbm>>) target(%arg8 : memref<9x9x128xf32, #tpu.memory_space<vmem>>) target_semaphore(%arg14 : memref<!tpu.dma_semaphore, #tpu.memory_space<semaphore_mem>>)
    %scan3A = arith.constant 0 : i32
    %scan3A_212 = arith.constant 0 : i32
    %scan3A_213 = arith.constant 18 : i32
    %scan3A_214 = arith.addi %scan3A_212, %scan3A_213 : i32
    %scan3A_215 = arith.constant 1 : i32
    scf.for %scan3A_326 = %scan3A_212 to %scan3A_214 step %scan3A_215  : i32 {
      %mul3A_327 = arith.constant 2 : i32
      %mul3A_328 = arith.muli %scan3A_326, %mul3A_327 : i32
      %add3A_329 = arith.constant 0 : i32
      %add3A_330 = arith.addi %mul3A_328, %add3A_329 : i32
      %add3A_331 = arith.addi %add3A_330, %add3A : i32
      %rem3A_332 = arith.constant 36 : i32
      %rem3A_333 = arith.remsi %add3A_331, %rem3A_332 : i32
      %jit3A_334 = arith.constant 4 : i32
      %div3A_335 = arith.divsi %rem3A_333, %jit3A_334 : i32
      %sign3A_336 = arith.constant 0 : i32
      %sign3A_337 = arith.cmpi sgt, %rem3A_333, %sign3A_336 : i32
      %sign3A_338 = arith.extui %sign3A_337 : i1 to i32
      %sign3A_339 = arith.constant 0 : i32
      %sign3A_340 = arith.cmpi slt, %rem3A_333, %sign3A_339 : i32
      %sign3A_341 = arith.extui %sign3A_340 : i1 to i32
      %sign3A_342 = arith.subi %sign3A_338, %sign3A_341 : i32
      %sign3A_343 = arith.constant 0 : i32
      %sign3A_344 = arith.cmpi sgt, %jit3A_334, %sign3A_343 : i32
      %sign3A_345 = arith.extui %sign3A_344 : i1 to i32
      %sign3A_346 = arith.constant 0 : i32
      %sign3A_347 = arith.cmpi slt, %jit3A_334, %sign3A_346 : i32
      %sign3A_348 = arith.extui %sign3A_347 : i1 to i32
      %sign3A_349 = arith.subi %sign3A_345, %sign3A_348 : i32
      %ne3A_350 = arith.cmpi ne, %sign3A_342, %sign3A_349 : i32
      %rem3A_351 = arith.remsi %rem3A_333, %jit3A_334 : i32
      %ne3A_352 = arith.constant 0 : i32
      %ne3A_353 = arith.cmpi ne, %rem3A_351, %ne3A_352 : i32
      %and3A_354 = arith.andi %ne3A_350, %ne3A_353 : i1
      %sub3A_355 = arith.constant 1 : i32
      %sub3A_356 = arith.subi %div3A_335, %sub3A_355 : i32
      %select_n3A_357 = arith.select %and3A_354, %sub3A_356, %div3A_335 : i32
      %jit3A_358 = arith.constant 4 : i32
      %eq3A_359 = arith.constant 0 : i32
      %eq3A_360 = arith.cmpi eq, %jit3A_358, %eq3A_359 : i32
      %jit3A_361 = arith.constant 1 : i32
      %select_n3A_362 = arith.select %eq3A_360, %jit3A_361, %jit3A_358 : i32
      %rem3A_363 = arith.remsi %rem3A_333, %select_n3A_362 : i32
      %ne3A_364 = arith.constant 0 : i32
      %ne3A_365 = arith.cmpi ne, %rem3A_363, %ne3A_364 : i32
      %lt3A_366 = arith.constant 0 : i32
      %lt3A_367 = arith.cmpi slt, %rem3A_363, %lt3A_366 : i32
      %lt3A_368 = arith.constant 0 : i32
      %lt3A_369 = arith.cmpi slt, %select_n3A_362, %lt3A_368 : i32
      %ne3A_370 = arith.xori %lt3A_367, %lt3A_369 : i1
      %and3A_371 = arith.andi %ne3A_370, %ne3A_365 : i1
      %add3A_372 = arith.addi %rem3A_363, %select_n3A_362 : i32
      %select_n3A_373 = arith.select %and3A_371, %add3A_372, %rem3A_363 : i32
      %mul3A_374 = arith.constant 128 : i32
      %mul3A_375 = arith.muli %select_n3A_373, %mul3A_374 : i32
      %add3A_376 = arith.addi %mul3A_2, %mul3A_375 : i32
      %dma_wait3A_377 = arith.constant 0 : i32
      %dma_wait3A_378 = arith.constant 0 : i32
      %dma_wait3A_379 = tpu.memref_slice %arg2[%dma_wait3A_377, %select_n3A_357, %dma_wait3A_378, %add3A_376] : memref<9x9x9x16384xf32, #tpu.memory_space<hbm>> -> memref<9x1x9x128xf32, #tpu.memory_space<hbm>>
      %dma_wait3A_380 = tpu.memref_squeeze %dma_wait3A_379 : memref<9x1x9x128xf32, #tpu.memory_space<hbm>> -> memref<9x9x128xf32, #tpu.memory_space<hbm>>
      %dma_wait3A_381 = arith.constant 0 : i32
      %dma_wait3A_382 = arith.constant 0 : i32
      %dma_wait3A_383 = tpu.memref_slice %arg2[%dma_wait3A_381, %select_n3A_357, %dma_wait3A_382, %add3A_376] : memref<9x9x9x16384xf32, #tpu.memory_space<hbm>> -> memref<9x1x9x128xf32, #tpu.memory_space<hbm>>
      %dma_wait3A_384 = tpu.memref_squeeze %dma_wait3A_383 : memref<9x1x9x128xf32, #tpu.memory_space<hbm>> -> memref<9x9x128xf32, #tpu.memory_space<hbm>>
      tpu.wait_dma2 semaphore(%arg11 : memref<!tpu.dma_semaphore, #tpu.memory_space<semaphore_mem>>) src(%dma_wait3A_384 : memref<9x9x128xf32, #tpu.memory_space<hbm>>) dst(%arg5 : memref<9x9x128xf32, #tpu.memory_space<vmem>>)
      %add3A_385 = arith.addi %add3A_330, %add3A : i32
      %rem3A_386 = arith.constant 36 : i32
      %rem3A_387 = arith.remsi %add3A_385, %rem3A_386 : i32
      %jit3A_388 = arith.constant 4 : i32
      %div3A_389 = arith.divsi %rem3A_387, %jit3A_388 : i32
      %sign3A_390 = arith.constant 0 : i32
      %sign3A_391 = arith.cmpi sgt, %rem3A_387, %sign3A_390 : i32
      %sign3A_392 = arith.extui %sign3A_391 : i1 to i32
      %sign3A_393 = arith.constant 0 : i32
      %sign3A_394 = arith.cmpi slt, %rem3A_387, %sign3A_393 : i32
      %sign3A_395 = arith.extui %sign3A_394 : i1 to i32
      %sign3A_396 = arith.subi %sign3A_392, %sign3A_395 : i32
      %sign3A_397 = arith.constant 0 : i32
      %sign3A_398 = arith.cmpi sgt, %jit3A_388, %sign3A_397 : i32
      %sign3A_399 = arith.extui %sign3A_398 : i1 to i32
      %sign3A_400 = arith.constant 0 : i32
      %sign3A_401 = arith.cmpi slt, %jit3A_388, %sign3A_400 : i32
      %sign3A_402 = arith.extui %sign3A_401 : i1 to i32
      %sign3A_403 = arith.subi %sign3A_399, %sign3A_402 : i32
      %ne3A_404 = arith.cmpi ne, %sign3A_396, %sign3A_403 : i32
      %rem3A_405 = arith.remsi %rem3A_387, %jit3A_388 : i32
      %ne3A_406 = arith.constant 0 : i32
      %ne3A_407 = arith.cmpi ne, %rem3A_405, %ne3A_406 : i32
      %and3A_408 = arith.andi %ne3A_404, %ne3A_407 : i1
      %sub3A_409 = arith.constant 1 : i32
      %sub3A_410 = arith.subi %div3A_389, %sub3A_409 : i32
      %select_n3A_411 = arith.select %and3A_408, %sub3A_410, %div3A_389 : i32
      %jit3A_412 = arith.constant 4 : i32
      %eq3A_413 = arith.constant 0 : i32
      %eq3A_414 = arith.cmpi eq, %jit3A_412, %eq3A_413 : i32
      %jit3A_415 = arith.constant 1 : i32
      %select_n3A_416 = arith.select %eq3A_414, %jit3A_415, %jit3A_412 : i32
      %rem3A_417 = arith.remsi %rem3A_387, %select_n3A_416 : i32
      %ne3A_418 = arith.constant 0 : i32
      %ne3A_419 = arith.cmpi ne, %rem3A_417, %ne3A_418 : i32
      %lt3A_420 = arith.constant 0 : i32
      %lt3A_421 = arith.cmpi slt, %rem3A_417, %lt3A_420 : i32
      %lt3A_422 = arith.constant 0 : i32
      %lt3A_423 = arith.cmpi slt, %select_n3A_416, %lt3A_422 : i32
      %ne3A_424 = arith.xori %lt3A_421, %lt3A_423 : i1
      %and3A_425 = arith.andi %ne3A_424, %ne3A_419 : i1
      %add3A_426 = arith.addi %rem3A_417, %select_n3A_416 : i32
      %select_n3A_427 = arith.select %and3A_425, %add3A_426, %rem3A_417 : i32
      %mul3A_428 = arith.constant 128 : i32
      %mul3A_429 = arith.muli %select_n3A_427, %mul3A_428 : i32
      %add3A_430 = arith.addi %mul3A_2, %mul3A_429 : i32
      %dma_wait3A_431 = arith.constant 0 : i32
      %dma_wait3A_432 = arith.constant 0 : i32
      %dma_wait3A_433 = tpu.memref_slice %arg3[%dma_wait3A_431, %select_n3A_411, %dma_wait3A_432, %add3A_430] : memref<9x9x9x16384xf32, #tpu.memory_space<hbm>> -> memref<9x1x9x128xf32, #tpu.memory_space<hbm>>
      %dma_wait3A_434 = tpu.memref_squeeze %dma_wait3A_433 : memref<9x1x9x128xf32, #tpu.memory_space<hbm>> -> memref<9x9x128xf32, #tpu.memory_space<hbm>>
      %dma_wait3A_435 = arith.constant 0 : i32
      %dma_wait3A_436 = arith.constant 0 : i32
      %dma_wait3A_437 = tpu.memref_slice %arg3[%dma_wait3A_435, %select_n3A_411, %dma_wait3A_436, %add3A_430] : memref<9x9x9x16384xf32, #tpu.memory_space<hbm>> -> memref<9x1x9x128xf32, #tpu.memory_space<hbm>>
      %dma_wait3A_438 = tpu.memref_squeeze %dma_wait3A_437 : memref<9x1x9x128xf32, #tpu.memory_space<hbm>> -> memref<9x9x128xf32, #tpu.memory_space<hbm>>
      tpu.wait_dma2 semaphore(%arg13 : memref<!tpu.dma_semaphore, #tpu.memory_space<semaphore_mem>>) src(%dma_wait3A_438 : memref<9x9x128xf32, #tpu.memory_space<hbm>>) dst(%arg7 : memref<9x9x128xf32, #tpu.memory_space<vmem>>)
      %ge3A = arith.constant 2 : i32
      %ge3A_439 = arith.cmpi sge, %add3A_330, %ge3A : i32
      %convert_element_type3A = arith.extui %ge3A_439 : i1 to i32
      %cond3A = arith.constant 0 : i32
      %cond3A_440 = arith.cmpi ne, %convert_element_type3A, %cond3A : i32
      scf.if %cond3A_440 {
        %add3A_685 = arith.addi %add3A_330, %add3A : i32
        %rem3A_686 = arith.constant 36 : i32
        %rem3A_687 = arith.remsi %add3A_685, %rem3A_686 : i32
        %jit3A_688 = arith.constant 4 : i32
        %div3A_689 = arith.divsi %rem3A_687, %jit3A_688 : i32
        %sign3A_690 = arith.constant 0 : i32
        %sign3A_691 = arith.cmpi sgt, %rem3A_687, %sign3A_690 : i32
        %sign3A_692 = arith.extui %sign3A_691 : i1 to i32
        %sign3A_693 = arith.constant 0 : i32
        %sign3A_694 = arith.cmpi slt, %rem3A_687, %sign3A_693 : i32
        %sign3A_695 = arith.extui %sign3A_694 : i1 to i32
        %sign3A_696 = arith.subi %sign3A_692, %sign3A_695 : i32
        %sign3A_697 = arith.constant 0 : i32
        %sign3A_698 = arith.cmpi sgt, %jit3A_688, %sign3A_697 : i32
        %sign3A_699 = arith.extui %sign3A_698 : i1 to i32
        %sign3A_700 = arith.constant 0 : i32
        %sign3A_701 = arith.cmpi slt, %jit3A_688, %sign3A_700 : i32
        %sign3A_702 = arith.extui %sign3A_701 : i1 to i32
        %sign3A_703 = arith.subi %sign3A_699, %sign3A_702 : i32
        %ne3A_704 = arith.cmpi ne, %sign3A_696, %sign3A_703 : i32
        %rem3A_705 = arith.remsi %rem3A_687, %jit3A_688 : i32
        %ne3A_706 = arith.constant 0 : i32
        %ne3A_707 = arith.cmpi ne, %rem3A_705, %ne3A_706 : i32
        %and3A_708 = arith.andi %ne3A_704, %ne3A_707 : i1
        %sub3A_709 = arith.constant 1 : i32
        %sub3A_710 = arith.subi %div3A_689, %sub3A_709 : i32
        %select_n3A_711 = arith.select %and3A_708, %sub3A_710, %div3A_689 : i32
        %jit3A_712 = arith.constant 4 : i32
        %eq3A_713 = arith.constant 0 : i32
        %eq3A_714 = arith.cmpi eq, %jit3A_712, %eq3A_713 : i32
        %jit3A_715 = arith.constant 1 : i32
        %select_n3A_716 = arith.select %eq3A_714, %jit3A_715, %jit3A_712 : i32
        %rem3A_717 = arith.remsi %rem3A_687, %select_n3A_716 : i32
        %ne3A_718 = arith.constant 0 : i32
        %ne3A_719 = arith.cmpi ne, %rem3A_717, %ne3A_718 : i32
        %lt3A_720 = arith.constant 0 : i32
        %lt3A_721 = arith.cmpi slt, %rem3A_717, %lt3A_720 : i32
        %lt3A_722 = arith.constant 0 : i32
        %lt3A_723 = arith.cmpi slt, %select_n3A_716, %lt3A_722 : i32
        %ne3A_724 = arith.xori %lt3A_721, %lt3A_723 : i1
        %and3A_725 = arith.andi %ne3A_724, %ne3A_719 : i1
        %add3A_726 = arith.addi %rem3A_717, %select_n3A_716 : i32
        %select_n3A_727 = arith.select %and3A_725, %add3A_726, %rem3A_717 : i32
        %mul3A_728 = arith.constant 128 : i32
        %mul3A_729 = arith.muli %select_n3A_727, %mul3A_728 : i32
        %add3A_730 = arith.addi %mul3A_2, %mul3A_729 : i32
        %dma_wait3A_731 = arith.constant 0 : i32
        %dma_wait3A_732 = arith.constant 0 : i32
        %dma_wait3A_733 = tpu.memref_slice %arg4[%dma_wait3A_731, %select_n3A_711, %dma_wait3A_732, %add3A_730] : memref<9x9x9x16384xf32, #tpu.memory_space<hbm>> -> memref<9x1x9x128xf32, #tpu.memory_space<hbm>>
        %dma_wait3A_734 = tpu.memref_squeeze %dma_wait3A_733 : memref<9x1x9x128xf32, #tpu.memory_space<hbm>> -> memref<9x9x128xf32, #tpu.memory_space<hbm>>
        %dma_wait3A_735 = arith.constant 0 : i32
        %dma_wait3A_736 = arith.constant 0 : i32
        %dma_wait3A_737 = tpu.memref_slice %arg4[%dma_wait3A_735, %select_n3A_711, %dma_wait3A_736, %add3A_730] : memref<9x9x9x16384xf32, #tpu.memory_space<hbm>> -> memref<9x1x9x128xf32, #tpu.memory_space<hbm>>
        %dma_wait3A_738 = tpu.memref_squeeze %dma_wait3A_737 : memref<9x1x9x128xf32, #tpu.memory_space<hbm>> -> memref<9x9x128xf32, #tpu.memory_space<hbm>>
        tpu.wait_dma2 semaphore(%arg15 : memref<!tpu.dma_semaphore, #tpu.memory_space<semaphore_mem>>) src(%arg9 : memref<9x9x128xf32, #tpu.memory_space<vmem>>) dst(%dma_wait3A_738 : memref<9x9x128xf32, #tpu.memory_space<hbm>>)
      } else {
      }
      %parallel_loop3A = arith.constant 0 : i32
      %parallel_loop3A_441 = arith.constant 72 : i32
      %parallel_loop3A_442 = arith.constant 1 : i32
      scf.for %parallel_loop3A_685 = %parallel_loop3A to %parallel_loop3A_441 step %parallel_loop3A_442  : i32 {
        %parallel_loop3A_686 = arith.constant 8 : i32
        %parallel_loop3A_687 = arith.divsi %parallel_loop3A_685, %parallel_loop3A_686 : i32
        %parallel_loop3A_688 = arith.constant 0 : i32
        %parallel_loop3A_689 = arith.cmpi sgt, %parallel_loop3A_685, %parallel_loop3A_688 : i32
        %parallel_loop3A_690 = arith.extui %parallel_loop3A_689 : i1 to i32
        %parallel_loop3A_691 = arith.constant 0 : i32
        %parallel_loop3A_692 = arith.cmpi slt, %parallel_loop3A_685, %parallel_loop3A_691 : i32
        %parallel_loop3A_693 = arith.extui %parallel_loop3A_692 : i1 to i32
        %parallel_loop3A_694 = arith.subi %parallel_loop3A_690, %parallel_loop3A_693 : i32
        %parallel_loop3A_695 = arith.constant 0 : i32
        %parallel_loop3A_696 = arith.cmpi sgt, %parallel_loop3A_686, %parallel_loop3A_695 : i32
        %parallel_loop3A_697 = arith.extui %parallel_loop3A_696 : i1 to i32
        %parallel_loop3A_698 = arith.constant 0 : i32
        %parallel_loop3A_699 = arith.cmpi slt, %parallel_loop3A_686, %parallel_loop3A_698 : i32
        %parallel_loop3A_700 = arith.extui %parallel_loop3A_699 : i1 to i32
        %parallel_loop3A_701 = arith.subi %parallel_loop3A_697, %parallel_loop3A_700 : i32
        %parallel_loop3A_702 = arith.cmpi ne, %parallel_loop3A_694, %parallel_loop3A_701 : i32
        %parallel_loop3A_703 = arith.remsi %parallel_loop3A_685, %parallel_loop3A_686 : i32
        %parallel_loop3A_704 = arith.constant 0 : i32
        %parallel_loop3A_705 = arith.cmpi ne, %parallel_loop3A_703, %parallel_loop3A_704 : i32
        %parallel_loop3A_706 = arith.andi %parallel_loop3A_702, %parallel_loop3A_705 : i1
        %parallel_loop3A_707 = arith.constant 1 : i32
        %parallel_loop3A_708 = arith.subi %parallel_loop3A_687, %parallel_loop3A_707 : i32
        %parallel_loop3A_709 = arith.select %parallel_loop3A_706, %parallel_loop3A_708, %parallel_loop3A_687 : i32
        %parallel_loop3A_710 = arith.constant 8 : i32
        %parallel_loop3A_711 = arith.constant 0 : i32
        %parallel_loop3A_712 = arith.cmpi eq, %parallel_loop3A_710, %parallel_loop3A_711 : i32
        %parallel_loop3A_713 = arith.constant 1 : i32
        %parallel_loop3A_714 = arith.select %parallel_loop3A_712, %parallel_loop3A_713, %parallel_loop3A_710 : i32
        %parallel_loop3A_715 = arith.remsi %parallel_loop3A_685, %parallel_loop3A_714 : i32
        %parallel_loop3A_716 = arith.constant 0 : i32
        %parallel_loop3A_717 = arith.cmpi ne, %parallel_loop3A_715, %parallel_loop3A_716 : i32
        %parallel_loop3A_718 = arith.constant 0 : i32
        %parallel_loop3A_719 = arith.cmpi slt, %parallel_loop3A_715, %parallel_loop3A_718 : i32
        %parallel_loop3A_720 = arith.constant 0 : i32
        %parallel_loop3A_721 = arith.cmpi slt, %parallel_loop3A_714, %parallel_loop3A_720 : i32
        %parallel_loop3A_722 = arith.xori %parallel_loop3A_719, %parallel_loop3A_721 : i1
        %parallel_loop3A_723 = arith.andi %parallel_loop3A_722, %parallel_loop3A_717 : i1
        %parallel_loop3A_724 = arith.addi %parallel_loop3A_715, %parallel_loop3A_714 : i32
        %parallel_loop3A_725 = arith.select %parallel_loop3A_723, %parallel_loop3A_724, %parallel_loop3A_715 : i32
        %parallel_loop3A_726 = arith.constant 16 : i32
        %parallel_loop3A_727 = arith.muli %parallel_loop3A_725, %parallel_loop3A_726 : i32
        %parallel_loop3A_728 = arith.constant 0 : i32
        %parallel_loop3A_729 = arith.index_cast %parallel_loop3A_728 : i32 to index
        %parallel_loop3A_730 = arith.index_cast %parallel_loop3A_709 : i32 to index
        %parallel_loop3A_731 = arith.index_cast %parallel_loop3A_727 : i32 to index
        %parallel_loop3A_732 = tpu.vector_load %arg5[%parallel_loop3A_729, %parallel_loop3A_730, %parallel_loop3A_731] {strides = array<i32>} : memref<9x9x128xf32, #tpu.memory_space<vmem>>, vector<1x1x16xf32>,
        %parallel_loop3A_733 = vector.shape_cast %parallel_loop3A_732 : vector<1x1x16xf32> to vector<16xf32>
        %parallel_loop3A_734 = arith.constant 1 : i32
        %parallel_loop3A_735 = arith.index_cast %parallel_loop3A_734 : i32 to index
        %parallel_loop3A_736 = arith.index_cast %parallel_loop3A_709 : i32 to index
        %parallel_loop3A_737 = arith.index_cast %parallel_loop3A_727 : i32 to index
        %parallel_loop3A_738 = tpu.vector_load %arg5[%parallel_loop3A_735, %parallel_loop3A_736, %parallel_loop3A_737] {strides = array<i32>} : memref<9x9x128xf32, #tpu.memory_space<vmem>>, vector<1x1x16xf32>,
        %parallel_loop3A_739 = vector.shape_cast %parallel_loop3A_738 : vector<1x1x16xf32> to vector<16xf32>
        %parallel_loop3A_740 = arith.constant 2 : i32
        %parallel_loop3A_741 = arith.index_cast %parallel_loop3A_740 : i32 to index
        %parallel_loop3A_742 = arith.index_cast %parallel_loop3A_709 : i32 to index
        %parallel_loop3A_743 = arith.index_cast %parallel_loop3A_727 : i32 to index
        %parallel_loop3A_744 = tpu.vector_load %arg5[%parallel_loop3A_741, %parallel_loop3A_742, %parallel_loop3A_743] {strides = array<i32>} : memref<9x9x128xf32, #tpu.memory_space<vmem>>, vector<1x1x16xf32>,
        %parallel_loop3A_745 = vector.shape_cast %parallel_loop3A_744 : vector<1x1x16xf32> to vector<16xf32>
        %parallel_loop3A_746 = arith.constant 3 : i32
        %parallel_loop3A_747 = arith.index_cast %parallel_loop3A_746 : i32 to index
        %parallel_loop3A_748 = arith.index_cast %parallel_loop3A_709 : i32 to index
        %parallel_loop3A_749 = arith.index_cast %parallel_loop3A_727 : i32 to index
        %parallel_loop3A_750 = tpu.vector_load %arg5[%parallel_loop3A_747, %parallel_loop3A_748, %parallel_loop3A_749] {strides = array<i32>} : memref<9x9x128xf32, #tpu.memory_space<vmem>>, vector<1x1x16xf32>,
        %parallel_loop3A_751 = vector.shape_cast %parallel_loop3A_750 : vector<1x1x16xf32> to vector<16xf32>
        %parallel_loop3A_752 = arith.constant 4 : i32
        %parallel_loop3A_753 = arith.index_cast %parallel_loop3A_752 : i32 to index
        %parallel_loop3A_754 = arith.index_cast %parallel_loop3A_709 : i32 to index
        %parallel_loop3A_755 = arith.index_cast %parallel_loop3A_727 : i32 to index
        %parallel_loop3A_756 = tpu.vector_load %arg5[%parallel_loop3A_753, %parallel_loop3A_754, %parallel_loop3A_755] {strides = array<i32>} : memref<9x9x128xf32, #tpu.memory_space<vmem>>, vector<1x1x16xf32>,
        %parallel_loop3A_757 = vector.shape_cast %parallel_loop3A_756 : vector<1x1x16xf32> to vector<16xf32>
        %parallel_loop3A_758 = arith.constant 5 : i32
        %parallel_loop3A_759 = arith.index_cast %parallel_loop3A_758 : i32 to index
        %parallel_loop3A_760 = arith.index_cast %parallel_loop3A_709 : i32 to index
        %parallel_loop3A_761 = arith.index_cast %parallel_loop3A_727 : i32 to index
        %parallel_loop3A_762 = tpu.vector_load %arg5[%parallel_loop3A_759, %parallel_loop3A_760, %parallel_loop3A_761] {strides = array<i32>} : memref<9x9x128xf32, #tpu.memory_space<vmem>>, vector<1x1x16xf32>,
        %parallel_loop3A_763 = vector.shape_cast %parallel_loop3A_762 : vector<1x1x16xf32> to vector<16xf32>
        %parallel_loop3A_764 = arith.constant 6 : i32
        %parallel_loop3A_765 = arith.index_cast %parallel_loop3A_764 : i32 to index
        %parallel_loop3A_766 = arith.index_cast %parallel_loop3A_709 : i32 to index
        %parallel_loop3A_767 = arith.index_cast %parallel_loop3A_727 : i32 to index
        %parallel_loop3A_768 = tpu.vector_load %arg5[%parallel_loop3A_765, %parallel_loop3A_766, %parallel_loop3A_767] {strides = array<i32>} : memref<9x9x128xf32, #tpu.memory_space<vmem>>, vector<1x1x16xf32>,
        %parallel_loop3A_769 = vector.shape_cast %parallel_loop3A_768 : vector<1x1x16xf32> to vector<16xf32>
        %parallel_loop3A_770 = arith.constant 7 : i32
        %parallel_loop3A_771 = arith.index_cast %parallel_loop3A_770 : i32 to index
        %parallel_loop3A_772 = arith.index_cast %parallel_loop3A_709 : i32 to index
        %parallel_loop3A_773 = arith.index_cast %parallel_loop3A_727 : i32 to index
        %parallel_loop3A_774 = tpu.vector_load %arg5[%parallel_loop3A_771, %parallel_loop3A_772, %parallel_loop3A_773] {strides = array<i32>} : memref<9x9x128xf32, #tpu.memory_space<vmem>>, vector<1x1x16xf32>,
        %parallel_loop3A_775 = vector.shape_cast %parallel_loop3A_774 : vector<1x1x16xf32> to vector<16xf32>
        %parallel_loop3A_776 = arith.constant 8 : i32
        %parallel_loop3A_777 = arith.index_cast %parallel_loop3A_776 : i32 to index
        %parallel_loop3A_778 = arith.index_cast %parallel_loop3A_709 : i32 to index
        %parallel_loop3A_779 = arith.index_cast %parallel_loop3A_727 : i32 to index
        %parallel_loop3A_780 = tpu.vector_load %arg5[%parallel_loop3A_777, %parallel_loop3A_778, %parallel_loop3A_779] {strides = array<i32>} : memref<9x9x128xf32, #tpu.memory_space<vmem>>, vector<1x1x16xf32>,
        %parallel_loop3A_781 = vector.shape_cast %parallel_loop3A_780 : vector<1x1x16xf32> to vector<16xf32>
        %parallel_loop3A_782 = arith.constant 0.000000e+00 : f32
        %parallel_loop3A_783 = vector.broadcast %parallel_loop3A_782 : f32 to vector<16xf32>
        %parallel_loop3A_784 = arith.cmpf ogt, %parallel_loop3A_739, %parallel_loop3A_733 : vector<16xf32>
        %parallel_loop3A_785 = arith.maximumf %parallel_loop3A_733, %parallel_loop3A_739 : vector<16xf32>
        %parallel_loop3A_786 = arith.constant 1.000000e+00 : f32
        %parallel_loop3A_787 = vector.broadcast %parallel_loop3A_786 : f32 to vector<16xf32>
        %parallel_loop3A_788 = arith.select %parallel_loop3A_784, %parallel_loop3A_787, %parallel_loop3A_783 : vector<16xi1>, vector<16xf32>
        %parallel_loop3A_789 = arith.cmpf ogt, %parallel_loop3A_745, %parallel_loop3A_785 : vector<16xf32>
        %parallel_loop3A_790 = arith.maximumf %parallel_loop3A_785, %parallel_loop3A_745 : vector<16xf32>
        %parallel_loop3A_791 = arith.constant 2.000000e+00 : f32
        %parallel_loop3A_792 = vector.broadcast %parallel_loop3A_791 : f32 to vector<16xf32>
        %parallel_loop3A_793 = arith.select %parallel_loop3A_789, %parallel_loop3A_792, %parallel_loop3A_788 : vector<16xi1>, vector<16xf32>
        %parallel_loop3A_794 = arith.cmpf ogt, %parallel_loop3A_751, %parallel_loop3A_790 : vector<16xf32>
        %parallel_loop3A_795 = arith.maximumf %parallel_loop3A_790, %parallel_loop3A_751 : vector<16xf32>
        %parallel_loop3A_796 = arith.constant 3.000000e+00 : f32
        %parallel_loop3A_797 = vector.broadcast %parallel_loop3A_796 : f32 to vector<16xf32>
        %parallel_loop3A_798 = arith.select %parallel_loop3A_794, %parallel_loop3A_797, %parallel_loop3A_793 : vector<16xi1>, vector<16xf32>
        %parallel_loop3A_799 = arith.cmpf ogt, %parallel_loop3A_757, %parallel_loop3A_795 : vector<16xf32>
        %parallel_loop3A_800 = arith.maximumf %parallel_loop3A_795, %parallel_loop3A_757 : vector<16xf32>
        %parallel_loop3A_801 = arith.constant 4.000000e+00 : f32
        %parallel_loop3A_802 = vector.broadcast %parallel_loop3A_801 : f32 to vector<16xf32>
        %parallel_loop3A_803 = arith.select %parallel_loop3A_799, %parallel_loop3A_802, %parallel_loop3A_798 : vector<16xi1>, vector<16xf32>
        %parallel_loop3A_804 = arith.cmpf ogt, %parallel_loop3A_763, %parallel_loop3A_800 : vector<16xf32>
        %parallel_loop3A_805 = arith.maximumf %parallel_loop3A_800, %parallel_loop3A_763 : vector<16xf32>
        %parallel_loop3A_806 = arith.constant 5.000000e+00 : f32
        %parallel_loop3A_807 = vector.broadcast %parallel_loop3A_806 : f32 to vector<16xf32>
        %parallel_loop3A_808 = arith.select %parallel_loop3A_804, %parallel_loop3A_807, %parallel_loop3A_803 : vector<16xi1>, vector<16xf32>
        %parallel_loop3A_809 = arith.cmpf ogt, %parallel_loop3A_769, %parallel_loop3A_805 : vector<16xf32>
        %parallel_loop3A_810 = arith.maximumf %parallel_loop3A_805, %parallel_loop3A_769 : vector<16xf32>
        %parallel_loop3A_811 = arith.constant 6.000000e+00 : f32
        %parallel_loop3A_812 = vector.broadcast %parallel_loop3A_811 : f32 to vector<16xf32>
        %parallel_loop3A_813 = arith.select %parallel_loop3A_809, %parallel_loop3A_812, %parallel_loop3A_808 : vector<16xi1>, vector<16xf32>
        %parallel_loop3A_814 = arith.cmpf ogt, %parallel_loop3A_775, %parallel_loop3A_810 : vector<16xf32>
        %parallel_loop3A_815 = arith.maximumf %parallel_loop3A_810, %parallel_loop3A_775 : vector<16xf32>
        %parallel_loop3A_816 = arith.constant 7.000000e+00 : f32
        %parallel_loop3A_817 = vector.broadcast %parallel_loop3A_816 : f32 to vector<16xf32>
        %parallel_loop3A_818 = arith.select %parallel_loop3A_814, %parallel_loop3A_817, %parallel_loop3A_813 : vector<16xi1>, vector<16xf32>
        %parallel_loop3A_819 = arith.cmpf ogt, %parallel_loop3A_781, %parallel_loop3A_815 : vector<16xf32>
        %parallel_loop3A_820 = arith.maximumf %parallel_loop3A_815, %parallel_loop3A_781 : vector<16xf32>
        %parallel_loop3A_821 = arith.constant 8.000000e+00 : f32
        %parallel_loop3A_822 = vector.broadcast %parallel_loop3A_821 : f32 to vector<16xf32>
        %parallel_loop3A_823 = arith.select %parallel_loop3A_819, %parallel_loop3A_822, %parallel_loop3A_818 : vector<16xi1>, vector<16xf32>
        %parallel_loop3A_824 = arith.constant 0.000000e+00 : f32
        %parallel_loop3A_825 = vector.broadcast %parallel_loop3A_824 : f32 to vector<16xf32>
        %parallel_loop3A_826 = arith.cmpf oeq, %parallel_loop3A_823, %parallel_loop3A_825 : vector<16xf32>
        %parallel_loop3A_827 = arith.constant 0 : i32
        %parallel_loop3A_828 = arith.index_cast %parallel_loop3A_827 : i32 to index
        %parallel_loop3A_829 = arith.index_cast %parallel_loop3A_709 : i32 to index
        %parallel_loop3A_830 = arith.index_cast %parallel_loop3A_727 : i32 to index
        %parallel_loop3A_831 = tpu.vector_load %arg7[%parallel_loop3A_828, %parallel_loop3A_829, %parallel_loop3A_830] {strides = array<i32>} : memref<9x9x128xf32, #tpu.memory_space<vmem>>, vector<1x1x16xf32>,
        %parallel_loop3A_832 = vector.shape_cast %parallel_loop3A_831 : vector<1x1x16xf32> to vector<16xf32>
        %parallel_loop3A_833 = arith.mulf %parallel_loop3A_733, %parallel_loop3A_832 : vector<16xf32>
        %parallel_loop3A_834 = arith.constant 0.000000e+00 : f32
        %parallel_loop3A_835 = vector.broadcast %parallel_loop3A_834 : f32 to vector<16xf32>
        %parallel_loop3A_836 = arith.select %parallel_loop3A_826, %parallel_loop3A_833, %parallel_loop3A_835 : vector<16xi1>, vector<16xf32>
        %parallel_loop3A_837 = arith.constant 0 : i32
        %parallel_loop3A_838 = arith.index_cast %parallel_loop3A_837 : i32 to index
        %parallel_loop3A_839 = arith.index_cast %parallel_loop3A_709 : i32 to index
        %parallel_loop3A_840 = arith.index_cast %parallel_loop3A_727 : i32 to index
        %parallel_loop3A_841 = tpu.vector_load %arg9[%parallel_loop3A_838, %parallel_loop3A_839, %parallel_loop3A_840] {strides = array<i32>} : memref<9x9x128xf32, #tpu.memory_space<vmem>>, vector<1x1x16xf32>,
        %parallel_loop3A_842 = vector.shape_cast %parallel_loop3A_841 : vector<1x1x16xf32> to vector<16xf32>
        %parallel_loop3A_843 = vector.shape_cast %parallel_loop3A_836 : vector<16xf32> to vector<1x1x16xf32>
        tpu.vector_store %arg9[%parallel_loop3A_838, %parallel_loop3A_839, %parallel_loop3A_840], %parallel_loop3A_843 {strides = array<i32>} : memref<9x9x128xf32, #tpu.memory_space<vmem>>, vector<1x1x16xf32>,
        %parallel_loop3A_844 = arith.constant 1.000000e+00 : f32
        %parallel_loop3A_845 = vector.broadcast %parallel_loop3A_844 : f32 to vector<16xf32>
        %parallel_loop3A_846 = arith.cmpf oeq, %parallel_loop3A_823, %parallel_loop3A_845 : vector<16xf32>
        %parallel_loop3A_847 = arith.constant 1 : i32
        %parallel_loop3A_848 = arith.index_cast %parallel_loop3A_847 : i32 to index
        %parallel_loop3A_849 = arith.index_cast %parallel_loop3A_709 : i32 to index
        %parallel_loop3A_850 = arith.index_cast %parallel_loop3A_727 : i32 to index
        %parallel_loop3A_851 = tpu.vector_load %arg7[%parallel_loop3A_848, %parallel_loop3A_849, %parallel_loop3A_850] {strides = array<i32>} : memref<9x9x128xf32, #tpu.memory_space<vmem>>, vector<1x1x16xf32>,
        %parallel_loop3A_852 = vector.shape_cast %parallel_loop3A_851 : vector<1x1x16xf32> to vector<16xf32>
        %parallel_loop3A_853 = arith.mulf %parallel_loop3A_739, %parallel_loop3A_852 : vector<16xf32>
        %parallel_loop3A_854 = arith.constant 0.000000e+00 : f32
        %parallel_loop3A_855 = vector.broadcast %parallel_loop3A_854 : f32 to vector<16xf32>
        %parallel_loop3A_856 = arith.select %parallel_loop3A_846, %parallel_loop3A_853, %parallel_loop3A_855 : vector<16xi1>, vector<16xf32>
        %parallel_loop3A_857 = arith.constant 1 : i32
        %parallel_loop3A_858 = arith.index_cast %parallel_loop3A_857 : i32 to index
        %parallel_loop3A_859 = arith.index_cast %parallel_loop3A_709 : i32 to index
        %parallel_loop3A_860 = arith.index_cast %parallel_loop3A_727 : i32 to index
        %parallel_loop3A_861 = tpu.vector_load %arg9[%parallel_loop3A_858, %parallel_loop3A_859, %parallel_loop3A_860] {strides = array<i32>} : memref<9x9x128xf32, #tpu.memory_space<vmem>>, vector<1x1x16xf32>,
        %parallel_loop3A_862 = vector.shape_cast %parallel_loop3A_861 : vector<1x1x16xf32> to vector<16xf32>
        %parallel_loop3A_863 = vector.shape_cast %parallel_loop3A_856 : vector<16xf32> to vector<1x1x16xf32>
        tpu.vector_store %arg9[%parallel_loop3A_858, %parallel_loop3A_859, %parallel_loop3A_860], %parallel_loop3A_863 {strides = array<i32>} : memref<9x9x128xf32, #tpu.memory_space<vmem>>, vector<1x1x16xf32>,
        %parallel_loop3A_864 = arith.constant 2.000000e+00 : f32
        %parallel_loop3A_865 = vector.broadcast %parallel_loop3A_864 : f32 to vector<16xf32>
        %parallel_loop3A_866 = arith.cmpf oeq, %parallel_loop3A_823, %parallel_loop3A_865 : vector<16xf32>
        %parallel_loop3A_867 = arith.constant 2 : i32
        %parallel_loop3A_868 = arith.index_cast %parallel_loop3A_867 : i32 to index
        %parallel_loop3A_869 = arith.index_cast %parallel_loop3A_709 : i32 to index
        %parallel_loop3A_870 = arith.index_cast %parallel_loop3A_727 : i32 to index
        %parallel_loop3A_871 = tpu.vector_load %arg7[%parallel_loop3A_868, %parallel_loop3A_869, %parallel_loop3A_870] {strides = array<i32>} : memref<9x9x128xf32, #tpu.memory_space<vmem>>, vector<1x1x16xf32>,
        %parallel_loop3A_872 = vector.shape_cast %parallel_loop3A_871 : vector<1x1x16xf32> to vector<16xf32>
        %parallel_loop3A_873 = arith.mulf %parallel_loop3A_745, %parallel_loop3A_872 : vector<16xf32>
        %parallel_loop3A_874 = arith.constant 0.000000e+00 : f32
        %parallel_loop3A_875 = vector.broadcast %parallel_loop3A_874 : f32 to vector<16xf32>
        %parallel_loop3A_876 = arith.select %parallel_loop3A_866, %parallel_loop3A_873, %parallel_loop3A_875 : vector<16xi1>, vector<16xf32>
        %parallel_loop3A_877 = arith.constant 2 : i32
        %parallel_loop3A_878 = arith.index_cast %parallel_loop3A_877 : i32 to index
        %parallel_loop3A_879 = arith.index_cast %parallel_loop3A_709 : i32 to index
        %parallel_loop3A_880 = arith.index_cast %parallel_loop3A_727 : i32 to index
        %parallel_loop3A_881 = tpu.vector_load %arg9[%parallel_loop3A_878, %parallel_loop3A_879, %parallel_loop3A_880] {strides = array<i32>} : memref<9x9x128xf32, #tpu.memory_space<vmem>>, vector<1x1x16xf32>,
        %parallel_loop3A_882 = vector.shape_cast %parallel_loop3A_881 : vector<1x1x16xf32> to vector<16xf32>
        %parallel_loop3A_883 = vector.shape_cast %parallel_loop3A_876 : vector<16xf32> to vector<1x1x16xf32>
        tpu.vector_store %arg9[%parallel_loop3A_878, %parallel_loop3A_879, %parallel_loop3A_880], %parallel_loop3A_883 {strides = array<i32>} : memref<9x9x128xf32, #tpu.memory_space<vmem>>, vector<1x1x16xf32>,
        %parallel_loop3A_884 = arith.constant 3.000000e+00 : f32
        %parallel_loop3A_885 = vector.broadcast %parallel_loop3A_884 : f32 to vector<16xf32>
        %parallel_loop3A_886 = arith.cmpf oeq, %parallel_loop3A_823, %parallel_loop3A_885 : vector<16xf32>
        %parallel_loop3A_887 = arith.constant 3 : i32
        %parallel_loop3A_888 = arith.index_cast %parallel_loop3A_887 : i32 to index
        %parallel_loop3A_889 = arith.index_cast %parallel_loop3A_709 : i32 to index
        %parallel_loop3A_890 = arith.index_cast %parallel_loop3A_727 : i32 to index
        %parallel_loop3A_891 = tpu.vector_load %arg7[%parallel_loop3A_888, %parallel_loop3A_889, %parallel_loop3A_890] {strides = array<i32>} : memref<9x9x128xf32, #tpu.memory_space<vmem>>, vector<1x1x16xf32>,
        %parallel_loop3A_892 = vector.shape_cast %parallel_loop3A_891 : vector<1x1x16xf32> to vector<16xf32>
        %parallel_loop3A_893 = arith.mulf %parallel_loop3A_751, %parallel_loop3A_892 : vector<16xf32>
        %parallel_loop3A_894 = arith.constant 0.000000e+00 : f32
        %parallel_loop3A_895 = vector.broadcast %parallel_loop3A_894 : f32 to vector<16xf32>
        %parallel_loop3A_896 = arith.select %parallel_loop3A_886, %parallel_loop3A_893, %parallel_loop3A_895 : vector<16xi1>, vector<16xf32>
        %parallel_loop3A_897 = arith.constant 3 : i32
        %parallel_loop3A_898 = arith.index_cast %parallel_loop3A_897 : i32 to index
        %parallel_loop3A_899 = arith.index_cast %parallel_loop3A_709 : i32 to index
        %parallel_loop3A_900 = arith.index_cast %parallel_loop3A_727 : i32 to index
        %parallel_loop3A_901 = tpu.vector_load %arg9[%parallel_loop3A_898, %parallel_loop3A_899, %parallel_loop3A_900] {strides = array<i32>} : memref<9x9x128xf32, #tpu.memory_space<vmem>>, vector<1x1x16xf32>,
        %parallel_loop3A_902 = vector.shape_cast %parallel_loop3A_901 : vector<1x1x16xf32> to vector<16xf32>
        %parallel_loop3A_903 = vector.shape_cast %parallel_loop3A_896 : vector<16xf32> to vector<1x1x16xf32>
        tpu.vector_store %arg9[%parallel_loop3A_898, %parallel_loop3A_899, %parallel_loop3A_900], %parallel_loop3A_903 {strides = array<i32>} : memref<9x9x128xf32, #tpu.memory_space<vmem>>, vector<1x1x16xf32>,
        %parallel_loop3A_904 = arith.constant 4.000000e+00 : f32
        %parallel_loop3A_905 = vector.broadcast %parallel_loop3A_904 : f32 to vector<16xf32>
        %parallel_loop3A_906 = arith.cmpf oeq, %parallel_loop3A_823, %parallel_loop3A_905 : vector<16xf32>
        %parallel_loop3A_907 = arith.constant 4 : i32
        %parallel_loop3A_908 = arith.index_cast %parallel_loop3A_907 : i32 to index
        %parallel_loop3A_909 = arith.index_cast %parallel_loop3A_709 : i32 to index
        %parallel_loop3A_910 = arith.index_cast %parallel_loop3A_727 : i32 to index
        %parallel_loop3A_911 = tpu.vector_load %arg7[%parallel_loop3A_908, %parallel_loop3A_909, %parallel_loop3A_910] {strides = array<i32>} : memref<9x9x128xf32, #tpu.memory_space<vmem>>, vector<1x1x16xf32>,
        %parallel_loop3A_912 = vector.shape_cast %parallel_loop3A_911 : vector<1x1x16xf32> to vector<16xf32>
        %parallel_loop3A_913 = arith.mulf %parallel_loop3A_757, %parallel_loop3A_912 : vector<16xf32>
        %parallel_loop3A_914 = arith.constant 0.000000e+00 : f32
        %parallel_loop3A_915 = vector.broadcast %parallel_loop3A_914 : f32 to vector<16xf32>
        %parallel_loop3A_916 = arith.select %parallel_loop3A_906, %parallel_loop3A_913, %parallel_loop3A_915 : vector<16xi1>, vector<16xf32>
        %parallel_loop3A_917 = arith.constant 4 : i32
        %parallel_loop3A_918 = arith.index_cast %parallel_loop3A_917 : i32 to index
        %parallel_loop3A_919 = arith.index_cast %parallel_loop3A_709 : i32 to index
        %parallel_loop3A_920 = arith.index_cast %parallel_loop3A_727 : i32 to index
        %parallel_loop3A_921 = tpu.vector_load %arg9[%parallel_loop3A_918, %parallel_loop3A_919, %parallel_loop3A_920] {strides = array<i32>} : memref<9x9x128xf32, #tpu.memory_space<vmem>>, vector<1x1x16xf32>,
        %parallel_loop3A_922 = vector.shape_cast %parallel_loop3A_921 : vector<1x1x16xf32> to vector<16xf32>
        %parallel_loop3A_923 = vector.shape_cast %parallel_loop3A_916 : vector<16xf32> to vector<1x1x16xf32>
        tpu.vector_store %arg9[%parallel_loop3A_918, %parallel_loop3A_919, %parallel_loop3A_920], %parallel_loop3A_923 {strides = array<i32>} : memref<9x9x128xf32, #tpu.memory_space<vmem>>, vector<1x1x16xf32>,
        %parallel_loop3A_924 = arith.constant 5.000000e+00 : f32
        %parallel_loop3A_925 = vector.broadcast %parallel_loop3A_924 : f32 to vector<16xf32>
        %parallel_loop3A_926 = arith.cmpf oeq, %parallel_loop3A_823, %parallel_loop3A_925 : vector<16xf32>
        %parallel_loop3A_927 = arith.constant 5 : i32
        %parallel_loop3A_928 = arith.index_cast %parallel_loop3A_927 : i32 to index
        %parallel_loop3A_929 = arith.index_cast %parallel_loop3A_709 : i32 to index
        %parallel_loop3A_930 = arith.index_cast %parallel_loop3A_727 : i32 to index
        %parallel_loop3A_931 = tpu.vector_load %arg7[%parallel_loop3A_928, %parallel_loop3A_929, %parallel_loop3A_930] {strides = array<i32>} : memref<9x9x128xf32, #tpu.memory_space<vmem>>, vector<1x1x16xf32>,
        %parallel_loop3A_932 = vector.shape_cast %parallel_loop3A_931 : vector<1x1x16xf32> to vector<16xf32>
        %parallel_loop3A_933 = arith.mulf %parallel_loop3A_763, %parallel_loop3A_932 : vector<16xf32>
        %parallel_loop3A_934 = arith.constant 0.000000e+00 : f32
        %parallel_loop3A_935 = vector.broadcast %parallel_loop3A_934 : f32 to vector<16xf32>
        %parallel_loop3A_936 = arith.select %parallel_loop3A_926, %parallel_loop3A_933, %parallel_loop3A_935 : vector<16xi1>, vector<16xf32>
        %parallel_loop3A_937 = arith.constant 5 : i32
        %parallel_loop3A_938 = arith.index_cast %parallel_loop3A_937 : i32 to index
        %parallel_loop3A_939 = arith.index_cast %parallel_loop3A_709 : i32 to index
        %parallel_loop3A_940 = arith.index_cast %parallel_loop3A_727 : i32 to index
        %parallel_loop3A_941 = tpu.vector_load %arg9[%parallel_loop3A_938, %parallel_loop3A_939, %parallel_loop3A_940] {strides = array<i32>} : memref<9x9x128xf32, #tpu.memory_space<vmem>>, vector<1x1x16xf32>,
        %parallel_loop3A_942 = vector.shape_cast %parallel_loop3A_941 : vector<1x1x16xf32> to vector<16xf32>
        %parallel_loop3A_943 = vector.shape_cast %parallel_loop3A_936 : vector<16xf32> to vector<1x1x16xf32>
        tpu.vector_store %arg9[%parallel_loop3A_938, %parallel_loop3A_939, %parallel_loop3A_940], %parallel_loop3A_943 {strides = array<i32>} : memref<9x9x128xf32, #tpu.memory_space<vmem>>, vector<1x1x16xf32>,
        %parallel_loop3A_944 = arith.constant 6.000000e+00 : f32
        %parallel_loop3A_945 = vector.broadcast %parallel_loop3A_944 : f32 to vector<16xf32>
        %parallel_loop3A_946 = arith.cmpf oeq, %parallel_loop3A_823, %parallel_loop3A_945 : vector<16xf32>
        %parallel_loop3A_947 = arith.constant 6 : i32
        %parallel_loop3A_948 = arith.index_cast %parallel_loop3A_947 : i32 to index
        %parallel_loop3A_949 = arith.index_cast %parallel_loop3A_709 : i32 to index
        %parallel_loop3A_950 = arith.index_cast %parallel_loop3A_727 : i32 to index
        %parallel_loop3A_951 = tpu.vector_load %arg7[%parallel_loop3A_948, %parallel_loop3A_949, %parallel_loop3A_950] {strides = array<i32>} : memref<9x9x128xf32, #tpu.memory_space<vmem>>, vector<1x1x16xf32>,
        %parallel_loop3A_952 = vector.shape_cast %parallel_loop3A_951 : vector<1x1x16xf32> to vector<16xf32>
        %parallel_loop3A_953 = arith.mulf %parallel_loop3A_769, %parallel_loop3A_952 : vector<16xf32>
        %parallel_loop3A_954 = arith.constant 0.000000e+00 : f32
        %parallel_loop3A_955 = vector.broadcast %parallel_loop3A_954 : f32 to vector<16xf32>
        %parallel_loop3A_956 = arith.select %parallel_loop3A_946, %parallel_loop3A_953, %parallel_loop3A_955 : vector<16xi1>, vector<16xf32>
        %parallel_loop3A_957 = arith.constant 6 : i32
        %parallel_loop3A_958 = arith.index_cast %parallel_loop3A_957 : i32 to index
        %parallel_loop3A_959 = arith.index_cast %parallel_loop3A_709 : i32 to index
        %parallel_loop3A_960 = arith.index_cast %parallel_loop3A_727 : i32 to index
        %parallel_loop3A_961 = tpu.vector_load %arg9[%parallel_loop3A_958, %parallel_loop3A_959, %parallel_loop3A_960] {strides = array<i32>} : memref<9x9x128xf32, #tpu.memory_space<vmem>>, vector<1x1x16xf32>,
        %parallel_loop3A_962 = vector.shape_cast %parallel_loop3A_961 : vector<1x1x16xf32> to vector<16xf32>
        %parallel_loop3A_963 = vector.shape_cast %parallel_loop3A_956 : vector<16xf32> to vector<1x1x16xf32>
        tpu.vector_store %arg9[%parallel_loop3A_958, %parallel_loop3A_959, %parallel_loop3A_960], %parallel_loop3A_963 {strides = array<i32>} : memref<9x9x128xf32, #tpu.memory_space<vmem>>, vector<1x1x16xf32>,
        %parallel_loop3A_964 = arith.constant 7.000000e+00 : f32
        %parallel_loop3A_965 = vector.broadcast %parallel_loop3A_964 : f32 to vector<16xf32>
        %parallel_loop3A_966 = arith.cmpf oeq, %parallel_loop3A_823, %parallel_loop3A_965 : vector<16xf32>
        %parallel_loop3A_967 = arith.constant 7 : i32
        %parallel_loop3A_968 = arith.index_cast %parallel_loop3A_967 : i32 to index
        %parallel_loop3A_969 = arith.index_cast %parallel_loop3A_709 : i32 to index
        %parallel_loop3A_970 = arith.index_cast %parallel_loop3A_727 : i32 to index
        %parallel_loop3A_971 = tpu.vector_load %arg7[%parallel_loop3A_968, %parallel_loop3A_969, %parallel_loop3A_970] {strides = array<i32>} : memref<9x9x128xf32, #tpu.memory_space<vmem>>, vector<1x1x16xf32>,
        %parallel_loop3A_972 = vector.shape_cast %parallel_loop3A_971 : vector<1x1x16xf32> to vector<16xf32>
        %parallel_loop3A_973 = arith.mulf %parallel_loop3A_775, %parallel_loop3A_972 : vector<16xf32>
        %parallel_loop3A_974 = arith.constant 0.000000e+00 : f32
        %parallel_loop3A_975 = vector.broadcast %parallel_loop3A_974 : f32 to vector<16xf32>
        %parallel_loop3A_976 = arith.select %parallel_loop3A_966, %parallel_loop3A_973, %parallel_loop3A_975 : vector<16xi1>, vector<16xf32>
        %parallel_loop3A_977 = arith.constant 7 : i32
        %parallel_loop3A_978 = arith.index_cast %parallel_loop3A_977 : i32 to index
        %parallel_loop3A_979 = arith.index_cast %parallel_loop3A_709 : i32 to index
        %parallel_loop3A_980 = arith.index_cast %parallel_loop3A_727 : i32 to index
        %parallel_loop3A_981 = tpu.vector_load %arg9[%parallel_loop3A_978, %parallel_loop3A_979, %parallel_loop3A_980] {strides = array<i32>} : memref<9x9x128xf32, #tpu.memory_space<vmem>>, vector<1x1x16xf32>,
        %parallel_loop3A_982 = vector.shape_cast %parallel_loop3A_981 : vector<1x1x16xf32> to vector<16xf32>
        %parallel_loop3A_983 = vector.shape_cast %parallel_loop3A_976 : vector<16xf32> to vector<1x1x16xf32>
        tpu.vector_store %arg9[%parallel_loop3A_978, %parallel_loop3A_979, %parallel_loop3A_980], %parallel_loop3A_983 {strides = array<i32>} : memref<9x9x128xf32, #tpu.memory_space<vmem>>, vector<1x1x16xf32>,
        %parallel_loop3A_984 = arith.constant 8.000000e+00 : f32
        %parallel_loop3A_985 = vector.broadcast %parallel_loop3A_984 : f32 to vector<16xf32>
        %parallel_loop3A_986 = arith.cmpf oeq, %parallel_loop3A_823, %parallel_loop3A_985 : vector<16xf32>
        %parallel_loop3A_987 = arith.constant 8 : i32
        %parallel_loop3A_988 = arith.index_cast %parallel_loop3A_987 : i32 to index
        %parallel_loop3A_989 = arith.index_cast %parallel_loop3A_709 : i32 to index
        %parallel_loop3A_990 = arith.index_cast %parallel_loop3A_727 : i32 to index
        %parallel_loop3A_991 = tpu.vector_load %arg7[%parallel_loop3A_988, %parallel_loop3A_989, %parallel_loop3A_990] {strides = array<i32>} : memref<9x9x128xf32, #tpu.memory_space<vmem>>, vector<1x1x16xf32>,
        %parallel_loop3A_992 = vector.shape_cast %parallel_loop3A_991 : vector<1x1x16xf32> to vector<16xf32>
        %parallel_loop3A_993 = arith.mulf %parallel_loop3A_781, %parallel_loop3A_992 : vector<16xf32>
        %parallel_loop3A_994 = arith.constant 0.000000e+00 : f32
        %parallel_loop3A_995 = vector.broadcast %parallel_loop3A_994 : f32 to vector<16xf32>
        %parallel_loop3A_996 = arith.select %parallel_loop3A_986, %parallel_loop3A_993, %parallel_loop3A_995 : vector<16xi1>, vector<16xf32>
        %parallel_loop3A_997 = arith.constant 8 : i32
        %parallel_loop3A_998 = arith.index_cast %parallel_loop3A_997 : i32 to index
        %parallel_loop3A_999 = arith.index_cast %parallel_loop3A_709 : i32 to index
        %parallel_loop3A_1000 = arith.index_cast %parallel_loop3A_727 : i32 to index
        %parallel_loop3A_1001 = tpu.vector_load %arg9[%parallel_loop3A_998, %parallel_loop3A_999, %parallel_loop3A_1000] {strides = array<i32>} : memref<9x9x128xf32, #tpu.memory_space<vmem>>, vector<1x1x16xf32>,
        %parallel_loop3A_1002 = vector.shape_cast %parallel_loop3A_1001 : vector<1x1x16xf32> to vector<16xf32>
        %parallel_loop3A_1003 = vector.shape_cast %parallel_loop3A_996 : vector<16xf32> to vector<1x1x16xf32>
        tpu.vector_store %arg9[%parallel_loop3A_998, %parallel_loop3A_999, %parallel_loop3A_1000], %parallel_loop3A_1003 {strides = array<i32>} : memref<9x9x128xf32, #tpu.memory_space<vmem>>, vector<1x1x16xf32>,
      } {sc.loop_unroll_factor = 1 : i64, sc.parallel_access}
      %add3A_443 = arith.addi %add3A_330, %add3A : i32
      %rem3A_444 = arith.constant 36 : i32
      %rem3A_445 = arith.remsi %add3A_443, %rem3A_444 : i32
      %jit3A_446 = arith.constant 4 : i32
      %div3A_447 = arith.divsi %rem3A_445, %jit3A_446 : i32
      %sign3A_448 = arith.constant 0 : i32
      %sign3A_449 = arith.cmpi sgt, %rem3A_445, %sign3A_448 : i32
      %sign3A_450 = arith.extui %sign3A_449 : i1 to i32
      %sign3A_451 = arith.constant 0 : i32
      %sign3A_452 = arith.cmpi slt, %rem3A_445, %sign3A_451 : i32
      %sign3A_453 = arith.extui %sign3A_452 : i1 to i32
      %sign3A_454 = arith.subi %sign3A_450, %sign3A_453 : i32
      %sign3A_455 = arith.constant 0 : i32
      %sign3A_456 = arith.cmpi sgt, %jit3A_446, %sign3A_455 : i32
      %sign3A_457 = arith.extui %sign3A_456 : i1 to i32
      %sign3A_458 = arith.constant 0 : i32
      %sign3A_459 = arith.cmpi slt, %jit3A_446, %sign3A_458 : i32
      %sign3A_460 = arith.extui %sign3A_459 : i1 to i32
      %sign3A_461 = arith.subi %sign3A_457, %sign3A_460 : i32
      %ne3A_462 = arith.cmpi ne, %sign3A_454, %sign3A_461 : i32
      %rem3A_463 = arith.remsi %rem3A_445, %jit3A_446 : i32
      %ne3A_464 = arith.constant 0 : i32
      %ne3A_465 = arith.cmpi ne, %rem3A_463, %ne3A_464 : i32
      %and3A_466 = arith.andi %ne3A_462, %ne3A_465 : i1
      %sub3A_467 = arith.constant 1 : i32
      %sub3A_468 = arith.subi %div3A_447, %sub3A_467 : i32
      %select_n3A_469 = arith.select %and3A_466, %sub3A_468, %div3A_447 : i32
      %jit3A_470 = arith.constant 4 : i32
      %eq3A_471 = arith.constant 0 : i32
      %eq3A_472 = arith.cmpi eq, %jit3A_470, %eq3A_471 : i32
      %jit3A_473 = arith.constant 1 : i32
      %select_n3A_474 = arith.select %eq3A_472, %jit3A_473, %jit3A_470 : i32
      %rem3A_475 = arith.remsi %rem3A_445, %select_n3A_474 : i32
      %ne3A_476 = arith.constant 0 : i32
      %ne3A_477 = arith.cmpi ne, %rem3A_475, %ne3A_476 : i32
      %lt3A_478 = arith.constant 0 : i32
      %lt3A_479 = arith.cmpi slt, %rem3A_475, %lt3A_478 : i32
      %lt3A_480 = arith.constant 0 : i32
      %lt3A_481 = arith.cmpi slt, %select_n3A_474, %lt3A_480 : i32
      %ne3A_482 = arith.xori %lt3A_479, %lt3A_481 : i1
      %and3A_483 = arith.andi %ne3A_482, %ne3A_477 : i1
      %add3A_484 = arith.addi %rem3A_475, %select_n3A_474 : i32
      %select_n3A_485 = arith.select %and3A_483, %add3A_484, %rem3A_475 : i32
      %mul3A_486 = arith.constant 128 : i32
      %mul3A_487 = arith.muli %select_n3A_485, %mul3A_486 : i32
      %add3A_488 = arith.addi %mul3A_2, %mul3A_487 : i32
      %dma_start3A_489 = arith.constant 0 : i32
      %dma_start3A_490 = arith.constant 0 : i32
      %dma_start3A_491 = tpu.memref_slice %arg4[%dma_start3A_489, %select_n3A_469, %dma_start3A_490, %add3A_488] : memref<9x9x9x16384xf32, #tpu.memory_space<hbm>> -> memref<9x1x9x128xf32, #tpu.memory_space<hbm>>
      %dma_start3A_492 = tpu.memref_squeeze %dma_start3A_491 : memref<9x1x9x128xf32, #tpu.memory_space<hbm>> -> memref<9x9x128xf32, #tpu.memory_space<hbm>>
      %dma_start3A_493 = arith.constant 0 : i32
      %dma_start3A_494 = arith.constant 0 : i32
      %dma_start3A_495 = tpu.memref_slice %arg4[%dma_start3A_493, %select_n3A_469, %dma_start3A_494, %add3A_488] : memref<9x9x9x16384xf32, #tpu.memory_space<hbm>> -> memref<9x1x9x128xf32, #tpu.memory_space<hbm>>
      %dma_start3A_496 = tpu.memref_squeeze %dma_start3A_495 : memref<9x1x9x128xf32, #tpu.memory_space<hbm>> -> memref<9x9x128xf32, #tpu.memory_space<hbm>>
      tpu.enqueue_dma source(%arg9 : memref<9x9x128xf32, #tpu.memory_space<vmem>>) target(%dma_start3A_496 : memref<9x9x128xf32, #tpu.memory_space<hbm>>) target_semaphore(%arg15 : memref<!tpu.dma_semaphore, #tpu.memory_space<semaphore_mem>>)
      %add3A_497 = arith.constant 2 : i32
      %add3A_498 = arith.addi %add3A_330, %add3A_497 : i32
      %lt3A_499 = arith.constant 36 : i32
      %lt3A_500 = arith.cmpi slt, %add3A_498, %lt3A_499 : i32
      %convert_element_type3A_501 = arith.extui %lt3A_500 : i1 to i32
      %cond3A_502 = arith.constant 0 : i32
      %cond3A_503 = arith.cmpi ne, %convert_element_type3A_501, %cond3A_502 : i32
      scf.if %cond3A_503 {
        %add3A_685 = arith.constant 2 : i32
        %add3A_686 = arith.addi %add3A_330, %add3A_685 : i32
        %add3A_687 = arith.addi %add3A_686, %add3A : i32
        %rem3A_688 = arith.constant 36 : i32
        %rem3A_689 = arith.remsi %add3A_687, %rem3A_688 : i32
        %jit3A_690 = arith.constant 4 : i32
        %div3A_691 = arith.divsi %rem3A_689, %jit3A_690 : i32
        %sign3A_692 = arith.constant 0 : i32
        %sign3A_693 = arith.cmpi sgt, %rem3A_689, %sign3A_692 : i32
        %sign3A_694 = arith.extui %sign3A_693 : i1 to i32
        %sign3A_695 = arith.constant 0 : i32
        %sign3A_696 = arith.cmpi slt, %rem3A_689, %sign3A_695 : i32
        %sign3A_697 = arith.extui %sign3A_696 : i1 to i32
        %sign3A_698 = arith.subi %sign3A_694, %sign3A_697 : i32
        %sign3A_699 = arith.constant 0 : i32
        %sign3A_700 = arith.cmpi sgt, %jit3A_690, %sign3A_699 : i32
        %sign3A_701 = arith.extui %sign3A_700 : i1 to i32
        %sign3A_702 = arith.constant 0 : i32
        %sign3A_703 = arith.cmpi slt, %jit3A_690, %sign3A_702 : i32
        %sign3A_704 = arith.extui %sign3A_703 : i1 to i32
        %sign3A_705 = arith.subi %sign3A_701, %sign3A_704 : i32
        %ne3A_706 = arith.cmpi ne, %sign3A_698, %sign3A_705 : i32
        %rem3A_707 = arith.remsi %rem3A_689, %jit3A_690 : i32
        %ne3A_708 = arith.constant 0 : i32
        %ne3A_709 = arith.cmpi ne, %rem3A_707, %ne3A_708 : i32
        %and3A_710 = arith.andi %ne3A_706, %ne3A_709 : i1
        %sub3A_711 = arith.constant 1 : i32
        %sub3A_712 = arith.subi %div3A_691, %sub3A_711 : i32
        %select_n3A_713 = arith.select %and3A_710, %sub3A_712, %div3A_691 : i32
        %jit3A_714 = arith.constant 4 : i32
        %eq3A_715 = arith.constant 0 : i32
        %eq3A_716 = arith.cmpi eq, %jit3A_714, %eq3A_715 : i32
        %jit3A_717 = arith.constant 1 : i32
        %select_n3A_718 = arith.select %eq3A_716, %jit3A_717, %jit3A_714 : i32
        %rem3A_719 = arith.remsi %rem3A_689, %select_n3A_718 : i32
        %ne3A_720 = arith.constant 0 : i32
        %ne3A_721 = arith.cmpi ne, %rem3A_719, %ne3A_720 : i32
        %lt3A_722 = arith.constant 0 : i32
        %lt3A_723 = arith.cmpi slt, %rem3A_719, %lt3A_722 : i32
        %lt3A_724 = arith.constant 0 : i32
        %lt3A_725 = arith.cmpi slt, %select_n3A_718, %lt3A_724 : i32
        %ne3A_726 = arith.xori %lt3A_723, %lt3A_725 : i1
        %and3A_727 = arith.andi %ne3A_726, %ne3A_721 : i1
        %add3A_728 = arith.addi %rem3A_719, %select_n3A_718 : i32
        %select_n3A_729 = arith.select %and3A_727, %add3A_728, %rem3A_719 : i32
        %mul3A_730 = arith.constant 128 : i32
        %mul3A_731 = arith.muli %select_n3A_729, %mul3A_730 : i32
        %add3A_732 = arith.addi %mul3A_2, %mul3A_731 : i32
        %dma_start3A_733 = arith.constant 0 : i32
        %dma_start3A_734 = arith.constant 0 : i32
        %dma_start3A_735 = tpu.memref_slice %arg2[%dma_start3A_733, %select_n3A_713, %dma_start3A_734, %add3A_732] : memref<9x9x9x16384xf32, #tpu.memory_space<hbm>> -> memref<9x1x9x128xf32, #tpu.memory_space<hbm>>
        %dma_start3A_736 = tpu.memref_squeeze %dma_start3A_735 : memref<9x1x9x128xf32, #tpu.memory_space<hbm>> -> memref<9x9x128xf32, #tpu.memory_space<hbm>>
        %dma_start3A_737 = arith.constant 0 : i32
        %dma_start3A_738 = arith.constant 0 : i32
        %dma_start3A_739 = tpu.memref_slice %arg2[%dma_start3A_737, %select_n3A_713, %dma_start3A_738, %add3A_732] : memref<9x9x9x16384xf32, #tpu.memory_space<hbm>> -> memref<9x1x9x128xf32, #tpu.memory_space<hbm>>
        %dma_start3A_740 = tpu.memref_squeeze %dma_start3A_739 : memref<9x1x9x128xf32, #tpu.memory_space<hbm>> -> memref<9x9x128xf32, #tpu.memory_space<hbm>>
        tpu.enqueue_dma source(%dma_start3A_740 : memref<9x9x128xf32, #tpu.memory_space<hbm>>) target(%arg5 : memref<9x9x128xf32, #tpu.memory_space<vmem>>) target_semaphore(%arg11 : memref<!tpu.dma_semaphore, #tpu.memory_space<semaphore_mem>>)
        %add3A_741 = arith.constant 2 : i32
        %add3A_742 = arith.addi %add3A_330, %add3A_741 : i32
        %add3A_743 = arith.addi %add3A_742, %add3A : i32
        %rem3A_744 = arith.constant 36 : i32
        %rem3A_745 = arith.remsi %add3A_743, %rem3A_744 : i32
        %jit3A_746 = arith.constant 4 : i32
        %div3A_747 = arith.divsi %rem3A_745, %jit3A_746 : i32
        %sign3A_748 = arith.constant 0 : i32
        %sign3A_749 = arith.cmpi sgt, %rem3A_745, %sign3A_748 : i32
        %sign3A_750 = arith.extui %sign3A_749 : i1 to i32
        %sign3A_751 = arith.constant 0 : i32
        %sign3A_752 = arith.cmpi slt, %rem3A_745, %sign3A_751 : i32
        %sign3A_753 = arith.extui %sign3A_752 : i1 to i32
        %sign3A_754 = arith.subi %sign3A_750, %sign3A_753 : i32
        %sign3A_755 = arith.constant 0 : i32
        %sign3A_756 = arith.cmpi sgt, %jit3A_746, %sign3A_755 : i32
        %sign3A_757 = arith.extui %sign3A_756 : i1 to i32
        %sign3A_758 = arith.constant 0 : i32
        %sign3A_759 = arith.cmpi slt, %jit3A_746, %sign3A_758 : i32
        %sign3A_760 = arith.extui %sign3A_759 : i1 to i32
        %sign3A_761 = arith.subi %sign3A_757, %sign3A_760 : i32
        %ne3A_762 = arith.cmpi ne, %sign3A_754, %sign3A_761 : i32
        %rem3A_763 = arith.remsi %rem3A_745, %jit3A_746 : i32
        %ne3A_764 = arith.constant 0 : i32
        %ne3A_765 = arith.cmpi ne, %rem3A_763, %ne3A_764 : i32
        %and3A_766 = arith.andi %ne3A_762, %ne3A_765 : i1
        %sub3A_767 = arith.constant 1 : i32
        %sub3A_768 = arith.subi %div3A_747, %sub3A_767 : i32
        %select_n3A_769 = arith.select %and3A_766, %sub3A_768, %div3A_747 : i32
        %jit3A_770 = arith.constant 4 : i32
        %eq3A_771 = arith.constant 0 : i32
        %eq3A_772 = arith.cmpi eq, %jit3A_770, %eq3A_771 : i32
        %jit3A_773 = arith.constant 1 : i32
        %select_n3A_774 = arith.select %eq3A_772, %jit3A_773, %jit3A_770 : i32
        %rem3A_775 = arith.remsi %rem3A_745, %select_n3A_774 : i32
        %ne3A_776 = arith.constant 0 : i32
        %ne3A_777 = arith.cmpi ne, %rem3A_775, %ne3A_776 : i32
        %lt3A_778 = arith.constant 0 : i32
        %lt3A_779 = arith.cmpi slt, %rem3A_775, %lt3A_778 : i32
        %lt3A_780 = arith.constant 0 : i32
        %lt3A_781 = arith.cmpi slt, %select_n3A_774, %lt3A_780 : i32
        %ne3A_782 = arith.xori %lt3A_779, %lt3A_781 : i1
        %and3A_783 = arith.andi %ne3A_782, %ne3A_777 : i1
        %add3A_784 = arith.addi %rem3A_775, %select_n3A_774 : i32
        %select_n3A_785 = arith.select %and3A_783, %add3A_784, %rem3A_775 : i32
        %mul3A_786 = arith.constant 128 : i32
        %mul3A_787 = arith.muli %select_n3A_785, %mul3A_786 : i32
        %add3A_788 = arith.addi %mul3A_2, %mul3A_787 : i32
        %dma_start3A_789 = arith.constant 0 : i32
        %dma_start3A_790 = arith.constant 0 : i32
        %dma_start3A_791 = tpu.memref_slice %arg3[%dma_start3A_789, %select_n3A_769, %dma_start3A_790, %add3A_788] : memref<9x9x9x16384xf32, #tpu.memory_space<hbm>> -> memref<9x1x9x128xf32, #tpu.memory_space<hbm>>
        %dma_start3A_792 = tpu.memref_squeeze %dma_start3A_791 : memref<9x1x9x128xf32, #tpu.memory_space<hbm>> -> memref<9x9x128xf32, #tpu.memory_space<hbm>>
        %dma_start3A_793 = arith.constant 0 : i32
        %dma_start3A_794 = arith.constant 0 : i32
        %dma_start3A_795 = tpu.memref_slice %arg3[%dma_start3A_793, %select_n3A_769, %dma_start3A_794, %add3A_788] : memref<9x9x9x16384xf32, #tpu.memory_space<hbm>> -> memref<9x1x9x128xf32, #tpu.memory_space<hbm>>
        %dma_start3A_796 = tpu.memref_squeeze %dma_start3A_795 : memref<9x1x9x128xf32, #tpu.memory_space<hbm>> -> memref<9x9x128xf32, #tpu.memory_space<hbm>>
        tpu.enqueue_dma source(%dma_start3A_796 : memref<9x9x128xf32, #tpu.memory_space<hbm>>) target(%arg7 : memref<9x9x128xf32, #tpu.memory_space<vmem>>) target_semaphore(%arg13 : memref<!tpu.dma_semaphore, #tpu.memory_space<semaphore_mem>>)
      } else {
      }
      %mul3A_504 = arith.constant 2 : i32
      %mul3A_505 = arith.muli %scan3A_326, %mul3A_504 : i32
      %add3A_506 = arith.constant 1 : i32
      %add3A_507 = arith.addi %mul3A_505, %add3A_506 : i32
      %add3A_508 = arith.addi %add3A_507, %add3A : i32
      %rem3A_509 = arith.constant 36 : i32
      %rem3A_510 = arith.remsi %add3A_508, %rem3A_509 : i32
      %jit3A_511 = arith.constant 4 : i32
      %div3A_512 = arith.divsi %rem3A_510, %jit3A_511 : i32
      %sign3A_513 = arith.constant 0 : i32
      %sign3A_514 = arith.cmpi sgt, %rem3A_510, %sign3A_513 : i32
      %sign3A_515 = arith.extui %sign3A_514 : i1 to i32
      %sign3A_516 = arith.constant 0 : i32
      %sign3A_517 = arith.cmpi slt, %rem3A_510, %sign3A_516 : i32
      %sign3A_518 = arith.extui %sign3A_517 : i1 to i32
      %sign3A_519 = arith.subi %sign3A_515, %sign3A_518 : i32
      %sign3A_520 = arith.constant 0 : i32
      %sign3A_521 = arith.cmpi sgt, %jit3A_511, %sign3A_520 : i32
      %sign3A_522 = arith.extui %sign3A_521 : i1 to i32
      %sign3A_523 = arith.constant 0 : i32
      %sign3A_524 = arith.cmpi slt, %jit3A_511, %sign3A_523 : i32
      %sign3A_525 = arith.extui %sign3A_524 : i1 to i32
      %sign3A_526 = arith.subi %sign3A_522, %sign3A_525 : i32
      %ne3A_527 = arith.cmpi ne, %sign3A_519, %sign3A_526 : i32
      %rem3A_528 = arith.remsi %rem3A_510, %jit3A_511 : i32
      %ne3A_529 = arith.constant 0 : i32
      %ne3A_530 = arith.cmpi ne, %rem3A_528, %ne3A_529 : i32
      %and3A_531 = arith.andi %ne3A_527, %ne3A_530 : i1
      %sub3A_532 = arith.constant 1 : i32
      %sub3A_533 = arith.subi %div3A_512, %sub3A_532 : i32
      %select_n3A_534 = arith.select %and3A_531, %sub3A_533, %div3A_512 : i32
      %jit3A_535 = arith.constant 4 : i32
      %eq3A_536 = arith.constant 0 : i32
      %eq3A_537 = arith.cmpi eq, %jit3A_535, %eq3A_536 : i32
      %jit3A_538 = arith.constant 1 : i32
      %select_n3A_539 = arith.select %eq3A_537, %jit3A_538, %jit3A_535 : i32
      %rem3A_540 = arith.remsi %rem3A_510, %select_n3A_539 : i32
      %ne3A_541 = arith.constant 0 : i32
      %ne3A_542 = arith.cmpi ne, %rem3A_540, %ne3A_541 : i32
      %lt3A_543 = arith.constant 0 : i32
      %lt3A_544 = arith.cmpi slt, %rem3A_540, %lt3A_543 : i32
      %lt3A_545 = arith.constant 0 : i32
      %lt3A_546 = arith.cmpi slt, %select_n3A_539, %lt3A_545 : i32
      %ne3A_547 = arith.xori %lt3A_544, %lt3A_546 : i1
      %and3A_548 = arith.andi %ne3A_547, %ne3A_542 : i1
      %add3A_549 = arith.addi %rem3A_540, %select_n3A_539 : i32
      %select_n3A_550 = arith.select %and3A_548, %add3A_549, %rem3A_540 : i32
      %mul3A_551 = arith.constant 128 : i32
      %mul3A_552 = arith.muli %select_n3A_550, %mul3A_551 : i32
      %add3A_553 = arith.addi %mul3A_2, %mul3A_552 : i32
      %dma_wait3A_554 = arith.constant 0 : i32
      %dma_wait3A_555 = arith.constant 0 : i32
      %dma_wait3A_556 = tpu.memref_slice %arg2[%dma_wait3A_554, %select_n3A_534, %dma_wait3A_555, %add3A_553] : memref<9x9x9x16384xf32, #tpu.memory_space<hbm>> -> memref<9x1x9x128xf32, #tpu.memory_space<hbm>>
      %dma_wait3A_557 = tpu.memref_squeeze %dma_wait3A_556 : memref<9x1x9x128xf32, #tpu.memory_space<hbm>> -> memref<9x9x128xf32, #tpu.memory_space<hbm>>
      %dma_wait3A_558 = arith.constant 0 : i32
      %dma_wait3A_559 = arith.constant 0 : i32
      %dma_wait3A_560 = tpu.memref_slice %arg2[%dma_wait3A_558, %select_n3A_534, %dma_wait3A_559, %add3A_553] : memref<9x9x9x16384xf32, #tpu.memory_space<hbm>> -> memref<9x1x9x128xf32, #tpu.memory_space<hbm>>
      %dma_wait3A_561 = tpu.memref_squeeze %dma_wait3A_560 : memref<9x1x9x128xf32, #tpu.memory_space<hbm>> -> memref<9x9x128xf32, #tpu.memory_space<hbm>>
      tpu.wait_dma2 semaphore(%arg12 : memref<!tpu.dma_semaphore, #tpu.memory_space<semaphore_mem>>) src(%dma_wait3A_561 : memref<9x9x128xf32, #tpu.memory_space<hbm>>) dst(%arg6 : memref<9x9x128xf32, #tpu.memory_space<vmem>>)
      %add3A_562 = arith.addi %add3A_507, %add3A : i32
      %rem3A_563 = arith.constant 36 : i32
      %rem3A_564 = arith.remsi %add3A_562, %rem3A_563 : i32
      %jit3A_565 = arith.constant 4 : i32
      %div3A_566 = arith.divsi %rem3A_564, %jit3A_565 : i32
      %sign3A_567 = arith.constant 0 : i32
      %sign3A_568 = arith.cmpi sgt, %rem3A_564, %sign3A_567 : i32
      %sign3A_569 = arith.extui %sign3A_568 : i1 to i32
      %sign3A_570 = arith.constant 0 : i32
      %sign3A_571 = arith.cmpi slt, %rem3A_564, %sign3A_570 : i32
      %sign3A_572 = arith.extui %sign3A_571 : i1 to i32
      %sign3A_573 = arith.subi %sign3A_569, %sign3A_572 : i32
      %sign3A_574 = arith.constant 0 : i32
      %sign3A_575 = arith.cmpi sgt, %jit3A_565, %sign3A_574 : i32
      %sign3A_576 = arith.extui %sign3A_575 : i1 to i32
      %sign3A_577 = arith.constant 0 : i32
      %sign3A_578 = arith.cmpi slt, %jit3A_565, %sign3A_577 : i32
      %sign3A_579 = arith.extui %sign3A_578 : i1 to i32
      %sign3A_580 = arith.subi %sign3A_576, %sign3A_579 : i32
      %ne3A_581 = arith.cmpi ne, %sign3A_573, %sign3A_580 : i32
      %rem3A_582 = arith.remsi %rem3A_564, %jit3A_565 : i32
      %ne3A_583 = arith.constant 0 : i32
      %ne3A_584 = arith.cmpi ne, %rem3A_582, %ne3A_583 : i32
      %and3A_585 = arith.andi %ne3A_581, %ne3A_584 : i1
      %sub3A_586 = arith.constant 1 : i32
      %sub3A_587 = arith.subi %div3A_566, %sub3A_586 : i32
      %select_n3A_588 = arith.select %and3A_585, %sub3A_587, %div3A_566 : i32
      %jit3A_589 = arith.constant 4 : i32
      %eq3A_590 = arith.constant 0 : i32
      %eq3A_591 = arith.cmpi eq, %jit3A_589, %eq3A_590 : i32
      %jit3A_592 = arith.constant 1 : i32
      %select_n3A_593 = arith.select %eq3A_591, %jit3A_592, %jit3A_589 : i32
      %rem3A_594 = arith.remsi %rem3A_564, %select_n3A_593 : i32
      %ne3A_595 = arith.constant 0 : i32
      %ne3A_596 = arith.cmpi ne, %rem3A_594, %ne3A_595 : i32
      %lt3A_597 = arith.constant 0 : i32
      %lt3A_598 = arith.cmpi slt, %rem3A_594, %lt3A_597 : i32
      %lt3A_599 = arith.constant 0 : i32
      %lt3A_600 = arith.cmpi slt, %select_n3A_593, %lt3A_599 : i32
      %ne3A_601 = arith.xori %lt3A_598, %lt3A_600 : i1
      %and3A_602 = arith.andi %ne3A_601, %ne3A_596 : i1
      %add3A_603 = arith.addi %rem3A_594, %select_n3A_593 : i32
      %select_n3A_604 = arith.select %and3A_602, %add3A_603, %rem3A_594 : i32
      %mul3A_605 = arith.constant 128 : i32
      %mul3A_606 = arith.muli %select_n3A_604, %mul3A_605 : i32
      %add3A_607 = arith.addi %mul3A_2, %mul3A_606 : i32
      %dma_wait3A_608 = arith.constant 0 : i32
      %dma_wait3A_609 = arith.constant 0 : i32
      %dma_wait3A_610 = tpu.memref_slice %arg3[%dma_wait3A_608, %select_n3A_588, %dma_wait3A_609, %add3A_607] : memref<9x9x9x16384xf32, #tpu.memory_space<hbm>> -> memref<9x1x9x128xf32, #tpu.memory_space<hbm>>
      %dma_wait3A_611 = tpu.memref_squeeze %dma_wait3A_610 : memref<9x1x9x128xf32, #tpu.memory_space<hbm>> -> memref<9x9x128xf32, #tpu.memory_space<hbm>>
      %dma_wait3A_612 = arith.constant 0 : i32
      %dma_wait3A_613 = arith.constant 0 : i32
      %dma_wait3A_614 = tpu.memref_slice %arg3[%dma_wait3A_612, %select_n3A_588, %dma_wait3A_613, %add3A_607] : memref<9x9x9x16384xf32, #tpu.memory_space<hbm>> -> memref<9x1x9x128xf32, #tpu.memory_space<hbm>>
      %dma_wait3A_615 = tpu.memref_squeeze %dma_wait3A_614 : memref<9x1x9x128xf32, #tpu.memory_space<hbm>> -> memref<9x9x128xf32, #tpu.memory_space<hbm>>
      tpu.wait_dma2 semaphore(%arg14 : memref<!tpu.dma_semaphore, #tpu.memory_space<semaphore_mem>>) src(%dma_wait3A_615 : memref<9x9x128xf32, #tpu.memory_space<hbm>>) dst(%arg8 : memref<9x9x128xf32, #tpu.memory_space<vmem>>)
      %ge3A_616 = arith.constant 2 : i32
      %ge3A_617 = arith.cmpi sge, %add3A_507, %ge3A_616 : i32
      %convert_element_type3A_618 = arith.extui %ge3A_617 : i1 to i32
      %cond3A_619 = arith.constant 0 : i32
      %cond3A_620 = arith.cmpi ne, %convert_element_type3A_618, %cond3A_619 : i32
      scf.if %cond3A_620 {
        %add3A_685 = arith.addi %add3A_507, %add3A : i32
        %rem3A_686 = arith.constant 36 : i32
        %rem3A_687 = arith.remsi %add3A_685, %rem3A_686 : i32
        %jit3A_688 = arith.constant 4 : i32
        %div3A_689 = arith.divsi %rem3A_687, %jit3A_688 : i32
        %sign3A_690 = arith.constant 0 : i32
        %sign3A_691 = arith.cmpi sgt, %rem3A_687, %sign3A_690 : i32
        %sign3A_692 = arith.extui %sign3A_691 : i1 to i32
        %sign3A_693 = arith.constant 0 : i32
        %sign3A_694 = arith.cmpi slt, %rem3A_687, %sign3A_693 : i32
        %sign3A_695 = arith.extui %sign3A_694 : i1 to i32
        %sign3A_696 = arith.subi %sign3A_692, %sign3A_695 : i32
        %sign3A_697 = arith.constant 0 : i32
        %sign3A_698 = arith.cmpi sgt, %jit3A_688, %sign3A_697 : i32
        %sign3A_699 = arith.extui %sign3A_698 : i1 to i32
        %sign3A_700 = arith.constant 0 : i32
        %sign3A_701 = arith.cmpi slt, %jit3A_688, %sign3A_700 : i32
        %sign3A_702 = arith.extui %sign3A_701 : i1 to i32
        %sign3A_703 = arith.subi %sign3A_699, %sign3A_702 : i32
        %ne3A_704 = arith.cmpi ne, %sign3A_696, %sign3A_703 : i32
        %rem3A_705 = arith.remsi %rem3A_687, %jit3A_688 : i32
        %ne3A_706 = arith.constant 0 : i32
        %ne3A_707 = arith.cmpi ne, %rem3A_705, %ne3A_706 : i32
        %and3A_708 = arith.andi %ne3A_704, %ne3A_707 : i1
        %sub3A_709 = arith.constant 1 : i32
        %sub3A_710 = arith.subi %div3A_689, %sub3A_709 : i32
        %select_n3A_711 = arith.select %and3A_708, %sub3A_710, %div3A_689 : i32
        %jit3A_712 = arith.constant 4 : i32
        %eq3A_713 = arith.constant 0 : i32
        %eq3A_714 = arith.cmpi eq, %jit3A_712, %eq3A_713 : i32
        %jit3A_715 = arith.constant 1 : i32
        %select_n3A_716 = arith.select %eq3A_714, %jit3A_715, %jit3A_712 : i32
        %rem3A_717 = arith.remsi %rem3A_687, %select_n3A_716 : i32
        %ne3A_718 = arith.constant 0 : i32
        %ne3A_719 = arith.cmpi ne, %rem3A_717, %ne3A_718 : i32
        %lt3A_720 = arith.constant 0 : i32
        %lt3A_721 = arith.cmpi slt, %rem3A_717, %lt3A_720 : i32
        %lt3A_722 = arith.constant 0 : i32
        %lt3A_723 = arith.cmpi slt, %select_n3A_716, %lt3A_722 : i32
        %ne3A_724 = arith.xori %lt3A_721, %lt3A_723 : i1
        %and3A_725 = arith.andi %ne3A_724, %ne3A_719 : i1
        %add3A_726 = arith.addi %rem3A_717, %select_n3A_716 : i32
        %select_n3A_727 = arith.select %and3A_725, %add3A_726, %rem3A_717 : i32
        %mul3A_728 = arith.constant 128 : i32
        %mul3A_729 = arith.muli %select_n3A_727, %mul3A_728 : i32
        %add3A_730 = arith.addi %mul3A_2, %mul3A_729 : i32
        %dma_wait3A_731 = arith.constant 0 : i32
        %dma_wait3A_732 = arith.constant 0 : i32
        %dma_wait3A_733 = tpu.memref_slice %arg4[%dma_wait3A_731, %select_n3A_711, %dma_wait3A_732, %add3A_730] : memref<9x9x9x16384xf32, #tpu.memory_space<hbm>> -> memref<9x1x9x128xf32, #tpu.memory_space<hbm>>
        %dma_wait3A_734 = tpu.memref_squeeze %dma_wait3A_733 : memref<9x1x9x128xf32, #tpu.memory_space<hbm>> -> memref<9x9x128xf32, #tpu.memory_space<hbm>>
        %dma_wait3A_735 = arith.constant 0 : i32
        %dma_wait3A_736 = arith.constant 0 : i32
        %dma_wait3A_737 = tpu.memref_slice %arg4[%dma_wait3A_735, %select_n3A_711, %dma_wait3A_736, %add3A_730] : memref<9x9x9x16384xf32, #tpu.memory_space<hbm>> -> memref<9x1x9x128xf32, #tpu.memory_space<hbm>>
        %dma_wait3A_738 = tpu.memref_squeeze %dma_wait3A_737 : memref<9x1x9x128xf32, #tpu.memory_space<hbm>> -> memref<9x9x128xf32, #tpu.memory_space<hbm>>
        tpu.wait_dma2 semaphore(%arg16 : memref<!tpu.dma_semaphore, #tpu.memory_space<semaphore_mem>>) src(%arg10 : memref<9x9x128xf32, #tpu.memory_space<vmem>>) dst(%dma_wait3A_738 : memref<9x9x128xf32, #tpu.memory_space<hbm>>)
      } else {
      }
      %parallel_loop3A_621 = arith.constant 0 : i32
      %parallel_loop3A_622 = arith.constant 72 : i32
      %parallel_loop3A_623 = arith.constant 1 : i32
      scf.for %parallel_loop3A_685 = %parallel_loop3A_621 to %parallel_loop3A_622 step %parallel_loop3A_623  : i32 {
        %parallel_loop3A_686 = arith.constant 8 : i32
        %parallel_loop3A_687 = arith.divsi %parallel_loop3A_685, %parallel_loop3A_686 : i32
        %parallel_loop3A_688 = arith.constant 0 : i32
        %parallel_loop3A_689 = arith.cmpi sgt, %parallel_loop3A_685, %parallel_loop3A_688 : i32
        %parallel_loop3A_690 = arith.extui %parallel_loop3A_689 : i1 to i32
        %parallel_loop3A_691 = arith.constant 0 : i32
        %parallel_loop3A_692 = arith.cmpi slt, %parallel_loop3A_685, %parallel_loop3A_691 : i32
        %parallel_loop3A_693 = arith.extui %parallel_loop3A_692 : i1 to i32
        %parallel_loop3A_694 = arith.subi %parallel_loop3A_690, %parallel_loop3A_693 : i32
        %parallel_loop3A_695 = arith.constant 0 : i32
        %parallel_loop3A_696 = arith.cmpi sgt, %parallel_loop3A_686, %parallel_loop3A_695 : i32
        %parallel_loop3A_697 = arith.extui %parallel_loop3A_696 : i1 to i32
        %parallel_loop3A_698 = arith.constant 0 : i32
        %parallel_loop3A_699 = arith.cmpi slt, %parallel_loop3A_686, %parallel_loop3A_698 : i32
        %parallel_loop3A_700 = arith.extui %parallel_loop3A_699 : i1 to i32
        %parallel_loop3A_701 = arith.subi %parallel_loop3A_697, %parallel_loop3A_700 : i32
        %parallel_loop3A_702 = arith.cmpi ne, %parallel_loop3A_694, %parallel_loop3A_701 : i32
        %parallel_loop3A_703 = arith.remsi %parallel_loop3A_685, %parallel_loop3A_686 : i32
        %parallel_loop3A_704 = arith.constant 0 : i32
        %parallel_loop3A_705 = arith.cmpi ne, %parallel_loop3A_703, %parallel_loop3A_704 : i32
        %parallel_loop3A_706 = arith.andi %parallel_loop3A_702, %parallel_loop3A_705 : i1
        %parallel_loop3A_707 = arith.constant 1 : i32
        %parallel_loop3A_708 = arith.subi %parallel_loop3A_687, %parallel_loop3A_707 : i32
        %parallel_loop3A_709 = arith.select %parallel_loop3A_706, %parallel_loop3A_708, %parallel_loop3A_687 : i32
        %parallel_loop3A_710 = arith.constant 8 : i32
        %parallel_loop3A_711 = arith.constant 0 : i32
        %parallel_loop3A_712 = arith.cmpi eq, %parallel_loop3A_710, %parallel_loop3A_711 : i32
        %parallel_loop3A_713 = arith.constant 1 : i32
        %parallel_loop3A_714 = arith.select %parallel_loop3A_712, %parallel_loop3A_713, %parallel_loop3A_710 : i32
        %parallel_loop3A_715 = arith.remsi %parallel_loop3A_685, %parallel_loop3A_714 : i32
        %parallel_loop3A_716 = arith.constant 0 : i32
        %parallel_loop3A_717 = arith.cmpi ne, %parallel_loop3A_715, %parallel_loop3A_716 : i32
        %parallel_loop3A_718 = arith.constant 0 : i32
        %parallel_loop3A_719 = arith.cmpi slt, %parallel_loop3A_715, %parallel_loop3A_718 : i32
        %parallel_loop3A_720 = arith.constant 0 : i32
        %parallel_loop3A_721 = arith.cmpi slt, %parallel_loop3A_714, %parallel_loop3A_720 : i32
        %parallel_loop3A_722 = arith.xori %parallel_loop3A_719, %parallel_loop3A_721 : i1
        %parallel_loop3A_723 = arith.andi %parallel_loop3A_722, %parallel_loop3A_717 : i1
        %parallel_loop3A_724 = arith.addi %parallel_loop3A_715, %parallel_loop3A_714 : i32
        %parallel_loop3A_725 = arith.select %parallel_loop3A_723, %parallel_loop3A_724, %parallel_loop3A_715 : i32
        %parallel_loop3A_726 = arith.constant 16 : i32
        %parallel_loop3A_727 = arith.muli %parallel_loop3A_725, %parallel_loop3A_726 : i32
        %parallel_loop3A_728 = arith.constant 0 : i32
        %parallel_loop3A_729 = arith.index_cast %parallel_loop3A_728 : i32 to index
        %parallel_loop3A_730 = arith.index_cast %parallel_loop3A_709 : i32 to index
        %parallel_loop3A_731 = arith.index_cast %parallel_loop3A_727 : i32 to index
        %parallel_loop3A_732 = tpu.vector_load %arg6[%parallel_loop3A_729, %parallel_loop3A_730, %parallel_loop3A_731] {strides = array<i32>} : memref<9x9x128xf32, #tpu.memory_space<vmem>>, vector<1x1x16xf32>,
        %parallel_loop3A_733 = vector.shape_cast %parallel_loop3A_732 : vector<1x1x16xf32> to vector<16xf32>
        %parallel_loop3A_734 = arith.constant 1 : i32
        %parallel_loop3A_735 = arith.index_cast %parallel_loop3A_734 : i32 to index
        %parallel_loop3A_736 = arith.index_cast %parallel_loop3A_709 : i32 to index
        %parallel_loop3A_737 = arith.index_cast %parallel_loop3A_727 : i32 to index
        %parallel_loop3A_738 = tpu.vector_load %arg6[%parallel_loop3A_735, %parallel_loop3A_736, %parallel_loop3A_737] {strides = array<i32>} : memref<9x9x128xf32, #tpu.memory_space<vmem>>, vector<1x1x16xf32>,
        %parallel_loop3A_739 = vector.shape_cast %parallel_loop3A_738 : vector<1x1x16xf32> to vector<16xf32>
        %parallel_loop3A_740 = arith.constant 2 : i32
        %parallel_loop3A_741 = arith.index_cast %parallel_loop3A_740 : i32 to index
        %parallel_loop3A_742 = arith.index_cast %parallel_loop3A_709 : i32 to index
        %parallel_loop3A_743 = arith.index_cast %parallel_loop3A_727 : i32 to index
        %parallel_loop3A_744 = tpu.vector_load %arg6[%parallel_loop3A_741, %parallel_loop3A_742, %parallel_loop3A_743] {strides = array<i32>} : memref<9x9x128xf32, #tpu.memory_space<vmem>>, vector<1x1x16xf32>,
        %parallel_loop3A_745 = vector.shape_cast %parallel_loop3A_744 : vector<1x1x16xf32> to vector<16xf32>
        %parallel_loop3A_746 = arith.constant 3 : i32
        %parallel_loop3A_747 = arith.index_cast %parallel_loop3A_746 : i32 to index
        %parallel_loop3A_748 = arith.index_cast %parallel_loop3A_709 : i32 to index
        %parallel_loop3A_749 = arith.index_cast %parallel_loop3A_727 : i32 to index
        %parallel_loop3A_750 = tpu.vector_load %arg6[%parallel_loop3A_747, %parallel_loop3A_748, %parallel_loop3A_749] {strides = array<i32>} : memref<9x9x128xf32, #tpu.memory_space<vmem>>, vector<1x1x16xf32>,
        %parallel_loop3A_751 = vector.shape_cast %parallel_loop3A_750 : vector<1x1x16xf32> to vector<16xf32>
        %parallel_loop3A_752 = arith.constant 4 : i32
        %parallel_loop3A_753 = arith.index_cast %parallel_loop3A_752 : i32 to index
        %parallel_loop3A_754 = arith.index_cast %parallel_loop3A_709 : i32 to index
        %parallel_loop3A_755 = arith.index_cast %parallel_loop3A_727 : i32 to index
        %parallel_loop3A_756 = tpu.vector_load %arg6[%parallel_loop3A_753, %parallel_loop3A_754, %parallel_loop3A_755] {strides = array<i32>} : memref<9x9x128xf32, #tpu.memory_space<vmem>>, vector<1x1x16xf32>,
        %parallel_loop3A_757 = vector.shape_cast %parallel_loop3A_756 : vector<1x1x16xf32> to vector<16xf32>
        %parallel_loop3A_758 = arith.constant 5 : i32
        %parallel_loop3A_759 = arith.index_cast %parallel_loop3A_758 : i32 to index
        %parallel_loop3A_760 = arith.index_cast %parallel_loop3A_709 : i32 to index
        %parallel_loop3A_761 = arith.index_cast %parallel_loop3A_727 : i32 to index
        %parallel_loop3A_762 = tpu.vector_load %arg6[%parallel_loop3A_759, %parallel_loop3A_760, %parallel_loop3A_761] {strides = array<i32>} : memref<9x9x128xf32, #tpu.memory_space<vmem>>, vector<1x1x16xf32>,
        %parallel_loop3A_763 = vector.shape_cast %parallel_loop3A_762 : vector<1x1x16xf32> to vector<16xf32>
        %parallel_loop3A_764 = arith.constant 6 : i32
        %parallel_loop3A_765 = arith.index_cast %parallel_loop3A_764 : i32 to index
        %parallel_loop3A_766 = arith.index_cast %parallel_loop3A_709 : i32 to index
        %parallel_loop3A_767 = arith.index_cast %parallel_loop3A_727 : i32 to index
        %parallel_loop3A_768 = tpu.vector_load %arg6[%parallel_loop3A_765, %parallel_loop3A_766, %parallel_loop3A_767] {strides = array<i32>} : memref<9x9x128xf32, #tpu.memory_space<vmem>>, vector<1x1x16xf32>,
        %parallel_loop3A_769 = vector.shape_cast %parallel_loop3A_768 : vector<1x1x16xf32> to vector<16xf32>
        %parallel_loop3A_770 = arith.constant 7 : i32
        %parallel_loop3A_771 = arith.index_cast %parallel_loop3A_770 : i32 to index
        %parallel_loop3A_772 = arith.index_cast %parallel_loop3A_709 : i32 to index
        %parallel_loop3A_773 = arith.index_cast %parallel_loop3A_727 : i32 to index
        %parallel_loop3A_774 = tpu.vector_load %arg6[%parallel_loop3A_771, %parallel_loop3A_772, %parallel_loop3A_773] {strides = array<i32>} : memref<9x9x128xf32, #tpu.memory_space<vmem>>, vector<1x1x16xf32>,
        %parallel_loop3A_775 = vector.shape_cast %parallel_loop3A_774 : vector<1x1x16xf32> to vector<16xf32>
        %parallel_loop3A_776 = arith.constant 8 : i32
        %parallel_loop3A_777 = arith.index_cast %parallel_loop3A_776 : i32 to index
        %parallel_loop3A_778 = arith.index_cast %parallel_loop3A_709 : i32 to index
        %parallel_loop3A_779 = arith.index_cast %parallel_loop3A_727 : i32 to index
        %parallel_loop3A_780 = tpu.vector_load %arg6[%parallel_loop3A_777, %parallel_loop3A_778, %parallel_loop3A_779] {strides = array<i32>} : memref<9x9x128xf32, #tpu.memory_space<vmem>>, vector<1x1x16xf32>,
        %parallel_loop3A_781 = vector.shape_cast %parallel_loop3A_780 : vector<1x1x16xf32> to vector<16xf32>
        %parallel_loop3A_782 = arith.constant 0.000000e+00 : f32
        %parallel_loop3A_783 = vector.broadcast %parallel_loop3A_782 : f32 to vector<16xf32>
        %parallel_loop3A_784 = arith.cmpf ogt, %parallel_loop3A_739, %parallel_loop3A_733 : vector<16xf32>
        %parallel_loop3A_785 = arith.maximumf %parallel_loop3A_733, %parallel_loop3A_739 : vector<16xf32>
        %parallel_loop3A_786 = arith.constant 1.000000e+00 : f32
        %parallel_loop3A_787 = vector.broadcast %parallel_loop3A_786 : f32 to vector<16xf32>
        %parallel_loop3A_788 = arith.select %parallel_loop3A_784, %parallel_loop3A_787, %parallel_loop3A_783 : vector<16xi1>, vector<16xf32>
        %parallel_loop3A_789 = arith.cmpf ogt, %parallel_loop3A_745, %parallel_loop3A_785 : vector<16xf32>
        %parallel_loop3A_790 = arith.maximumf %parallel_loop3A_785, %parallel_loop3A_745 : vector<16xf32>
        %parallel_loop3A_791 = arith.constant 2.000000e+00 : f32
        %parallel_loop3A_792 = vector.broadcast %parallel_loop3A_791 : f32 to vector<16xf32>
        %parallel_loop3A_793 = arith.select %parallel_loop3A_789, %parallel_loop3A_792, %parallel_loop3A_788 : vector<16xi1>, vector<16xf32>
        %parallel_loop3A_794 = arith.cmpf ogt, %parallel_loop3A_751, %parallel_loop3A_790 : vector<16xf32>
        %parallel_loop3A_795 = arith.maximumf %parallel_loop3A_790, %parallel_loop3A_751 : vector<16xf32>
        %parallel_loop3A_796 = arith.constant 3.000000e+00 : f32
        %parallel_loop3A_797 = vector.broadcast %parallel_loop3A_796 : f32 to vector<16xf32>
        %parallel_loop3A_798 = arith.select %parallel_loop3A_794, %parallel_loop3A_797, %parallel_loop3A_793 : vector<16xi1>, vector<16xf32>
        %parallel_loop3A_799 = arith.cmpf ogt, %parallel_loop3A_757, %parallel_loop3A_795 : vector<16xf32>
        %parallel_loop3A_800 = arith.maximumf %parallel_loop3A_795, %parallel_loop3A_757 : vector<16xf32>
        %parallel_loop3A_801 = arith.constant 4.000000e+00 : f32
        %parallel_loop3A_802 = vector.broadcast %parallel_loop3A_801 : f32 to vector<16xf32>
        %parallel_loop3A_803 = arith.select %parallel_loop3A_799, %parallel_loop3A_802, %parallel_loop3A_798 : vector<16xi1>, vector<16xf32>
        %parallel_loop3A_804 = arith.cmpf ogt, %parallel_loop3A_763, %parallel_loop3A_800 : vector<16xf32>
        %parallel_loop3A_805 = arith.maximumf %parallel_loop3A_800, %parallel_loop3A_763 : vector<16xf32>
        %parallel_loop3A_806 = arith.constant 5.000000e+00 : f32
        %parallel_loop3A_807 = vector.broadcast %parallel_loop3A_806 : f32 to vector<16xf32>
        %parallel_loop3A_808 = arith.select %parallel_loop3A_804, %parallel_loop3A_807, %parallel_loop3A_803 : vector<16xi1>, vector<16xf32>
        %parallel_loop3A_809 = arith.cmpf ogt, %parallel_loop3A_769, %parallel_loop3A_805 : vector<16xf32>
        %parallel_loop3A_810 = arith.maximumf %parallel_loop3A_805, %parallel_loop3A_769 : vector<16xf32>
        %parallel_loop3A_811 = arith.constant 6.000000e+00 : f32
        %parallel_loop3A_812 = vector.broadcast %parallel_loop3A_811 : f32 to vector<16xf32>
        %parallel_loop3A_813 = arith.select %parallel_loop3A_809, %parallel_loop3A_812, %parallel_loop3A_808 : vector<16xi1>, vector<16xf32>
        %parallel_loop3A_814 = arith.cmpf ogt, %parallel_loop3A_775, %parallel_loop3A_810 : vector<16xf32>
        %parallel_loop3A_815 = arith.maximumf %parallel_loop3A_810, %parallel_loop3A_775 : vector<16xf32>
        %parallel_loop3A_816 = arith.constant 7.000000e+00 : f32
        %parallel_loop3A_817 = vector.broadcast %parallel_loop3A_816 : f32 to vector<16xf32>
        %parallel_loop3A_818 = arith.select %parallel_loop3A_814, %parallel_loop3A_817, %parallel_loop3A_813 : vector<16xi1>, vector<16xf32>
        %parallel_loop3A_819 = arith.cmpf ogt, %parallel_loop3A_781, %parallel_loop3A_815 : vector<16xf32>
        %parallel_loop3A_820 = arith.maximumf %parallel_loop3A_815, %parallel_loop3A_781 : vector<16xf32>
        %parallel_loop3A_821 = arith.constant 8.000000e+00 : f32
        %parallel_loop3A_822 = vector.broadcast %parallel_loop3A_821 : f32 to vector<16xf32>
        %parallel_loop3A_823 = arith.select %parallel_loop3A_819, %parallel_loop3A_822, %parallel_loop3A_818 : vector<16xi1>, vector<16xf32>
        %parallel_loop3A_824 = arith.constant 0.000000e+00 : f32
        %parallel_loop3A_825 = vector.broadcast %parallel_loop3A_824 : f32 to vector<16xf32>
        %parallel_loop3A_826 = arith.cmpf oeq, %parallel_loop3A_823, %parallel_loop3A_825 : vector<16xf32>
        %parallel_loop3A_827 = arith.constant 0 : i32
        %parallel_loop3A_828 = arith.index_cast %parallel_loop3A_827 : i32 to index
        %parallel_loop3A_829 = arith.index_cast %parallel_loop3A_709 : i32 to index
        %parallel_loop3A_830 = arith.index_cast %parallel_loop3A_727 : i32 to index
        %parallel_loop3A_831 = tpu.vector_load %arg8[%parallel_loop3A_828, %parallel_loop3A_829, %parallel_loop3A_830] {strides = array<i32>} : memref<9x9x128xf32, #tpu.memory_space<vmem>>, vector<1x1x16xf32>,
        %parallel_loop3A_832 = vector.shape_cast %parallel_loop3A_831 : vector<1x1x16xf32> to vector<16xf32>
        %parallel_loop3A_833 = arith.mulf %parallel_loop3A_733, %parallel_loop3A_832 : vector<16xf32>
        %parallel_loop3A_834 = arith.constant 0.000000e+00 : f32
        %parallel_loop3A_835 = vector.broadcast %parallel_loop3A_834 : f32 to vector<16xf32>
        %parallel_loop3A_836 = arith.select %parallel_loop3A_826, %parallel_loop3A_833, %parallel_loop3A_835 : vector<16xi1>, vector<16xf32>
        %parallel_loop3A_837 = arith.constant 0 : i32
        %parallel_loop3A_838 = arith.index_cast %parallel_loop3A_837 : i32 to index
        %parallel_loop3A_839 = arith.index_cast %parallel_loop3A_709 : i32 to index
        %parallel_loop3A_840 = arith.index_cast %parallel_loop3A_727 : i32 to index
        %parallel_loop3A_841 = tpu.vector_load %arg10[%parallel_loop3A_838, %parallel_loop3A_839, %parallel_loop3A_840] {strides = array<i32>} : memref<9x9x128xf32, #tpu.memory_space<vmem>>, vector<1x1x16xf32>,
        %parallel_loop3A_842 = vector.shape_cast %parallel_loop3A_841 : vector<1x1x16xf32> to vector<16xf32>
        %parallel_loop3A_843 = vector.shape_cast %parallel_loop3A_836 : vector<16xf32> to vector<1x1x16xf32>
        tpu.vector_store %arg10[%parallel_loop3A_838, %parallel_loop3A_839, %parallel_loop3A_840], %parallel_loop3A_843 {strides = array<i32>} : memref<9x9x128xf32, #tpu.memory_space<vmem>>, vector<1x1x16xf32>,
        %parallel_loop3A_844 = arith.constant 1.000000e+00 : f32
        %parallel_loop3A_845 = vector.broadcast %parallel_loop3A_844 : f32 to vector<16xf32>
        %parallel_loop3A_846 = arith.cmpf oeq, %parallel_loop3A_823, %parallel_loop3A_845 : vector<16xf32>
        %parallel_loop3A_847 = arith.constant 1 : i32
        %parallel_loop3A_848 = arith.index_cast %parallel_loop3A_847 : i32 to index
        %parallel_loop3A_849 = arith.index_cast %parallel_loop3A_709 : i32 to index
        %parallel_loop3A_850 = arith.index_cast %parallel_loop3A_727 : i32 to index
        %parallel_loop3A_851 = tpu.vector_load %arg8[%parallel_loop3A_848, %parallel_loop3A_849, %parallel_loop3A_850] {strides = array<i32>} : memref<9x9x128xf32, #tpu.memory_space<vmem>>, vector<1x1x16xf32>,
        %parallel_loop3A_852 = vector.shape_cast %parallel_loop3A_851 : vector<1x1x16xf32> to vector<16xf32>
        %parallel_loop3A_853 = arith.mulf %parallel_loop3A_739, %parallel_loop3A_852 : vector<16xf32>
        %parallel_loop3A_854 = arith.constant 0.000000e+00 : f32
        %parallel_loop3A_855 = vector.broadcast %parallel_loop3A_854 : f32 to vector<16xf32>
        %parallel_loop3A_856 = arith.select %parallel_loop3A_846, %parallel_loop3A_853, %parallel_loop3A_855 : vector<16xi1>, vector<16xf32>
        %parallel_loop3A_857 = arith.constant 1 : i32
        %parallel_loop3A_858 = arith.index_cast %parallel_loop3A_857 : i32 to index
        %parallel_loop3A_859 = arith.index_cast %parallel_loop3A_709 : i32 to index
        %parallel_loop3A_860 = arith.index_cast %parallel_loop3A_727 : i32 to index
        %parallel_loop3A_861 = tpu.vector_load %arg10[%parallel_loop3A_858, %parallel_loop3A_859, %parallel_loop3A_860] {strides = array<i32>} : memref<9x9x128xf32, #tpu.memory_space<vmem>>, vector<1x1x16xf32>,
        %parallel_loop3A_862 = vector.shape_cast %parallel_loop3A_861 : vector<1x1x16xf32> to vector<16xf32>
        %parallel_loop3A_863 = vector.shape_cast %parallel_loop3A_856 : vector<16xf32> to vector<1x1x16xf32>
        tpu.vector_store %arg10[%parallel_loop3A_858, %parallel_loop3A_859, %parallel_loop3A_860], %parallel_loop3A_863 {strides = array<i32>} : memref<9x9x128xf32, #tpu.memory_space<vmem>>, vector<1x1x16xf32>,
        %parallel_loop3A_864 = arith.constant 2.000000e+00 : f32
        %parallel_loop3A_865 = vector.broadcast %parallel_loop3A_864 : f32 to vector<16xf32>
        %parallel_loop3A_866 = arith.cmpf oeq, %parallel_loop3A_823, %parallel_loop3A_865 : vector<16xf32>
        %parallel_loop3A_867 = arith.constant 2 : i32
        %parallel_loop3A_868 = arith.index_cast %parallel_loop3A_867 : i32 to index
        %parallel_loop3A_869 = arith.index_cast %parallel_loop3A_709 : i32 to index
        %parallel_loop3A_870 = arith.index_cast %parallel_loop3A_727 : i32 to index
        %parallel_loop3A_871 = tpu.vector_load %arg8[%parallel_loop3A_868, %parallel_loop3A_869, %parallel_loop3A_870] {strides = array<i32>} : memref<9x9x128xf32, #tpu.memory_space<vmem>>, vector<1x1x16xf32>,
        %parallel_loop3A_872 = vector.shape_cast %parallel_loop3A_871 : vector<1x1x16xf32> to vector<16xf32>
        %parallel_loop3A_873 = arith.mulf %parallel_loop3A_745, %parallel_loop3A_872 : vector<16xf32>
        %parallel_loop3A_874 = arith.constant 0.000000e+00 : f32
        %parallel_loop3A_875 = vector.broadcast %parallel_loop3A_874 : f32 to vector<16xf32>
        %parallel_loop3A_876 = arith.select %parallel_loop3A_866, %parallel_loop3A_873, %parallel_loop3A_875 : vector<16xi1>, vector<16xf32>
        %parallel_loop3A_877 = arith.constant 2 : i32
        %parallel_loop3A_878 = arith.index_cast %parallel_loop3A_877 : i32 to index
        %parallel_loop3A_879 = arith.index_cast %parallel_loop3A_709 : i32 to index
        %parallel_loop3A_880 = arith.index_cast %parallel_loop3A_727 : i32 to index
        %parallel_loop3A_881 = tpu.vector_load %arg10[%parallel_loop3A_878, %parallel_loop3A_879, %parallel_loop3A_880] {strides = array<i32>} : memref<9x9x128xf32, #tpu.memory_space<vmem>>, vector<1x1x16xf32>,
        %parallel_loop3A_882 = vector.shape_cast %parallel_loop3A_881 : vector<1x1x16xf32> to vector<16xf32>
        %parallel_loop3A_883 = vector.shape_cast %parallel_loop3A_876 : vector<16xf32> to vector<1x1x16xf32>
        tpu.vector_store %arg10[%parallel_loop3A_878, %parallel_loop3A_879, %parallel_loop3A_880], %parallel_loop3A_883 {strides = array<i32>} : memref<9x9x128xf32, #tpu.memory_space<vmem>>, vector<1x1x16xf32>,
        %parallel_loop3A_884 = arith.constant 3.000000e+00 : f32
        %parallel_loop3A_885 = vector.broadcast %parallel_loop3A_884 : f32 to vector<16xf32>
        %parallel_loop3A_886 = arith.cmpf oeq, %parallel_loop3A_823, %parallel_loop3A_885 : vector<16xf32>
        %parallel_loop3A_887 = arith.constant 3 : i32
        %parallel_loop3A_888 = arith.index_cast %parallel_loop3A_887 : i32 to index
        %parallel_loop3A_889 = arith.index_cast %parallel_loop3A_709 : i32 to index
        %parallel_loop3A_890 = arith.index_cast %parallel_loop3A_727 : i32 to index
        %parallel_loop3A_891 = tpu.vector_load %arg8[%parallel_loop3A_888, %parallel_loop3A_889, %parallel_loop3A_890] {strides = array<i32>} : memref<9x9x128xf32, #tpu.memory_space<vmem>>, vector<1x1x16xf32>,
        %parallel_loop3A_892 = vector.shape_cast %parallel_loop3A_891 : vector<1x1x16xf32> to vector<16xf32>
        %parallel_loop3A_893 = arith.mulf %parallel_loop3A_751, %parallel_loop3A_892 : vector<16xf32>
        %parallel_loop3A_894 = arith.constant 0.000000e+00 : f32
        %parallel_loop3A_895 = vector.broadcast %parallel_loop3A_894 : f32 to vector<16xf32>
        %parallel_loop3A_896 = arith.select %parallel_loop3A_886, %parallel_loop3A_893, %parallel_loop3A_895 : vector<16xi1>, vector<16xf32>
        %parallel_loop3A_897 = arith.constant 3 : i32
        %parallel_loop3A_898 = arith.index_cast %parallel_loop3A_897 : i32 to index
        %parallel_loop3A_899 = arith.index_cast %parallel_loop3A_709 : i32 to index
        %parallel_loop3A_900 = arith.index_cast %parallel_loop3A_727 : i32 to index
        %parallel_loop3A_901 = tpu.vector_load %arg10[%parallel_loop3A_898, %parallel_loop3A_899, %parallel_loop3A_900] {strides = array<i32>} : memref<9x9x128xf32, #tpu.memory_space<vmem>>, vector<1x1x16xf32>,
        %parallel_loop3A_902 = vector.shape_cast %parallel_loop3A_901 : vector<1x1x16xf32> to vector<16xf32>
        %parallel_loop3A_903 = vector.shape_cast %parallel_loop3A_896 : vector<16xf32> to vector<1x1x16xf32>
        tpu.vector_store %arg10[%parallel_loop3A_898, %parallel_loop3A_899, %parallel_loop3A_900], %parallel_loop3A_903 {strides = array<i32>} : memref<9x9x128xf32, #tpu.memory_space<vmem>>, vector<1x1x16xf32>,
        %parallel_loop3A_904 = arith.constant 4.000000e+00 : f32
        %parallel_loop3A_905 = vector.broadcast %parallel_loop3A_904 : f32 to vector<16xf32>
        %parallel_loop3A_906 = arith.cmpf oeq, %parallel_loop3A_823, %parallel_loop3A_905 : vector<16xf32>
        %parallel_loop3A_907 = arith.constant 4 : i32
        %parallel_loop3A_908 = arith.index_cast %parallel_loop3A_907 : i32 to index
        %parallel_loop3A_909 = arith.index_cast %parallel_loop3A_709 : i32 to index
        %parallel_loop3A_910 = arith.index_cast %parallel_loop3A_727 : i32 to index
        %parallel_loop3A_911 = tpu.vector_load %arg8[%parallel_loop3A_908, %parallel_loop3A_909, %parallel_loop3A_910] {strides = array<i32>} : memref<9x9x128xf32, #tpu.memory_space<vmem>>, vector<1x1x16xf32>,
        %parallel_loop3A_912 = vector.shape_cast %parallel_loop3A_911 : vector<1x1x16xf32> to vector<16xf32>
        %parallel_loop3A_913 = arith.mulf %parallel_loop3A_757, %parallel_loop3A_912 : vector<16xf32>
        %parallel_loop3A_914 = arith.constant 0.000000e+00 : f32
        %parallel_loop3A_915 = vector.broadcast %parallel_loop3A_914 : f32 to vector<16xf32>
        %parallel_loop3A_916 = arith.select %parallel_loop3A_906, %parallel_loop3A_913, %parallel_loop3A_915 : vector<16xi1>, vector<16xf32>
        %parallel_loop3A_917 = arith.constant 4 : i32
        %parallel_loop3A_918 = arith.index_cast %parallel_loop3A_917 : i32 to index
        %parallel_loop3A_919 = arith.index_cast %parallel_loop3A_709 : i32 to index
        %parallel_loop3A_920 = arith.index_cast %parallel_loop3A_727 : i32 to index
        %parallel_loop3A_921 = tpu.vector_load %arg10[%parallel_loop3A_918, %parallel_loop3A_919, %parallel_loop3A_920] {strides = array<i32>} : memref<9x9x128xf32, #tpu.memory_space<vmem>>, vector<1x1x16xf32>,
        %parallel_loop3A_922 = vector.shape_cast %parallel_loop3A_921 : vector<1x1x16xf32> to vector<16xf32>
        %parallel_loop3A_923 = vector.shape_cast %parallel_loop3A_916 : vector<16xf32> to vector<1x1x16xf32>
        tpu.vector_store %arg10[%parallel_loop3A_918, %parallel_loop3A_919, %parallel_loop3A_920], %parallel_loop3A_923 {strides = array<i32>} : memref<9x9x128xf32, #tpu.memory_space<vmem>>, vector<1x1x16xf32>,
        %parallel_loop3A_924 = arith.constant 5.000000e+00 : f32
        %parallel_loop3A_925 = vector.broadcast %parallel_loop3A_924 : f32 to vector<16xf32>
        %parallel_loop3A_926 = arith.cmpf oeq, %parallel_loop3A_823, %parallel_loop3A_925 : vector<16xf32>
        %parallel_loop3A_927 = arith.constant 5 : i32
        %parallel_loop3A_928 = arith.index_cast %parallel_loop3A_927 : i32 to index
        %parallel_loop3A_929 = arith.index_cast %parallel_loop3A_709 : i32 to index
        %parallel_loop3A_930 = arith.index_cast %parallel_loop3A_727 : i32 to index
        %parallel_loop3A_931 = tpu.vector_load %arg8[%parallel_loop3A_928, %parallel_loop3A_929, %parallel_loop3A_930] {strides = array<i32>} : memref<9x9x128xf32, #tpu.memory_space<vmem>>, vector<1x1x16xf32>,
        %parallel_loop3A_932 = vector.shape_cast %parallel_loop3A_931 : vector<1x1x16xf32> to vector<16xf32>
        %parallel_loop3A_933 = arith.mulf %parallel_loop3A_763, %parallel_loop3A_932 : vector<16xf32>
        %parallel_loop3A_934 = arith.constant 0.000000e+00 : f32
        %parallel_loop3A_935 = vector.broadcast %parallel_loop3A_934 : f32 to vector<16xf32>
        %parallel_loop3A_936 = arith.select %parallel_loop3A_926, %parallel_loop3A_933, %parallel_loop3A_935 : vector<16xi1>, vector<16xf32>
        %parallel_loop3A_937 = arith.constant 5 : i32
        %parallel_loop3A_938 = arith.index_cast %parallel_loop3A_937 : i32 to index
        %parallel_loop3A_939 = arith.index_cast %parallel_loop3A_709 : i32 to index
        %parallel_loop3A_940 = arith.index_cast %parallel_loop3A_727 : i32 to index
        %parallel_loop3A_941 = tpu.vector_load %arg10[%parallel_loop3A_938, %parallel_loop3A_939, %parallel_loop3A_940] {strides = array<i32>} : memref<9x9x128xf32, #tpu.memory_space<vmem>>, vector<1x1x16xf32>,
        %parallel_loop3A_942 = vector.shape_cast %parallel_loop3A_941 : vector<1x1x16xf32> to vector<16xf32>
        %parallel_loop3A_943 = vector.shape_cast %parallel_loop3A_936 : vector<16xf32> to vector<1x1x16xf32>
        tpu.vector_store %arg10[%parallel_loop3A_938, %parallel_loop3A_939, %parallel_loop3A_940], %parallel_loop3A_943 {strides = array<i32>} : memref<9x9x128xf32, #tpu.memory_space<vmem>>, vector<1x1x16xf32>,
        %parallel_loop3A_944 = arith.constant 6.000000e+00 : f32
        %parallel_loop3A_945 = vector.broadcast %parallel_loop3A_944 : f32 to vector<16xf32>
        %parallel_loop3A_946 = arith.cmpf oeq, %parallel_loop3A_823, %parallel_loop3A_945 : vector<16xf32>
        %parallel_loop3A_947 = arith.constant 6 : i32
        %parallel_loop3A_948 = arith.index_cast %parallel_loop3A_947 : i32 to index
        %parallel_loop3A_949 = arith.index_cast %parallel_loop3A_709 : i32 to index
        %parallel_loop3A_950 = arith.index_cast %parallel_loop3A_727 : i32 to index
        %parallel_loop3A_951 = tpu.vector_load %arg8[%parallel_loop3A_948, %parallel_loop3A_949, %parallel_loop3A_950] {strides = array<i32>} : memref<9x9x128xf32, #tpu.memory_space<vmem>>, vector<1x1x16xf32>,
        %parallel_loop3A_952 = vector.shape_cast %parallel_loop3A_951 : vector<1x1x16xf32> to vector<16xf32>
        %parallel_loop3A_953 = arith.mulf %parallel_loop3A_769, %parallel_loop3A_952 : vector<16xf32>
        %parallel_loop3A_954 = arith.constant 0.000000e+00 : f32
        %parallel_loop3A_955 = vector.broadcast %parallel_loop3A_954 : f32 to vector<16xf32>
        %parallel_loop3A_956 = arith.select %parallel_loop3A_946, %parallel_loop3A_953, %parallel_loop3A_955 : vector<16xi1>, vector<16xf32>
        %parallel_loop3A_957 = arith.constant 6 : i32
        %parallel_loop3A_958 = arith.index_cast %parallel_loop3A_957 : i32 to index
        %parallel_loop3A_959 = arith.index_cast %parallel_loop3A_709 : i32 to index
        %parallel_loop3A_960 = arith.index_cast %parallel_loop3A_727 : i32 to index
        %parallel_loop3A_961 = tpu.vector_load %arg10[%parallel_loop3A_958, %parallel_loop3A_959, %parallel_loop3A_960] {strides = array<i32>} : memref<9x9x128xf32, #tpu.memory_space<vmem>>, vector<1x1x16xf32>,
        %parallel_loop3A_962 = vector.shape_cast %parallel_loop3A_961 : vector<1x1x16xf32> to vector<16xf32>
        %parallel_loop3A_963 = vector.shape_cast %parallel_loop3A_956 : vector<16xf32> to vector<1x1x16xf32>
        tpu.vector_store %arg10[%parallel_loop3A_958, %parallel_loop3A_959, %parallel_loop3A_960], %parallel_loop3A_963 {strides = array<i32>} : memref<9x9x128xf32, #tpu.memory_space<vmem>>, vector<1x1x16xf32>,
        %parallel_loop3A_964 = arith.constant 7.000000e+00 : f32
        %parallel_loop3A_965 = vector.broadcast %parallel_loop3A_964 : f32 to vector<16xf32>
        %parallel_loop3A_966 = arith.cmpf oeq, %parallel_loop3A_823, %parallel_loop3A_965 : vector<16xf32>
        %parallel_loop3A_967 = arith.constant 7 : i32
        %parallel_loop3A_968 = arith.index_cast %parallel_loop3A_967 : i32 to index
        %parallel_loop3A_969 = arith.index_cast %parallel_loop3A_709 : i32 to index
        %parallel_loop3A_970 = arith.index_cast %parallel_loop3A_727 : i32 to index
        %parallel_loop3A_971 = tpu.vector_load %arg8[%parallel_loop3A_968, %parallel_loop3A_969, %parallel_loop3A_970] {strides = array<i32>} : memref<9x9x128xf32, #tpu.memory_space<vmem>>, vector<1x1x16xf32>,
        %parallel_loop3A_972 = vector.shape_cast %parallel_loop3A_971 : vector<1x1x16xf32> to vector<16xf32>
        %parallel_loop3A_973 = arith.mulf %parallel_loop3A_775, %parallel_loop3A_972 : vector<16xf32>
        %parallel_loop3A_974 = arith.constant 0.000000e+00 : f32
        %parallel_loop3A_975 = vector.broadcast %parallel_loop3A_974 : f32 to vector<16xf32>
        %parallel_loop3A_976 = arith.select %parallel_loop3A_966, %parallel_loop3A_973, %parallel_loop3A_975 : vector<16xi1>, vector<16xf32>
        %parallel_loop3A_977 = arith.constant 7 : i32
        %parallel_loop3A_978 = arith.index_cast %parallel_loop3A_977 : i32 to index
        %parallel_loop3A_979 = arith.index_cast %parallel_loop3A_709 : i32 to index
        %parallel_loop3A_980 = arith.index_cast %parallel_loop3A_727 : i32 to index
        %parallel_loop3A_981 = tpu.vector_load %arg10[%parallel_loop3A_978, %parallel_loop3A_979, %parallel_loop3A_980] {strides = array<i32>} : memref<9x9x128xf32, #tpu.memory_space<vmem>>, vector<1x1x16xf32>,
        %parallel_loop3A_982 = vector.shape_cast %parallel_loop3A_981 : vector<1x1x16xf32> to vector<16xf32>
        %parallel_loop3A_983 = vector.shape_cast %parallel_loop3A_976 : vector<16xf32> to vector<1x1x16xf32>
        tpu.vector_store %arg10[%parallel_loop3A_978, %parallel_loop3A_979, %parallel_loop3A_980], %parallel_loop3A_983 {strides = array<i32>} : memref<9x9x128xf32, #tpu.memory_space<vmem>>, vector<1x1x16xf32>,
        %parallel_loop3A_984 = arith.constant 8.000000e+00 : f32
        %parallel_loop3A_985 = vector.broadcast %parallel_loop3A_984 : f32 to vector<16xf32>
        %parallel_loop3A_986 = arith.cmpf oeq, %parallel_loop3A_823, %parallel_loop3A_985 : vector<16xf32>
        %parallel_loop3A_987 = arith.constant 8 : i32
        %parallel_loop3A_988 = arith.index_cast %parallel_loop3A_987 : i32 to index
        %parallel_loop3A_989 = arith.index_cast %parallel_loop3A_709 : i32 to index
        %parallel_loop3A_990 = arith.index_cast %parallel_loop3A_727 : i32 to index
        %parallel_loop3A_991 = tpu.vector_load %arg8[%parallel_loop3A_988, %parallel_loop3A_989, %parallel_loop3A_990] {strides = array<i32>} : memref<9x9x128xf32, #tpu.memory_space<vmem>>, vector<1x1x16xf32>,
        %parallel_loop3A_992 = vector.shape_cast %parallel_loop3A_991 : vector<1x1x16xf32> to vector<16xf32>
        %parallel_loop3A_993 = arith.mulf %parallel_loop3A_781, %parallel_loop3A_992 : vector<16xf32>
        %parallel_loop3A_994 = arith.constant 0.000000e+00 : f32
        %parallel_loop3A_995 = vector.broadcast %parallel_loop3A_994 : f32 to vector<16xf32>
        %parallel_loop3A_996 = arith.select %parallel_loop3A_986, %parallel_loop3A_993, %parallel_loop3A_995 : vector<16xi1>, vector<16xf32>
        %parallel_loop3A_997 = arith.constant 8 : i32
        %parallel_loop3A_998 = arith.index_cast %parallel_loop3A_997 : i32 to index
        %parallel_loop3A_999 = arith.index_cast %parallel_loop3A_709 : i32 to index
        %parallel_loop3A_1000 = arith.index_cast %parallel_loop3A_727 : i32 to index
        %parallel_loop3A_1001 = tpu.vector_load %arg10[%parallel_loop3A_998, %parallel_loop3A_999, %parallel_loop3A_1000] {strides = array<i32>} : memref<9x9x128xf32, #tpu.memory_space<vmem>>, vector<1x1x16xf32>,
        %parallel_loop3A_1002 = vector.shape_cast %parallel_loop3A_1001 : vector<1x1x16xf32> to vector<16xf32>
        %parallel_loop3A_1003 = vector.shape_cast %parallel_loop3A_996 : vector<16xf32> to vector<1x1x16xf32>
        tpu.vector_store %arg10[%parallel_loop3A_998, %parallel_loop3A_999, %parallel_loop3A_1000], %parallel_loop3A_1003 {strides = array<i32>} : memref<9x9x128xf32, #tpu.memory_space<vmem>>, vector<1x1x16xf32>,
      } {sc.loop_unroll_factor = 1 : i64, sc.parallel_access}
      %add3A_624 = arith.addi %add3A_507, %add3A : i32
      %rem3A_625 = arith.constant 36 : i32
      %rem3A_626 = arith.remsi %add3A_624, %rem3A_625 : i32
      %jit3A_627 = arith.constant 4 : i32
      %div3A_628 = arith.divsi %rem3A_626, %jit3A_627 : i32
      %sign3A_629 = arith.constant 0 : i32
      %sign3A_630 = arith.cmpi sgt, %rem3A_626, %sign3A_629 : i32
      %sign3A_631 = arith.extui %sign3A_630 : i1 to i32
      %sign3A_632 = arith.constant 0 : i32
      %sign3A_633 = arith.cmpi slt, %rem3A_626, %sign3A_632 : i32
      %sign3A_634 = arith.extui %sign3A_633 : i1 to i32
      %sign3A_635 = arith.subi %sign3A_631, %sign3A_634 : i32
      %sign3A_636 = arith.constant 0 : i32
      %sign3A_637 = arith.cmpi sgt, %jit3A_627, %sign3A_636 : i32
      %sign3A_638 = arith.extui %sign3A_637 : i1 to i32
      %sign3A_639 = arith.constant 0 : i32
      %sign3A_640 = arith.cmpi slt, %jit3A_627, %sign3A_639 : i32
      %sign3A_641 = arith.extui %sign3A_640 : i1 to i32
      %sign3A_642 = arith.subi %sign3A_638, %sign3A_641 : i32
      %ne3A_643 = arith.cmpi ne, %sign3A_635, %sign3A_642 : i32
      %rem3A_644 = arith.remsi %rem3A_626, %jit3A_627 : i32
      %ne3A_645 = arith.constant 0 : i32
      %ne3A_646 = arith.cmpi ne, %rem3A_644, %ne3A_645 : i32
      %and3A_647 = arith.andi %ne3A_643, %ne3A_646 : i1
      %sub3A_648 = arith.constant 1 : i32
      %sub3A_649 = arith.subi %div3A_628, %sub3A_648 : i32
      %select_n3A_650 = arith.select %and3A_647, %sub3A_649, %div3A_628 : i32
      %jit3A_651 = arith.constant 4 : i32
      %eq3A_652 = arith.constant 0 : i32
      %eq3A_653 = arith.cmpi eq, %jit3A_651, %eq3A_652 : i32
      %jit3A_654 = arith.constant 1 : i32
      %select_n3A_655 = arith.select %eq3A_653, %jit3A_654, %jit3A_651 : i32
      %rem3A_656 = arith.remsi %rem3A_626, %select_n3A_655 : i32
      %ne3A_657 = arith.constant 0 : i32
      %ne3A_658 = arith.cmpi ne, %rem3A_656, %ne3A_657 : i32
      %lt3A_659 = arith.constant 0 : i32
      %lt3A_660 = arith.cmpi slt, %rem3A_656, %lt3A_659 : i32
      %lt3A_661 = arith.constant 0 : i32
      %lt3A_662 = arith.cmpi slt, %select_n3A_655, %lt3A_661 : i32
      %ne3A_663 = arith.xori %lt3A_660, %lt3A_662 : i1
      %and3A_664 = arith.andi %ne3A_663, %ne3A_658 : i1
      %add3A_665 = arith.addi %rem3A_656, %select_n3A_655 : i32
      %select_n3A_666 = arith.select %and3A_664, %add3A_665, %rem3A_656 : i32
      %mul3A_667 = arith.constant 128 : i32
      %mul3A_668 = arith.muli %select_n3A_666, %mul3A_667 : i32
      %add3A_669 = arith.addi %mul3A_2, %mul3A_668 : i32
      %dma_start3A_670 = arith.constant 0 : i32
      %dma_start3A_671 = arith.constant 0 : i32
      %dma_start3A_672 = tpu.memref_slice %arg4[%dma_start3A_670, %select_n3A_650, %dma_start3A_671, %add3A_669] : memref<9x9x9x16384xf32, #tpu.memory_space<hbm>> -> memref<9x1x9x128xf32, #tpu.memory_space<hbm>>
      %dma_start3A_673 = tpu.memref_squeeze %dma_start3A_672 : memref<9x1x9x128xf32, #tpu.memory_space<hbm>> -> memref<9x9x128xf32, #tpu.memory_space<hbm>>
      %dma_start3A_674 = arith.constant 0 : i32
      %dma_start3A_675 = arith.constant 0 : i32
      %dma_start3A_676 = tpu.memref_slice %arg4[%dma_start3A_674, %select_n3A_650, %dma_start3A_675, %add3A_669] : memref<9x9x9x16384xf32, #tpu.memory_space<hbm>> -> memref<9x1x9x128xf32, #tpu.memory_space<hbm>>
      %dma_start3A_677 = tpu.memref_squeeze %dma_start3A_676 : memref<9x1x9x128xf32, #tpu.memory_space<hbm>> -> memref<9x9x128xf32, #tpu.memory_space<hbm>>
      tpu.enqueue_dma source(%arg10 : memref<9x9x128xf32, #tpu.memory_space<vmem>>) target(%dma_start3A_677 : memref<9x9x128xf32, #tpu.memory_space<hbm>>) target_semaphore(%arg16 : memref<!tpu.dma_semaphore, #tpu.memory_space<semaphore_mem>>)
      %add3A_678 = arith.constant 2 : i32
      %add3A_679 = arith.addi %add3A_507, %add3A_678 : i32
      %lt3A_680 = arith.constant 36 : i32
      %lt3A_681 = arith.cmpi slt, %add3A_679, %lt3A_680 : i32
      %convert_element_type3A_682 = arith.extui %lt3A_681 : i1 to i32
      %cond3A_683 = arith.constant 0 : i32
      %cond3A_684 = arith.cmpi ne, %convert_element_type3A_682, %cond3A_683 : i32
      scf.if %cond3A_684 {
        %add3A_685 = arith.constant 2 : i32
        %add3A_686 = arith.addi %add3A_507, %add3A_685 : i32
        %add3A_687 = arith.addi %add3A_686, %add3A : i32
        %rem3A_688 = arith.constant 36 : i32
        %rem3A_689 = arith.remsi %add3A_687, %rem3A_688 : i32
        %jit3A_690 = arith.constant 4 : i32
        %div3A_691 = arith.divsi %rem3A_689, %jit3A_690 : i32
        %sign3A_692 = arith.constant 0 : i32
        %sign3A_693 = arith.cmpi sgt, %rem3A_689, %sign3A_692 : i32
        %sign3A_694 = arith.extui %sign3A_693 : i1 to i32
        %sign3A_695 = arith.constant 0 : i32
        %sign3A_696 = arith.cmpi slt, %rem3A_689, %sign3A_695 : i32
        %sign3A_697 = arith.extui %sign3A_696 : i1 to i32
        %sign3A_698 = arith.subi %sign3A_694, %sign3A_697 : i32
        %sign3A_699 = arith.constant 0 : i32
        %sign3A_700 = arith.cmpi sgt, %jit3A_690, %sign3A_699 : i32
        %sign3A_701 = arith.extui %sign3A_700 : i1 to i32
        %sign3A_702 = arith.constant 0 : i32
        %sign3A_703 = arith.cmpi slt, %jit3A_690, %sign3A_702 : i32
        %sign3A_704 = arith.extui %sign3A_703 : i1 to i32
        %sign3A_705 = arith.subi %sign3A_701, %sign3A_704 : i32
        %ne3A_706 = arith.cmpi ne, %sign3A_698, %sign3A_705 : i32
        %rem3A_707 = arith.remsi %rem3A_689, %jit3A_690 : i32
        %ne3A_708 = arith.constant 0 : i32
        %ne3A_709 = arith.cmpi ne, %rem3A_707, %ne3A_708 : i32
        %and3A_710 = arith.andi %ne3A_706, %ne3A_709 : i1
        %sub3A_711 = arith.constant 1 : i32
        %sub3A_712 = arith.subi %div3A_691, %sub3A_711 : i32
        %select_n3A_713 = arith.select %and3A_710, %sub3A_712, %div3A_691 : i32
        %jit3A_714 = arith.constant 4 : i32
        %eq3A_715 = arith.constant 0 : i32
        %eq3A_716 = arith.cmpi eq, %jit3A_714, %eq3A_715 : i32
        %jit3A_717 = arith.constant 1 : i32
        %select_n3A_718 = arith.select %eq3A_716, %jit3A_717, %jit3A_714 : i32
        %rem3A_719 = arith.remsi %rem3A_689, %select_n3A_718 : i32
        %ne3A_720 = arith.constant 0 : i32
        %ne3A_721 = arith.cmpi ne, %rem3A_719, %ne3A_720 : i32
        %lt3A_722 = arith.constant 0 : i32
        %lt3A_723 = arith.cmpi slt, %rem3A_719, %lt3A_722 : i32
        %lt3A_724 = arith.constant 0 : i32
        %lt3A_725 = arith.cmpi slt, %select_n3A_718, %lt3A_724 : i32
        %ne3A_726 = arith.xori %lt3A_723, %lt3A_725 : i1
        %and3A_727 = arith.andi %ne3A_726, %ne3A_721 : i1
        %add3A_728 = arith.addi %rem3A_719, %select_n3A_718 : i32
        %select_n3A_729 = arith.select %and3A_727, %add3A_728, %rem3A_719 : i32
        %mul3A_730 = arith.constant 128 : i32
        %mul3A_731 = arith.muli %select_n3A_729, %mul3A_730 : i32
        %add3A_732 = arith.addi %mul3A_2, %mul3A_731 : i32
        %dma_start3A_733 = arith.constant 0 : i32
        %dma_start3A_734 = arith.constant 0 : i32
        %dma_start3A_735 = tpu.memref_slice %arg2[%dma_start3A_733, %select_n3A_713, %dma_start3A_734, %add3A_732] : memref<9x9x9x16384xf32, #tpu.memory_space<hbm>> -> memref<9x1x9x128xf32, #tpu.memory_space<hbm>>
        %dma_start3A_736 = tpu.memref_squeeze %dma_start3A_735 : memref<9x1x9x128xf32, #tpu.memory_space<hbm>> -> memref<9x9x128xf32, #tpu.memory_space<hbm>>
        %dma_start3A_737 = arith.constant 0 : i32
        %dma_start3A_738 = arith.constant 0 : i32
        %dma_start3A_739 = tpu.memref_slice %arg2[%dma_start3A_737, %select_n3A_713, %dma_start3A_738, %add3A_732] : memref<9x9x9x16384xf32, #tpu.memory_space<hbm>> -> memref<9x1x9x128xf32, #tpu.memory_space<hbm>>
        %dma_start3A_740 = tpu.memref_squeeze %dma_start3A_739 : memref<9x1x9x128xf32, #tpu.memory_space<hbm>> -> memref<9x9x128xf32, #tpu.memory_space<hbm>>
        tpu.enqueue_dma source(%dma_start3A_740 : memref<9x9x128xf32, #tpu.memory_space<hbm>>) target(%arg6 : memref<9x9x128xf32, #tpu.memory_space<vmem>>) target_semaphore(%arg12 : memref<!tpu.dma_semaphore, #tpu.memory_space<semaphore_mem>>)
        %add3A_741 = arith.constant 2 : i32
        %add3A_742 = arith.addi %add3A_507, %add3A_741 : i32
        %add3A_743 = arith.addi %add3A_742, %add3A : i32
        %rem3A_744 = arith.constant 36 : i32
        %rem3A_745 = arith.remsi %add3A_743, %rem3A_744 : i32
        %jit3A_746 = arith.constant 4 : i32
        %div3A_747 = arith.divsi %rem3A_745, %jit3A_746 : i32
        %sign3A_748 = arith.constant 0 : i32
        %sign3A_749 = arith.cmpi sgt, %rem3A_745, %sign3A_748 : i32
        %sign3A_750 = arith.extui %sign3A_749 : i1 to i32
        %sign3A_751 = arith.constant 0 : i32
        %sign3A_752 = arith.cmpi slt, %rem3A_745, %sign3A_751 : i32
        %sign3A_753 = arith.extui %sign3A_752 : i1 to i32
        %sign3A_754 = arith.subi %sign3A_750, %sign3A_753 : i32
        %sign3A_755 = arith.constant 0 : i32
        %sign3A_756 = arith.cmpi sgt, %jit3A_746, %sign3A_755 : i32
        %sign3A_757 = arith.extui %sign3A_756 : i1 to i32
        %sign3A_758 = arith.constant 0 : i32
        %sign3A_759 = arith.cmpi slt, %jit3A_746, %sign3A_758 : i32
        %sign3A_760 = arith.extui %sign3A_759 : i1 to i32
        %sign3A_761 = arith.subi %sign3A_757, %sign3A_760 : i32
        %ne3A_762 = arith.cmpi ne, %sign3A_754, %sign3A_761 : i32
        %rem3A_763 = arith.remsi %rem3A_745, %jit3A_746 : i32
        %ne3A_764 = arith.constant 0 : i32
        %ne3A_765 = arith.cmpi ne, %rem3A_763, %ne3A_764 : i32
        %and3A_766 = arith.andi %ne3A_762, %ne3A_765 : i1
        %sub3A_767 = arith.constant 1 : i32
        %sub3A_768 = arith.subi %div3A_747, %sub3A_767 : i32
        %select_n3A_769 = arith.select %and3A_766, %sub3A_768, %div3A_747 : i32
        %jit3A_770 = arith.constant 4 : i32
        %eq3A_771 = arith.constant 0 : i32
        %eq3A_772 = arith.cmpi eq, %jit3A_770, %eq3A_771 : i32
        %jit3A_773 = arith.constant 1 : i32
        %select_n3A_774 = arith.select %eq3A_772, %jit3A_773, %jit3A_770 : i32
        %rem3A_775 = arith.remsi %rem3A_745, %select_n3A_774 : i32
        %ne3A_776 = arith.constant 0 : i32
        %ne3A_777 = arith.cmpi ne, %rem3A_775, %ne3A_776 : i32
        %lt3A_778 = arith.constant 0 : i32
        %lt3A_779 = arith.cmpi slt, %rem3A_775, %lt3A_778 : i32
        %lt3A_780 = arith.constant 0 : i32
        %lt3A_781 = arith.cmpi slt, %select_n3A_774, %lt3A_780 : i32
        %ne3A_782 = arith.xori %lt3A_779, %lt3A_781 : i1
        %and3A_783 = arith.andi %ne3A_782, %ne3A_777 : i1
        %add3A_784 = arith.addi %rem3A_775, %select_n3A_774 : i32
        %select_n3A_785 = arith.select %and3A_783, %add3A_784, %rem3A_775 : i32
        %mul3A_786 = arith.constant 128 : i32
        %mul3A_787 = arith.muli %select_n3A_785, %mul3A_786 : i32
        %add3A_788 = arith.addi %mul3A_2, %mul3A_787 : i32
        %dma_start3A_789 = arith.constant 0 : i32
        %dma_start3A_790 = arith.constant 0 : i32
        %dma_start3A_791 = tpu.memref_slice %arg3[%dma_start3A_789, %select_n3A_769, %dma_start3A_790, %add3A_788] : memref<9x9x9x16384xf32, #tpu.memory_space<hbm>> -> memref<9x1x9x128xf32, #tpu.memory_space<hbm>>
        %dma_start3A_792 = tpu.memref_squeeze %dma_start3A_791 : memref<9x1x9x128xf32, #tpu.memory_space<hbm>> -> memref<9x9x128xf32, #tpu.memory_space<hbm>>
        %dma_start3A_793 = arith.constant 0 : i32
        %dma_start3A_794 = arith.constant 0 : i32
        %dma_start3A_795 = tpu.memref_slice %arg3[%dma_start3A_793, %select_n3A_769, %dma_start3A_794, %add3A_788] : memref<9x9x9x16384xf32, #tpu.memory_space<hbm>> -> memref<9x1x9x128xf32, #tpu.memory_space<hbm>>
        %dma_start3A_796 = tpu.memref_squeeze %dma_start3A_795 : memref<9x1x9x128xf32, #tpu.memory_space<hbm>> -> memref<9x9x128xf32, #tpu.memory_space<hbm>>
        tpu.enqueue_dma source(%dma_start3A_796 : memref<9x9x128xf32, #tpu.memory_space<hbm>>) target(%arg8 : memref<9x9x128xf32, #tpu.memory_space<vmem>>) target_semaphore(%arg14 : memref<!tpu.dma_semaphore, #tpu.memory_space<semaphore_mem>>)
      } else {
      }
    }
    %scan3A_216 = arith.constant 18 : i32
    %add3A_217 = arith.constant 34 : i32
    %add3A_218 = arith.addi %add3A_217, %add3A : i32
    %rem3A_219 = arith.constant 36 : i32
    %rem3A_220 = arith.remsi %add3A_218, %rem3A_219 : i32
    %jit3A_221 = arith.constant 4 : i32
    %div3A_222 = arith.divsi %rem3A_220, %jit3A_221 : i32
    %sign3A_223 = arith.constant 0 : i32
    %sign3A_224 = arith.cmpi sgt, %rem3A_220, %sign3A_223 : i32
    %sign3A_225 = arith.extui %sign3A_224 : i1 to i32
    %sign3A_226 = arith.constant 0 : i32
    %sign3A_227 = arith.cmpi slt, %rem3A_220, %sign3A_226 : i32
    %sign3A_228 = arith.extui %sign3A_227 : i1 to i32
    %sign3A_229 = arith.subi %sign3A_225, %sign3A_228 : i32
    %sign3A_230 = arith.constant 0 : i32
    %sign3A_231 = arith.cmpi sgt, %jit3A_221, %sign3A_230 : i32
    %sign3A_232 = arith.extui %sign3A_231 : i1 to i32
    %sign3A_233 = arith.constant 0 : i32
    %sign3A_234 = arith.cmpi slt, %jit3A_221, %sign3A_233 : i32
    %sign3A_235 = arith.extui %sign3A_234 : i1 to i32
    %sign3A_236 = arith.subi %sign3A_232, %sign3A_235 : i32
    %ne3A_237 = arith.cmpi ne, %sign3A_229, %sign3A_236 : i32
    %rem3A_238 = arith.remsi %rem3A_220, %jit3A_221 : i32
    %ne3A_239 = arith.constant 0 : i32
    %ne3A_240 = arith.cmpi ne, %rem3A_238, %ne3A_239 : i32
    %and3A_241 = arith.andi %ne3A_237, %ne3A_240 : i1
    %sub3A_242 = arith.constant 1 : i32
    %sub3A_243 = arith.subi %div3A_222, %sub3A_242 : i32
    %select_n3A_244 = arith.select %and3A_241, %sub3A_243, %div3A_222 : i32
    %jit3A_245 = arith.constant 4 : i32
    %eq3A_246 = arith.constant 0 : i32
    %eq3A_247 = arith.cmpi eq, %jit3A_245, %eq3A_246 : i32
    %jit3A_248 = arith.constant 1 : i32
    %select_n3A_249 = arith.select %eq3A_247, %jit3A_248, %jit3A_245 : i32
    %rem3A_250 = arith.remsi %rem3A_220, %select_n3A_249 : i32
    %ne3A_251 = arith.constant 0 : i32
    %ne3A_252 = arith.cmpi ne, %rem3A_250, %ne3A_251 : i32
    %lt3A_253 = arith.constant 0 : i32
    %lt3A_254 = arith.cmpi slt, %rem3A_250, %lt3A_253 : i32
    %lt3A_255 = arith.constant 0 : i32
    %lt3A_256 = arith.cmpi slt, %select_n3A_249, %lt3A_255 : i32
    %ne3A_257 = arith.xori %lt3A_254, %lt3A_256 : i1
    %and3A_258 = arith.andi %ne3A_257, %ne3A_252 : i1
    %add3A_259 = arith.addi %rem3A_250, %select_n3A_249 : i32
    %select_n3A_260 = arith.select %and3A_258, %add3A_259, %rem3A_250 : i32
    %mul3A_261 = arith.constant 128 : i32
    %mul3A_262 = arith.muli %select_n3A_260, %mul3A_261 : i32
    %add3A_263 = arith.addi %mul3A_2, %mul3A_262 : i32
    %dma_wait3A = arith.constant 0 : i32
    %dma_wait3A_264 = arith.constant 0 : i32
    %dma_wait3A_265 = tpu.memref_slice %arg4[%dma_wait3A, %select_n3A_244, %dma_wait3A_264, %add3A_263] : memref<9x9x9x16384xf32, #tpu.memory_space<hbm>> -> memref<9x1x9x128xf32, #tpu.memory_space<hbm>>
    %dma_wait3A_266 = tpu.memref_squeeze %dma_wait3A_265 : memref<9x1x9x128xf32, #tpu.memory_space<hbm>> -> memref<9x9x128xf32, #tpu.memory_space<hbm>>
    %dma_wait3A_267 = arith.constant 0 : i32
    %dma_wait3A_268 = arith.constant 0 : i32
    %dma_wait3A_269 = tpu.memref_slice %arg4[%dma_wait3A_267, %select_n3A_244, %dma_wait3A_268, %add3A_263] : memref<9x9x9x16384xf32, #tpu.memory_space<hbm>> -> memref<9x1x9x128xf32, #tpu.memory_space<hbm>>
    %dma_wait3A_270 = tpu.memref_squeeze %dma_wait3A_269 : memref<9x1x9x128xf32, #tpu.memory_space<hbm>> -> memref<9x9x128xf32, #tpu.memory_space<hbm>>
    tpu.wait_dma2 semaphore(%arg15 : memref<!tpu.dma_semaphore, #tpu.memory_space<semaphore_mem>>) src(%arg9 : memref<9x9x128xf32, #tpu.memory_space<vmem>>) dst(%dma_wait3A_270 : memref<9x9x128xf32, #tpu.memory_space<hbm>>)
    %add3A_271 = arith.constant 35 : i32
    %add3A_272 = arith.addi %add3A_271, %add3A : i32
    %rem3A_273 = arith.constant 36 : i32
    %rem3A_274 = arith.remsi %add3A_272, %rem3A_273 : i32
    %jit3A_275 = arith.constant 4 : i32
    %div3A_276 = arith.divsi %rem3A_274, %jit3A_275 : i32
    %sign3A_277 = arith.constant 0 : i32
    %sign3A_278 = arith.cmpi sgt, %rem3A_274, %sign3A_277 : i32
    %sign3A_279 = arith.extui %sign3A_278 : i1 to i32
    %sign3A_280 = arith.constant 0 : i32
    %sign3A_281 = arith.cmpi slt, %rem3A_274, %sign3A_280 : i32
    %sign3A_282 = arith.extui %sign3A_281 : i1 to i32
    %sign3A_283 = arith.subi %sign3A_279, %sign3A_282 : i32
    %sign3A_284 = arith.constant 0 : i32
    %sign3A_285 = arith.cmpi sgt, %jit3A_275, %sign3A_284 : i32
    %sign3A_286 = arith.extui %sign3A_285 : i1 to i32
    %sign3A_287 = arith.constant 0 : i32
    %sign3A_288 = arith.cmpi slt, %jit3A_275, %sign3A_287 : i32
    %sign3A_289 = arith.extui %sign3A_288 : i1 to i32
    %sign3A_290 = arith.subi %sign3A_286, %sign3A_289 : i32
    %ne3A_291 = arith.cmpi ne, %sign3A_283, %sign3A_290 : i32
    %rem3A_292 = arith.remsi %rem3A_274, %jit3A_275 : i32
    %ne3A_293 = arith.constant 0 : i32
    %ne3A_294 = arith.cmpi ne, %rem3A_292, %ne3A_293 : i32
    %and3A_295 = arith.andi %ne3A_291, %ne3A_294 : i1
    %sub3A_296 = arith.constant 1 : i32
    %sub3A_297 = arith.subi %div3A_276, %sub3A_296 : i32
    %select_n3A_298 = arith.select %and3A_295, %sub3A_297, %div3A_276 : i32
    %jit3A_299 = arith.constant 4 : i32
    %eq3A_300 = arith.constant 0 : i32
    %eq3A_301 = arith.cmpi eq, %jit3A_299, %eq3A_300 : i32
    %jit3A_302 = arith.constant 1 : i32
    %select_n3A_303 = arith.select %eq3A_301, %jit3A_302, %jit3A_299 : i32
    %rem3A_304 = arith.remsi %rem3A_274, %select_n3A_303 : i32
    %ne3A_305 = arith.constant 0 : i32
    %ne3A_306 = arith.cmpi ne, %rem3A_304, %ne3A_305 : i32
    %lt3A_307 = arith.constant 0 : i32
    %lt3A_308 = arith.cmpi slt, %rem3A_304, %lt3A_307 : i32
    %lt3A_309 = arith.constant 0 : i32
    %lt3A_310 = arith.cmpi slt, %select_n3A_303, %lt3A_309 : i32
    %ne3A_311 = arith.xori %lt3A_308, %lt3A_310 : i1
    %and3A_312 = arith.andi %ne3A_311, %ne3A_306 : i1
    %add3A_313 = arith.addi %rem3A_304, %select_n3A_303 : i32
    %select_n3A_314 = arith.select %and3A_312, %add3A_313, %rem3A_304 : i32
    %mul3A_315 = arith.constant 128 : i32
    %mul3A_316 = arith.muli %select_n3A_314, %mul3A_315 : i32
    %add3A_317 = arith.addi %mul3A_2, %mul3A_316 : i32
    %dma_wait3A_318 = arith.constant 0 : i32
    %dma_wait3A_319 = arith.constant 0 : i32
    %dma_wait3A_320 = tpu.memref_slice %arg4[%dma_wait3A_318, %select_n3A_298, %dma_wait3A_319, %add3A_317] : memref<9x9x9x16384xf32, #tpu.memory_space<hbm>> -> memref<9x1x9x128xf32, #tpu.memory_space<hbm>>
    %dma_wait3A_321 = tpu.memref_squeeze %dma_wait3A_320 : memref<9x1x9x128xf32, #tpu.memory_space<hbm>> -> memref<9x9x128xf32, #tpu.memory_space<hbm>>
    %dma_wait3A_322 = arith.constant 0 : i32
    %dma_wait3A_323 = arith.constant 0 : i32
    %dma_wait3A_324 = tpu.memref_slice %arg4[%dma_wait3A_322, %select_n3A_298, %dma_wait3A_323, %add3A_317] : memref<9x9x9x16384xf32, #tpu.memory_space<hbm>> -> memref<9x1x9x128xf32, #tpu.memory_space<hbm>>
    %dma_wait3A_325 = tpu.memref_squeeze %dma_wait3A_324 : memref<9x1x9x128xf32, #tpu.memory_space<hbm>> -> memref<9x9x128xf32, #tpu.memory_space<hbm>>
    tpu.wait_dma2 semaphore(%arg16 : memref<!tpu.dma_semaphore, #tpu.memory_space<semaphore_mem>>) src(%arg10 : memref<9x9x128xf32, #tpu.memory_space<vmem>>) dst(%dma_wait3A_325 : memref<9x9x128xf32, #tpu.memory_space<hbm>>)
    return
  }
}

</mosaic_0001>

<sc_bundles>
// kernel: kernel.3.cloned.1.call-start
scs
__scs_entry_jumppad:
0x0: {  	(pc) =	sbr.rel $0x88, $3  }
0x1: {  	(tag) =	ssettag $0x0;
	lr =	simm.s32 $0x1  }
0x2: {  	[smem:$0x3F9F] =	sst lr;
	_ =	strace $0xD0000000  }
0x3: {  	_ = 	snop  }
0x4: {  	_ = 	snop  }
0x5: {  	_ = 	snop  }
0x6: {  	_ = 	snop  }
0x7: {  	_ = 	snop  }
__scs_overlays_trampoline_lowered:
0x8: {  	[smem:$0x3FAE] =	sst s0  }
0x9: {  	[smem:$0x3FAF] =	sst s1  }
0xa: {  	[smem:$0x3FB0] =	sst s2  }
0xb: {  	[smem:$0x3FB1] =	sst s3  }
0xc: {  	[smem:$0x3FB2] =	sst s4  }
0xd: {  	[smem:$0x3FB3] =	sst s5  }
0xe: {  	[smem:$0x3FB4] =	sst s6  }
0xf: {  	[smem:$0x3FB5] =	sst s7  }
0x10: {  	[smem:$0x3FB6] =	sst s8  }
0x11: {  	[smem:$0x3FB7] =	sst s9;
	s0 =	simm.s32 @!p0 $0x0  }
0x12: {  	s1 =	sld [smem:$0x3F9D];
	s0 =	simm.s32 @p0 $0x1  }
0x13: {  	[smem:$0x3FB8] =	sst s0;
	s0 =	simm.s32 @!p1 $0x0  }
0x14: {  	s2 =	sld [smem:$0x3F9C];
	s0 =	simm.s32 @p1 $0x1  }
0x15: {  	[smem:$0x3FB9] =	sst s0;
	s0 =	simm.s32 @!p2 $0x0  }
0x16: {  	s3 =	sld [smem:$0x3FDB];
	s0 =	simm.s32 @p2 $0x1  }
0x17: {  	s4 =	simm.s32 $0x1BF5;
	[smem:$0x3FBB] =	sst s0  }
0x18: {  	s0 =	sld [smem:$0x3F9E];
	_ =	swait.ge [sflag:s4], $0x0  }
0x19: {  	s7 =	sld [smem:$0x3F9F]  }
0x1a: {  	s8 =	sadd.s32 $0xFFFFE003, lr  }
0x1b: {  	s9 =	sadd.s32 $0xFFFFFEF7, lr;
	s5 =	simm.s32 $0xFFFFFFFF;
	p2 =	slt.u32 s8, $0xFFFFF086  }
0x1c: {  	p1 =	slt.u32 s9, $0xF7A;
	s5 =	simm.s32 @!p2 $0x0  }
0x1d: {  	s5 =	simm.s32 @p1 $0x1;
	p0 =	seq.s32 s7, s2  }
0x1e: {  	s7 =	smul.u32 @!p0 $0xF7A, s2;
	p2 =	seq.s32 @!p0 s5, $0x0  }
0x1f: {  	s9 =	smul.u32 $0xF7A, s1;
	s8 =	simm.s32 @!p0 $0x1BF5;
	p2 =	por !p2, p0  }
0x20: {  	[sflag:s8] =	ssyncset.s32 @!p0 $0xFFFFF086;
	s6 =	sadd.s32 @!p0 s3, s7;
	s7 =	simm.s32 @!p0 $0x108  }
0x21: {  	s3 =	sadd.s32 s3, s9;
	s6 =	sadd.s32 @!p0 $0x88, s6;
	s7 =	simm.s32 @p2 $0x1082  }
0x22: {  	[simem:s7], [sflag:s8] =	dma.local @!p0 [hbm:s6], $0xF7A  }
0x23: {  	s9 =	sor.u32 $0xD0000000, s2;
	s6 =	simm.s32 $0x108;
	_ =	swait.ge @!p0 [sflag:s8], $0x0  }
0x24: {  	s3 =	sadd.s32 $0x88, s3;
	s6 =	simm.s32 @!p1 $0x1082;
	[sflag:s4] =	ssyncset.s32 $0xFFFFF086  }
0x25: {  	[simem:s6], [sflag:s4] =	dma.local [hbm:s3], $0xF7A  }
0x26: {  	[smem:$0x3F9F] =	sst s1;
	(tag) =	ssettag s2;
	_ =	strace s9  }
0x27: {  	s1 =	sld [smem:$0x3FAF]  }
0x28: {  	s2 =	sld [smem:$0x3FB0]  }
0x29: {  	s4 =	sld [smem:$0x3FB2]  }
0x2a: {  	p0 =	seq.s32 s5, $0x0;
	s5 =	sld [smem:$0x3FB3]  }
0x2b: {  	s6 =	sld [smem:$0x3FB4]  }
0x2c: {  	s7 =	sld [smem:$0x3FB5]  }
0x2d: {  	s3 =	simm.s32 $0x108;
	s8 =	sld [smem:$0x3FB6]  }
0x2e: {  	s3 =	simm.s32 @!p0 $0x1082;
	s9 =	sld [smem:$0x3FB7]  }
0x2f: {  	lr =	sadd.s32 s0, s3;
	s0 =	sld [smem:$0x3FAE]  }
0x30: {  	s3 =	sld [smem:$0x3FB1]  }
0x31: {  	[smem:$0x3FBA] =	sst s10  }
0x32: {  	s10 =	sld [smem:$0x3FB8];
	_ =	sdelay $0x3  }
0x33: {  	p0 =	seq.s32 s10, $0x1;
	s10 =	sld [smem:$0x3FBA];
	_ =	sdelay $0x3  }
0x34: {  	[smem:$0x3FBA] =	sst s10  }
0x35: {  	s10 =	sld [smem:$0x3FB9];
	_ =	sdelay $0x3  }
0x36: {  	p1 =	seq.s32 s10, $0x1;
	s10 =	sld [smem:$0x3FBA];
	_ =	sdelay $0x3  }
0x37: {  	[smem:$0x3FBA] =	sst s10  }
0x38: {  	s10 =	sld [smem:$0x3FBB]  }
0x39: {  	_ = 	snop;
	(pc) =	sbr.ind lr, $3  }
0x3a: {  	_ = 	snop  }
0x3b: {  	_ = 	snop  }
0x3c: {  	p2 =	seq.s32 s10, $0x1;
	s10 =	sld [smem:$0x3FBA]  }
0x3d: {  	_ =	shalt  }
0x3e: {  	_ =	shalt  }
0x3f: {  	_ =	shalt  }
0x40: {  	_ =	shalt  }
0x41: {  	_ =	shalt  }
0x42: {  	_ =	shalt  }
0x43: {  	_ =	shalt  }
0x44: {  	_ =	shalt  }
0x45: {  	_ =	shalt  }
0x46: {  	_ =	shalt  }
0x47: {  	_ =	shalt  }
0x48: {  	_ =	shalt  }
0x49: {  	_ =	shalt  }
0x4a: {  	_ =	shalt  }
0x4b: {  	_ =	shalt  }
0x4c: {  	_ =	shalt  }
0x4d: {  	_ =	shalt  }
0x4e: {  	_ =	shalt  }
0x4f: {  	_ =	shalt  }
0x50: {  	_ =	shalt  }
0x51: {  	_ =	shalt  }
0x52: {  	_ =	shalt  }
0x53: {  	_ =	shalt  }
0x54: {  	_ =	shalt  }
0x55: {  	_ =	shalt  }
0x56: {  	_ =	shalt  }
0x57: {  	_ =	shalt  }
0x58: {  	_ =	shalt  }
0x59: {  	_ =	shalt  }
0x5a: {  	_ =	shalt  }
0x5b: {  	_ =	shalt  }
0x5c: {  	_ =	shalt  }
0x5d: {  	_ =	shalt  }
0x5e: {  	_ =	shalt  }
0x5f: {  	_ =	shalt  }
0x60: {  	_ =	shalt  }
0x61: {  	_ =	shalt  }
0x62: {  	_ =	shalt  }
0x63: {  	_ =	shalt  }
0x64: {  	_ =	shalt  }
0x65: {  	_ =	shalt  }
0x66: {  	_ =	shalt  }
0x67: {  	_ =	shalt  }
0x68: {  	_ =	shalt  }
0x69: {  	_ =	shalt  }
0x6a: {  	_ =	shalt  }
0x6b: {  	_ =	shalt  }
0x6c: {  	_ =	shalt  }
0x6d: {  	_ =	shalt  }
0x6e: {  	_ =	shalt  }
0x6f: {  	_ =	shalt  }
0x70: {  	_ =	shalt  }
0x71: {  	_ =	shalt  }
0x72: {  	_ =	shalt  }
0x73: {  	_ =	shalt  }
0x74: {  	_ =	shalt  }
0x75: {  	_ =	shalt  }
0x76: {  	_ =	shalt  }
0x77: {  	_ =	shalt  }
0x78: {  	_ =	shalt  }
0x79: {  	_ =	shalt  }
0x7a: {  	_ =	shalt  }
0x7b: {  	_ =	shalt  }
0x7c: {  	_ =	shalt  }
0x7d: {  	_ =	shalt  }
0x7e: {  	_ =	shalt  }
0x7f: {  	_ =	shalt  }
0x80: {  	_ =	shalt  }
0x81: {  	_ =	shalt  }
0x82: {  	_ =	shalt  }
0x83: {  	_ =	shalt  }
0x84: {  	_ =	shalt  }
0x85: {  	_ =	shalt  }
0x86: {  	_ =	shalt  }
0x87: {  	_ =	shalt  }
.Lfunc_end0:
.L_simem_size_0:
called_computation_lowered:
.L_overlay_start_0:
0x88: {  	s2 =	sld [smem:$0x3FD9]  }
0x89: {  	s3 =	sld [smem:$0x3FFE];
	_ =	sdelay $0x1  }
0x8a: {  	s1 =	srdreg.scid  }
0x8b: {  	s0 =	sand.u32 $0x1, s1  }
0x8c: {  	s18 =	sshll.u32 s0, $0xA;
	s2 =	sadd.s32 s3, s2  }
0x8d: {  	s2 =	sadd.s32 s2, s18  }
0x8e: {  	[smem:$0x3FC6] =	sst s2  }
0x8f: {  	_ = 	snop  }
0x90: {  	s2 =	sld [smem:$0x3FC9]  }
0x91: {  	s19 =	sld [smem:$0x3FC8]  }
0x92: {  	s4 =	sld [smem:$0x3FD0];
	(tm) =	ssettm $0x1  }
0x93: {  	s5 =	sld [smem:$0x3FFB];
	_ =	sdelay $0x3  }
0x94: {  	_ =	strace s5  }
0x95: {  	s5 =	sld [smem:$0x3FFC];
	_ =	sdelay $0x3  }
0x96: {  	_ =	strace s5  }
0x97: {  	s5 =	sld [smem:$0x3FFD];
	_ =	sdelay $0x3  }
0x98: {  	_ =	strace s5  }
0x99: {  	_ =	strace $0x8FFFFFFF  }
0x9a: {  	s20 =	sld [smem:$0x3FDB];
	_ =	sdelay $0x1  }
0x9b: {  	s6 =	simm.s32 $_scs_section_size  }
0x9c: {  	s7 =	simm.s32 $_size__tile_overlayer_lowered;
	s8 =	simm.s32 $_tile_overlayer_lowered  }
0x9d: {  	s23 =	simm.s32 $0x1BFF;
	s22 =	sshll.u32 s8, $0x1;
	s5 =	sadd.s32 s6, s20  }
0x9e: {  	s9 =	simm.s32 $0x0;
	s21 =	sshll.u32 s7, $0x1;
	s7 =	sadd.s32 s22, s5  }
0x9f: {  	[timem:s9], [sflag:s23] =	dma.local [hbm:s7], s21  }
0xa0: {  	_ =	swait.ge [sflag:s23], s21  }
0xa1: {  	s6 =	ssub.s32 $0x0, s21;
	[sflag:s23] =	ssyncset.done $0x0  }
0xa2: {  	[sflag:s23] =	ssyncadd.s32 s6;
	_ =	sdelay $0x1  }
0xa3: {  	s24 =	simm.s32 $0x1B8B  }
0xa4: {  	_ =	swait.ge [sflag:s24], $0x1  }
0xa5: {  	[sflag:s24] =	ssyncset.done $0x0  }
0xa6: {  	s25 =	simm.s32 $0x1B8E;
	[sflag:s24] =	ssyncadd.s32 $0xFFFFFFFF  }
0xa7: {  	s26 =	simm.s32 $execute0_lowered;
	[smem:$0x3FD2] =	sst s25  }
0xa8: {  	s6 =	sshll.u32 s26, $0x1;
	_ =	strace $0x80000046;
	[dreg:$0x1] =	wrdreg $0xFFFFFFFF  }
0xa9: {  	s28 =	simm.s32 $_size_execute0_lowered;
	s5 =	sadd.s32 s5, s6;
	[dreg:$0x0] =	wrdreg $0x0  }
0xaa: {  	s6 =	sshll.u32 s28, $0x1;
	[dreg:$0x2] =	wrdreg s5  }
0xab: {  	[dreg:$0x3] =	wrdreg s6  }
0xac: {  	[dreg:$0x4] =	wrdreg $0xC0  }
0xad: {  	_ =	task [dreg:s9], $0x5FFFF  }
0xae: {  	[dreg:$0x1] =	wrdreg $0xFFFFFFFF  }
0xaf: {  	[dreg:$0x0] =	wrdreg $0x60  }
0xb0: {  	[dreg:$0x2] =	wrdreg s2  }
0xb1: {  	[dreg:$0x3] =	wrdreg s19  }
0xb2: {  	[dreg:$0x4] =	wrdreg s4  }
0xb3: {  	[dreg:$0x5] =	wrdreg $0x9  }
0xb4: {  	_ =	task.clear_ibuf [dreg:s9], $0x6FFFF;
	_ =	strace $0x90000046  }
0xb5: {  	s29 =	simm.s32 $0x9;
	_ =	strace $0x80000048  }
0xb6: {  	_ =	swait.ge [sflag:s29], $0x1  }
0xb7: {  	[sflag:s29] =	ssyncadd.s32 $0xFFFFFFFF  }
0xb8: {  	_ =	strace $0x90000048  }
0xb9: {  	_ =	sfence  }
0xba: {  	s30 =	sld [smem:$0x0];
	_ =	sdelay $0x2  }
0xbb: {  	s31 =	sshll.u32 s1, $0xD;
	s1 =	sshrl.u32 s1, $0x2  }
0xbc: {  	s3 =	sand.u32 $0x4000, s31;
	s1 =	sadd.s32 s1, s30  }
0xbd: {  	s0 =	sor.u32 s3, s0;
	s1 =	sshll.u32 s1, $0x11  }
0xbe: {  	s0 =	sor.u32 s1, s0  }
0xbf: {  	s0 =	sadd.s32 $0x8F2B, s0  }
0xc0: {  	[sflag:s0] =	ssyncadd.remote.s32 $0x1  }
0xc1: {  	_ =	sfence.sel $0xFFFF  }
0xc2: {  	[dreg:$0x0] =	wrdreg $0xFFFFFFFF;
	(pc) =	sbr.abs _section_cstart, $3  }
0xc3: {  	[dreg:$0x1] =	wrdreg $0xFFFFFFFF  }
0xc4: {  	_ =	task.clear_ibuf [dreg:s9], $0x2FFFF;
	_ =	strace $0x9FFFFFFF  }
0xc5: {  	(tm) =	ssettm $0x7FFFFFFF  }
tec
execute0_lowered:
.L_overlay_start_1:
0x0: {  	(tag) =	ssettag $0x1  }
0x1: {  	s1 =	rddreg [dreg:$0x0]  }
0x2: {  	s2 =	rddreg [dreg:$0x1]  }
0x3: {  	s0 =	rddreg [dreg:$0x2]  }
0x4: {  	s3 =	srdreg.scid;
	s6 =	stileid.u32  }
0x5: {  	s4 =	simm.s32 $0x0;
	s3 =	sand.u32 $0x1, s3;
	s5 =	sshll.u32 s6, $0x1  }
0x6: {  	[smem:$0x7FF] =	sst s4;
	s7 =	sshll.u32 s6, $0xE;
	s5 =	sor.u32 s3, s5  }
0x7: {  	_ =	strace $0x80000047;
	s8 =	ssub.s32 $0x2, s3;
	s3 =	sshll.u32 s5, $0x7  }
0x8: {  	s6 =	sadd.s32 $0x1, s5;
	s23 =	sshrl.u32 s8, $0x1;
	s24 =	sadd.s32 $0x2, s5  }
0x9: {  	s3 =	sor.u32 s3, s7;
	s9 =	sshll.u32 s6, $0x7;
	s10 =	sshll.u32 s6, $0xD  }
0xa: {  	s7 =	sshll.u32 s5, $0x9;
	s8 =	ssub.s32 s8, s23;
	s3 =	sand.u32 $0x38180, s3  }
0xb: {  	[dreg:$0x8] =	wrdreg s24;
	s25 =	smax.u32 s8, $0x1;
	s3 =	sor.u32 s7, s3  }
0xc: {  	s9 =	sor.u32 s9, s10;
	[dreg:$0x9] =	wrdreg s25;
	s10 =	sadd.s32 s1, s3  }
0xd: {  	s3 =	sadd.s32 s2, s3;
	[dreg:$0x4] =	wrdreg s10  }
0xe: {  	s26 =	sadd.s32 $0x48000, s10;
	[dreg:$0x5] =	wrdreg s3  }
0xf: {  	s31 =	sadd.s32 $0x90000, s10;
	[dreg:$0xa] =	wrdreg s26  }
0x10: {  	s8 =	sadd.s32 $0xD8000, s10;
	[dreg:$0xb] =	wrdreg s31  }
0x11: {  	s13 =	sadd.s32 $0x120000, s10;
	[dreg:$0xc] =	wrdreg s8  }
0x12: {  	s15 =	sadd.s32 $0x168000, s10;
	[dreg:$0xd] =	wrdreg s13  }
0x13: {  	s16 =	sadd.s32 $0x1B0000, s10;
	[dreg:$0xe] =	wrdreg s15  }
0x14: {  	s17 =	sadd.s32 $0x1F8000, s10;
	[dreg:$0xf] =	wrdreg s16  }
0x15: {  	s18 =	sadd.s32 $0x240000, s10;
	[dreg:$0x10] =	wrdreg s17  }
0x16: {  	s19 =	sadd.s32 $0x4000, s10;
	[dreg:$0x11] =	wrdreg s18  }
0x17: {  	s20 =	sadd.s32 $0x4C000, s10;
	[dreg:$0x12] =	wrdreg s19  }
0x18: {  	s21 =	sadd.s32 $0x94000, s10;
	[dreg:$0x13] =	wrdreg s20  }
0x19: {  	s22 =	sadd.s32 $0xDC000, s10;
	[dreg:$0x14] =	wrdreg s21  }
0x1a: {  	s23 =	sadd.s32 $0x124000, s10;
	[dreg:$0x15] =	wrdreg s22  }
0x1b: {  	s9 =	sand.u32 $0x78180, s9;
	s24 =	sadd.s32 $0x16C000, s10;
	[dreg:$0x16] =	wrdreg s23  }
0x1c: {  	s9 =	sor.u32 s7, s9;
	s25 =	sadd.s32 $0x1B4000, s10;
	[dreg:$0x17] =	wrdreg s24  }
0x1d: {  	s11 =	sadd.s32 s1, s9;
	[dreg:$0x18] =	wrdreg s25  }
0x1e: {  	s9 =	sadd.s32 s2, s9;
	[dreg:$0x6] =	wrdreg s11  }
0x1f: {  	s26 =	sadd.s32 $0x1FC000, s10;
	[dreg:$0x7] =	wrdreg s9  }
0x20: {  	s31 =	sadd.s32 $0x244000, s10;
	[dreg:$0x19] =	wrdreg s26  }
0x21: {  	s8 =	sadd.s32 $0x48000, s3;
	[dreg:$0x1a] =	wrdreg s31  }
0x22: {  	s10 =	sadd.s32 $0x90000, s3;
	[dreg:$0x1b] =	wrdreg s8  }
0x23: {  	s13 =	sadd.s32 $0xD8000, s3;
	[dreg:$0x1c] =	wrdreg s10  }
0x24: {  	s15 =	sadd.s32 $0x120000, s3;
	[dreg:$0x1d] =	wrdreg s13  }
0x25: {  	s16 =	sadd.s32 $0x168000, s3;
	[dreg:$0x1e] =	wrdreg s15  }
0x26: {  	s17 =	sadd.s32 $0x1B0000, s3;
	[dreg:$0x1f] =	wrdreg s16  }
0x27: {  	s18 =	sadd.s32 $0x1F8000, s3;
	[smem:$0x7D0] =	sst s17  }
0x28: {  	s19 =	sadd.s32 $0x240000, s3;
	[smem:$0x7D1] =	sst s18  }
0x29: {  	s20 =	sadd.s32 $0x4000, s3;
	[smem:$0x7D2] =	sst s19  }
0x2a: {  	s21 =	sadd.s32 $0x4C000, s3;
	[smem:$0x7D3] =	sst s20  }
0x2b: {  	s22 =	sadd.s32 $0x94000, s3;
	[smem:$0x7D4] =	sst s21  }
0x2c: {  	s23 =	sadd.s32 $0xDC000, s3;
	[smem:$0x7D5] =	sst s22  }
0x2d: {  	s24 =	sadd.s32 $0x124000, s3;
	[smem:$0x7D6] =	sst s23  }
0x2e: {  	s25 =	sadd.s32 $0x16C000, s3;
	[smem:$0x7D7] =	sst s24  }
0x2f: {  	[smem:$0x7D8] =	sst s25;
	s26 =	sadd.s32 $0x1B4000, s3  }
0x30: {  	s31 =	sadd.s32 $0x1FC000, s3;
	[smem:$0x7D9] =	sst s26  }
0x31: {  	s3 =	sadd.s32 $0x244000, s3;
	[smem:$0x7DA] =	sst s31  }
0x32: {  	s8 =	sadd.s32 $0x48000, s11;
	[smem:$0x7DB] =	sst s3  }
0x33: {  	s10 =	sadd.s32 $0x90000, s11;
	[smem:$0x7DC] =	sst s8  }
0x34: {  	s13 =	sadd.s32 $0xD8000, s11;
	[smem:$0x7DD] =	sst s10  }
0x35: {  	s15 =	sadd.s32 $0x120000, s11;
	[smem:$0x7DE] =	sst s13  }
0x36: {  	s16 =	sadd.s32 $0x168000, s11;
	[smem:$0x7DF] =	sst s15  }
0x37: {  	s17 =	sadd.s32 $0x1B0000, s11;
	[smem:$0x7E0] =	sst s16  }
0x38: {  	s18 =	sadd.s32 $0x1F8000, s11;
	[smem:$0x7E1] =	sst s17  }
0x39: {  	s19 =	sadd.s32 $0x240000, s11;
	[smem:$0x7E2] =	sst s18  }
0x3a: {  	s20 =	sadd.s32 $0x4000, s11;
	[smem:$0x7E3] =	sst s19  }
0x3b: {  	s21 =	sadd.s32 $0x4C000, s11;
	[smem:$0x7E4] =	sst s20  }
0x3c: {  	s22 =	sadd.s32 $0x94000, s11;
	[smem:$0x7E5] =	sst s21  }
0x3d: {  	s23 =	sadd.s32 $0xDC000, s11;
	[smem:$0x7E6] =	sst s22  }
0x3e: {  	s24 =	sadd.s32 $0x124000, s11;
	[smem:$0x7E7] =	sst s23  }
0x3f: {  	s25 =	sadd.s32 $0x16C000, s11;
	[smem:$0x7E8] =	sst s24  }
0x40: {  	[smem:$0x7E9] =	sst s25;
	s26 =	sadd.s32 $0x1B4000, s11  }
0x41: {  	s31 =	sadd.s32 $0x1FC000, s11;
	[smem:$0x7EA] =	sst s26  }
0x42: {  	s3 =	sadd.s32 $0x244000, s11;
	[smem:$0x7EB] =	sst s31  }
0x43: {  	s8 =	sadd.s32 $0x48000, s9;
	[smem:$0x7EC] =	sst s3  }
0x44: {  	s10 =	sadd.s32 $0x90000, s9;
	[smem:$0x7ED] =	sst s8  }
0x45: {  	s11 =	sadd.s32 $0xD8000, s9;
	[smem:$0x7EE] =	sst s10  }
0x46: {  	s13 =	sadd.s32 $0x120000, s9;
	[smem:$0x7EF] =	sst s11  }
0x47: {  	s15 =	sadd.s32 $0x168000, s9;
	[smem:$0x7F0] =	sst s13  }
0x48: {  	s16 =	sadd.s32 $0x1B0000, s9;
	[smem:$0x7F1] =	sst s15  }
0x49: {  	s17 =	sadd.s32 $0x1F8000, s9;
	[smem:$0x7F2] =	sst s16  }
0x4a: {  	s18 =	sadd.s32 $0x240000, s9;
	[smem:$0x7F3] =	sst s17  }
0x4b: {  	s19 =	sadd.s32 $0x4000, s9;
	[smem:$0x7F4] =	sst s18  }
0x4c: {  	s20 =	sadd.s32 $0x4C000, s9;
	[smem:$0x7F5] =	sst s19  }
0x4d: {  	s21 =	sadd.s32 $0x94000, s9;
	[smem:$0x7F6] =	sst s20  }
0x4e: {  	s28 =	simm.s32 $0x17C00;
	s22 =	sadd.s32 $0xDC000, s9;
	[smem:$0x7F7] =	sst s21  }
0x4f: {  	s29 =	simm.s32 $0x18400;
	s23 =	sadd.s32 $0x124000, s9;
	[smem:$0x7F8] =	sst s22  }
0x50: {  	s30 =	simm.s32 $0x18C00;
	s24 =	sadd.s32 $0x16C000, s9;
	[smem:$0x7F9] =	sst s23  }
0x51: {  	s14 =	sadd.s32 $0x3, s5;
	s25 =	sadd.s32 $0x1B4000, s9;
	[smem:$0x7FA] =	sst s24  }
0x52: {  	s12 =	sadd.s32 s0, s7;
	s0 =	simm.s32 $0x2;
	[smem:$0x7FB] =	sst s25  }
0x53: {  	s26 =	sadd.s32 $0x1FC000, s9;
	s31 =	sadd.s32 $0x244000, s9;
	s16 =	simm.s32 $0x1  }
.Ltmp0:
0x54: {  	s17 =	simm.s32 $0x3;
	s3 =	simm.s32 $0x4;
	(pc) =	sbr.rel .LBB2_1-.Ltmp0, $4  }
0x55: {  	s23 =	simm.s32 $0x19800;
	s24 =	simm.s32 $0x1A000;
	s13 =	simm.s32 $0x1A800  }
0x56: {  	s25 =	simm.s32 $0x16C00;
	s8 =	simm.s32 $0x19400;
	s9 =	simm.s32 $0x19C00  }
0x57: {  	s10 =	simm.s32 $0x1A400;
	s11 =	simm.s32 $0x1AC00;
	[smem:$0x7FC] =	sst s26  }
0x58: {  	v0 =	vimm.f32 $0.0e+00;
	s19 =	simm.s32 $0x0;
	[smem:$0x7FD] =	sst s31;
	s26 =	simm.s32 $0x17400  }
.LBB2_10:
0x59: {  	s15 =	simm.s32 $0x5  }
0x5a: {  	_ =	swait.ge [sflag:s15], $0x2880  }
0x5b: {  	[sflag:s15] =	ssyncset.done $0x0  }
0x5c: {  	s18 =	simm.s32 $0x6;
	[sflag:s15] =	ssyncadd.s32 $0xFFFFD780  }
0x5d: {  	_ =	swait.ge [sflag:s18], $0x2880  }
0x5e: {  	s19 =	sld [smem:$0x7CF];
	_ =	sdelay $0x2  }
0x5f: {  	s31 =	rddreg [dreg:$0x9];
	s19 =	sadd.s32 $0x1, s19  }
0x60: {  	p0 =	sne.s32 s19, s31  }
.Ltmp1:
0x61: {  	_ = 	snop;
	(pc) =	sbr.rel @!p0 .LBB2_11-.Ltmp1, $3  }
0x62: {  	_ =	sdelay $0x1  }
0x63: {  	[sflag:s18] =	ssyncset.done $0x0  }
0x64: {  	[sflag:s18] =	ssyncadd.s32 $0xFFFFD780  }
.LBB2_1:
0x65: {  	[smem:$0x7CF] =	sst s19  }
0x66: {  	s15 =	rddreg [dreg:$0x4]  }
0x67: {  	s22 =	rddreg [dreg:$0xa]  }
0x68: {  	[tilespmem:s4], [sflag:$0x1] =	stream.linear.gather [hbm4b:s15+s4], $0x400, $0x38;
	[tilespmem:$0x1B000] =	vst v63  }
0x69: {  	s18 =	simm.s32 $0x800;
	s19 =	rddreg [dreg:$0xb]  }
0x6a: {  	[tilespmem:s18], [sflag:$0x1] =	stream.linear.gather [hbm4b:s22+s4], $0x400, $0x38;
	[tilespmem:$0x1B000] =	vst v63  }
0x6b: {  	s20 =	simm.s32 $0x1000;
	s21 =	rddreg [dreg:$0xc]  }
0x6c: {  	[tilespmem:s20], [sflag:$0x1] =	stream.linear.gather [hbm4b:s19+s4], $0x400, $0x38;
	[tilespmem:$0x1B000] =	vst v63  }
0x6d: {  	s22 =	simm.s32 $0x1800;
	s19 =	rddreg [dreg:$0xd]  }
0x6e: {  	[tilespmem:s22], [sflag:$0x1] =	stream.linear.gather [hbm4b:s21+s4], $0x400, $0x38;
	[tilespmem:$0x1B000] =	vst v63  }
0x6f: {  	s20 =	simm.s32 $0x2000;
	s21 =	rddreg [dreg:$0xe]  }
0x70: {  	[tilespmem:s20], [sflag:$0x1] =	stream.linear.gather [hbm4b:s19+s4], $0x400, $0x38;
	[tilespmem:$0x1B000] =	vst v63  }
0x71: {  	s22 =	simm.s32 $0x2800;
	s19 =	rddreg [dreg:$0xf]  }
0x72: {  	[tilespmem:s22], [sflag:$0x1] =	stream.linear.gather [hbm4b:s21+s4], $0x400, $0x38;
	[tilespmem:$0x1B000] =	vst v63  }
0x73: {  	s20 =	simm.s32 $0x3000;
	s21 =	rddreg [dreg:$0x10]  }
0x74: {  	[tilespmem:s20], [sflag:$0x1] =	stream.linear.gather [hbm4b:s19+s4], $0x400, $0x38;
	[tilespmem:$0x1B000] =	vst v63  }
0x75: {  	s22 =	simm.s32 $0x3800;
	s19 =	rddreg [dreg:$0x11]  }
0x76: {  	[tilespmem:s22], [sflag:$0x1] =	stream.linear.gather [hbm4b:s21+s4], $0x400, $0x38;
	[tilespmem:$0x1B000] =	vst v63  }
0x77: {  	s20 =	simm.s32 $0x4000;
	s21 =	rddreg [dreg:$0x12]  }
0x78: {  	[tilespmem:s20], [sflag:$0x1] =	stream.linear.gather [hbm4b:s19+s4], $0x400, $0x38;
	[tilespmem:$0x1B000] =	vst v63  }
0x79: {  	s22 =	simm.s32 $0x400;
	s19 =	rddreg [dreg:$0x13]  }
0x7a: {  	[tilespmem:s22], [sflag:$0x1] =	stream.linear.gather [hbm4b:s21+s4], $0x80, $0x38;
	[tilespmem:$0x1B000] =	vst v63  }
0x7b: {  	s20 =	simm.s32 $0xC00;
	s21 =	rddreg [dreg:$0x14]  }
0x7c: {  	[tilespmem:s20], [sflag:$0x1] =	stream.linear.gather [hbm4b:s19+s4], $0x80, $0x38;
	[tilespmem:$0x1B000] =	vst v63  }
0x7d: {  	s22 =	simm.s32 $0x1400;
	s19 =	rddreg [dreg:$0x15]  }
0x7e: {  	[tilespmem:s22], [sflag:$0x1] =	stream.linear.gather [hbm4b:s21+s4], $0x80, $0x38;
	[tilespmem:$0x1B000] =	vst v63  }
0x7f: {  	s20 =	simm.s32 $0x1C00;
	s21 =	rddreg [dreg:$0x16]  }
0x80: {  	[tilespmem:s20], [sflag:$0x1] =	stream.linear.gather [hbm4b:s19+s4], $0x80, $0x38;
	[tilespmem:$0x1B000] =	vst v63  }
0x81: {  	s22 =	simm.s32 $0x2400;
	s19 =	rddreg [dreg:$0x17]  }
0x82: {  	[tilespmem:s22], [sflag:$0x1] =	stream.linear.gather [hbm4b:s21+s4], $0x80, $0x38;
	[tilespmem:$0x1B000] =	vst v63  }
0x83: {  	s20 =	simm.s32 $0x2C00;
	s21 =	rddreg [dreg:$0x18]  }
0x84: {  	[tilespmem:s20], [sflag:$0x1] =	stream.linear.gather [hbm4b:s19+s4], $0x80, $0x38;
	[tilespmem:$0x1B000] =	vst v63  }
0x85: {  	s22 =	simm.s32 $0x3400;
	s19 =	rddreg [dreg:$0x19]  }
0x86: {  	[tilespmem:s22], [sflag:$0x1] =	stream.linear.gather [hbm4b:s21+s4], $0x80, $0x38;
	[tilespmem:$0x1B000] =	vst v63  }
0x87: {  	s20 =	simm.s32 $0x3C00;
	s21 =	rddreg [dreg:$0x1a]  }
0x88: {  	[tilespmem:s20], [sflag:$0x1] =	stream.linear.gather [hbm4b:s19+s4], $0x80, $0x38;
	[tilespmem:$0x1B000] =	vst v63  }
0x89: {  	s22 =	simm.s32 $0x4400;
	s19 =	rddreg [dreg:$0x5]  }
0x8a: {  	[tilespmem:s22], [sflag:$0x1] =	stream.linear.gather [hbm4b:s21+s4], $0x80, $0x38;
	[tilespmem:$0x1B000] =	vst v63  }
0x8b: {  	s20 =	simm.s32 $0x9000;
	s21 =	rddreg [dreg:$0x1b]  }
0x8c: {  	[tilespmem:s20], [sflag:$0x3] =	stream.linear.gather [hbm4b:s19+s4], $0x400, $0x38;
	[tilespmem:$0x1B000] =	vst v63  }
0x8d: {  	s22 =	simm.s32 $0x9800;
	s19 =	rddreg [dreg:$0x1c]  }
0x8e: {  	[tilespmem:s22], [sflag:$0x3] =	stream.linear.gather [hbm4b:s21+s4], $0x400, $0x38;
	[tilespmem:$0x1B000] =	vst v63  }
0x8f: {  	s20 =	simm.s32 $0xA000;
	s21 =	rddreg [dreg:$0x1d]  }
0x90: {  	[tilespmem:s20], [sflag:$0x3] =	stream.linear.gather [hbm4b:s19+s4], $0x400, $0x38;
	[tilespmem:$0x1B000] =	vst v63  }
0x91: {  	s22 =	simm.s32 $0xA800;
	s19 =	rddreg [dreg:$0x1e]  }
0x92: {  	[tilespmem:s22], [sflag:$0x3] =	stream.linear.gather [hbm4b:s21+s4], $0x400, $0x38;
	[tilespmem:$0x1B000] =	vst v63  }
0x93: {  	s20 =	simm.s32 $0xB000;
	s21 =	rddreg [dreg:$0x1f]  }
0x94: {  	[tilespmem:s20], [sflag:$0x3] =	stream.linear.gather [hbm4b:s19+s4], $0x400, $0x38;
	[tilespmem:$0x1B000] =	vst v63  }
0x95: {  	s22 =	simm.s32 $0xB800;
	s19 =	sld [smem:$0x7D0]  }
0x96: {  	[tilespmem:s22], [sflag:$0x3] =	stream.linear.gather [hbm4b:s21+s4], $0x400, $0x38;
	[tilespmem:$0x1B000] =	vst v63  }
0x97: {  	s20 =	simm.s32 $0xC000;
	s21 =	sld [smem:$0x7D1]  }
0x98: {  	[tilespmem:s20], [sflag:$0x3] =	stream.linear.gather [hbm4b:s19+s4], $0x400, $0x38;
	[tilespmem:$0x1B000] =	vst v63  }
0x99: {  	s22 =	simm.s32 $0xC800;
	s19 =	sld [smem:$0x7D2]  }
0x9a: {  	[tilespmem:s22], [sflag:$0x3] =	stream.linear.gather [hbm4b:s21+s4], $0x400, $0x38;
	[tilespmem:$0x1B000] =	vst v63  }
0x9b: {  	s20 =	simm.s32 $0xD000;
	s21 =	sld [smem:$0x7D3]  }
0x9c: {  	[tilespmem:s20], [sflag:$0x3] =	stream.linear.gather [hbm4b:s19+s4], $0x400, $0x38;
	[tilespmem:$0x1B000] =	vst v63  }
0x9d: {  	s22 =	simm.s32 $0x9400;
	s19 =	sld [smem:$0x7D4]  }
0x9e: {  	[tilespmem:s22], [sflag:$0x3] =	stream.linear.gather [hbm4b:s21+s4], $0x80, $0x38;
	[tilespmem:$0x1B000] =	vst v63  }
0x9f: {  	s20 =	simm.s32 $0x9C00;
	s21 =	sld [smem:$0x7D5]  }
0xa0: {  	[tilespmem:s20], [sflag:$0x3] =	stream.linear.gather [hbm4b:s19+s4], $0x80, $0x38;
	[tilespmem:$0x1B000] =	vst v63  }
0xa1: {  	s22 =	simm.s32 $0xA400;
	s19 =	sld [smem:$0x7D6]  }
0xa2: {  	[tilespmem:s22], [sflag:$0x3] =	stream.linear.gather [hbm4b:s21+s4], $0x80, $0x38;
	[tilespmem:$0x1B000] =	vst v63  }
0xa3: {  	s20 =	simm.s32 $0xAC00;
	s21 =	sld [smem:$0x7D7]  }
0xa4: {  	[tilespmem:s20], [sflag:$0x3] =	stream.linear.gather [hbm4b:s19+s4], $0x80, $0x38;
	[tilespmem:$0x1B000] =	vst v63  }
0xa5: {  	s22 =	simm.s32 $0xB400;
	s19 =	sld [smem:$0x7D8]  }
0xa6: {  	[tilespmem:s22], [sflag:$0x3] =	stream.linear.gather [hbm4b:s21+s4], $0x80, $0x38;
	[tilespmem:$0x1B000] =	vst v63  }
0xa7: {  	s20 =	simm.s32 $0xBC00;
	s21 =	sld [smem:$0x7D9]  }
0xa8: {  	[tilespmem:s20], [sflag:$0x3] =	stream.linear.gather [hbm4b:s19+s4], $0x80, $0x38;
	[tilespmem:$0x1B000] =	vst v63  }
0xa9: {  	s22 =	simm.s32 $0xC400;
	s19 =	sld [smem:$0x7DA]  }
0xaa: {  	[tilespmem:s22], [sflag:$0x3] =	stream.linear.gather [hbm4b:s21+s4], $0x80, $0x38;
	[tilespmem:$0x1B000] =	vst v63  }
0xab: {  	s20 =	simm.s32 $0xCC00;
	s21 =	sld [smem:$0x7DB]  }
0xac: {  	[tilespmem:s20], [sflag:$0x3] =	stream.linear.gather [hbm4b:s19+s4], $0x80, $0x38;
	[tilespmem:$0x1B000] =	vst v63  }
0xad: {  	s22 =	simm.s32 $0xD400;
	s19 =	rddreg [dreg:$0x6]  }
0xae: {  	[tilespmem:s22], [sflag:$0x3] =	stream.linear.gather [hbm4b:s21+s4], $0x80, $0x38;
	[tilespmem:$0x1B000] =	vst v63  }
0xaf: {  	s20 =	simm.s32 $0x4800;
	s21 =	sld [smem:$0x7DC]  }
0xb0: {  	[tilespmem:s20], [sflag:$0x2] =	stream.linear.gather [hbm4b:s19+s4], $0x400, $0x38;
	[tilespmem:$0x1B000] =	vst v63  }
0xb1: {  	s22 =	simm.s32 $0x5000;
	s19 =	sld [smem:$0x7DD]  }
0xb2: {  	[tilespmem:s22], [sflag:$0x2] =	stream.linear.gather [hbm4b:s21+s4], $0x400, $0x38;
	[tilespmem:$0x1B000] =	vst v63  }
0xb3: {  	s20 =	simm.s32 $0x5800;
	s21 =	sld [smem:$0x7DE]  }
0xb4: {  	[tilespmem:s20], [sflag:$0x2] =	stream.linear.gather [hbm4b:s19+s4], $0x400, $0x38;
	[tilespmem:$0x1B000] =	vst v63  }
0xb5: {  	s22 =	simm.s32 $0x6000;
	s19 =	sld [smem:$0x7DF]  }
0xb6: {  	[tilespmem:s22], [sflag:$0x2] =	stream.linear.gather [hbm4b:s21+s4], $0x400, $0x38;
	[tilespmem:$0x1B000] =	vst v63  }
0xb7: {  	s20 =	simm.s32 $0x6800;
	s21 =	sld [smem:$0x7E0]  }
0xb8: {  	[tilespmem:s20], [sflag:$0x2] =	stream.linear.gather [hbm4b:s19+s4], $0x400, $0x38;
	[tilespmem:$0x1B000] =	vst v63  }
0xb9: {  	s22 =	simm.s32 $0x7000;
	s19 =	sld [smem:$0x7E1]  }
0xba: {  	[tilespmem:s22], [sflag:$0x2] =	stream.linear.gather [hbm4b:s21+s4], $0x400, $0x38;
	[tilespmem:$0x1B000] =	vst v63  }
0xbb: {  	s20 =	simm.s32 $0x7800;
	s21 =	sld [smem:$0x7E2]  }
0xbc: {  	[tilespmem:s20], [sflag:$0x2] =	stream.linear.gather [hbm4b:s19+s4], $0x400, $0x38;
	[tilespmem:$0x1B000] =	vst v63  }
0xbd: {  	s22 =	simm.s32 $0x8000;
	s19 =	sld [smem:$0x7E3]  }
0xbe: {  	[tilespmem:s22], [sflag:$0x2] =	stream.linear.gather [hbm4b:s21+s4], $0x400, $0x38;
	[tilespmem:$0x1B000] =	vst v63  }
0xbf: {  	s20 =	simm.s32 $0x8800;
	s21 =	sld [smem:$0x7E4]  }
0xc0: {  	[tilespmem:s20], [sflag:$0x2] =	stream.linear.gather [hbm4b:s19+s4], $0x400, $0x38;
	[tilespmem:$0x1B000] =	vst v63  }
0xc1: {  	s22 =	simm.s32 $0x4C00;
	s19 =	sld [smem:$0x7E5]  }
0xc2: {  	[tilespmem:s22], [sflag:$0x2] =	stream.linear.gather [hbm4b:s21+s4], $0x80, $0x38;
	[tilespmem:$0x1B000] =	vst v63  }
0xc3: {  	s20 =	simm.s32 $0x5400;
	s21 =	sld [smem:$0x7E6]  }
0xc4: {  	[tilespmem:s20], [sflag:$0x2] =	stream.linear.gather [hbm4b:s19+s4], $0x80, $0x38;
	[tilespmem:$0x1B000] =	vst v63  }
0xc5: {  	s22 =	simm.s32 $0x5C00;
	s19 =	sld [smem:$0x7E7]  }
0xc6: {  	[tilespmem:s22], [sflag:$0x2] =	stream.linear.gather [hbm4b:s21+s4], $0x80, $0x38;
	[tilespmem:$0x1B000] =	vst v63  }
0xc7: {  	s20 =	simm.s32 $0x6400;
	s21 =	sld [smem:$0x7E8]  }
0xc8: {  	[tilespmem:s20], [sflag:$0x2] =	stream.linear.gather [hbm4b:s19+s4], $0x80, $0x38;
	[tilespmem:$0x1B000] =	vst v63  }
0xc9: {  	s22 =	simm.s32 $0x6C00;
	s19 =	sld [smem:$0x7E9]  }
0xca: {  	[tilespmem:s22], [sflag:$0x2] =	stream.linear.gather [hbm4b:s21+s4], $0x80, $0x38;
	[tilespmem:$0x1B000] =	vst v63  }
0xcb: {  	s20 =	simm.s32 $0x7400;
	s21 =	sld [smem:$0x7EA]  }
0xcc: {  	[tilespmem:s20], [sflag:$0x2] =	stream.linear.gather [hbm4b:s19+s4], $0x80, $0x38;
	[tilespmem:$0x1B000] =	vst v63  }
0xcd: {  	s22 =	simm.s32 $0x7C00;
	s19 =	sld [smem:$0x7EB]  }
0xce: {  	[tilespmem:s22], [sflag:$0x2] =	stream.linear.gather [hbm4b:s21+s4], $0x80, $0x38;
	[tilespmem:$0x1B000] =	vst v63  }
0xcf: {  	s20 =	simm.s32 $0x8400;
	s21 =	sld [smem:$0x7EC]  }
0xd0: {  	[tilespmem:s20], [sflag:$0x2] =	stream.linear.gather [hbm4b:s19+s4], $0x80, $0x38;
	[tilespmem:$0x1B000] =	vst v63  }
0xd1: {  	s22 =	simm.s32 $0x8C00;
	s19 =	rddreg [dreg:$0x7]  }
0xd2: {  	[tilespmem:s22], [sflag:$0x2] =	stream.linear.gather [hbm4b:s21+s4], $0x80, $0x38;
	[tilespmem:$0x1B000] =	vst v63  }
0xd3: {  	s20 =	simm.s32 $0xD800;
	s21 =	sld [smem:$0x7ED]  }
0xd4: {  	[tilespmem:s20], [sflag:$0x4] =	stream.linear.gather [hbm4b:s19+s4], $0x400, $0x38;
	[tilespmem:$0x1B000] =	vst v63  }
0xd5: {  	s22 =	simm.s32 $0xE000;
	s19 =	sld [smem:$0x7EE]  }
0xd6: {  	[tilespmem:s22], [sflag:$0x4] =	stream.linear.gather [hbm4b:s21+s4], $0x400, $0x38;
	[tilespmem:$0x1B000] =	vst v63  }
0xd7: {  	s20 =	simm.s32 $0xE800;
	s21 =	sld [smem:$0x7EF]  }
0xd8: {  	[tilespmem:s20], [sflag:$0x4] =	stream.linear.gather [hbm4b:s19+s4], $0x400, $0x38;
	[tilespmem:$0x1B000] =	vst v63  }
0xd9: {  	s22 =	simm.s32 $0xF000;
	s19 =	sld [smem:$0x7F0]  }
0xda: {  	[tilespmem:s22], [sflag:$0x4] =	stream.linear.gather [hbm4b:s21+s4], $0x400, $0x38;
	[tilespmem:$0x1B000] =	vst v63  }
0xdb: {  	s20 =	simm.s32 $0xF800;
	s21 =	sld [smem:$0x7F1]  }
0xdc: {  	[tilespmem:s20], [sflag:$0x4] =	stream.linear.gather [hbm4b:s19+s4], $0x400, $0x38;
	[tilespmem:$0x1B000] =	vst v63  }
0xdd: {  	s22 =	simm.s32 $0x10000;
	s19 =	sld [smem:$0x7F2]  }
0xde: {  	[tilespmem:s22], [sflag:$0x4] =	stream.linear.gather [hbm4b:s21+s4], $0x400, $0x38;
	[tilespmem:$0x1B000] =	vst v63  }
0xdf: {  	s20 =	simm.s32 $0x10800;
	s21 =	sld [smem:$0x7F3]  }
0xe0: {  	[tilespmem:s20], [sflag:$0x4] =	stream.linear.gather [hbm4b:s19+s4], $0x400, $0x38;
	[tilespmem:$0x1B000] =	vst v63  }
0xe1: {  	s22 =	simm.s32 $0x11000;
	s19 =	sld [smem:$0x7F4]  }
0xe2: {  	[tilespmem:s22], [sflag:$0x4] =	stream.linear.gather [hbm4b:s21+s4], $0x400, $0x38;
	[tilespmem:$0x1B000] =	vst v63  }
0xe3: {  	s20 =	simm.s32 $0x11800;
	s21 =	sld [smem:$0x7F5]  }
0xe4: {  	[tilespmem:s20], [sflag:$0x4] =	stream.linear.gather [hbm4b:s19+s4], $0x400, $0x38;
	[tilespmem:$0x1B000] =	vst v63  }
0xe5: {  	s22 =	simm.s32 $0xDC00;
	s19 =	sld [smem:$0x7F6]  }
0xe6: {  	[tilespmem:s22], [sflag:$0x4] =	stream.linear.gather [hbm4b:s21+s4], $0x80, $0x38;
	[tilespmem:$0x1B000] =	vst v63  }
0xe7: {  	s20 =	simm.s32 $0xE400;
	s21 =	sld [smem:$0x7F7]  }
0xe8: {  	[tilespmem:s20], [sflag:$0x4] =	stream.linear.gather [hbm4b:s19+s4], $0x80, $0x38;
	[tilespmem:$0x1B000] =	vst v63  }
0xe9: {  	s22 =	simm.s32 $0xEC00;
	s19 =	sld [smem:$0x7F8]  }
0xea: {  	[tilespmem:s22], [sflag:$0x4] =	stream.linear.gather [hbm4b:s21+s4], $0x80, $0x38;
	[tilespmem:$0x1B000] =	vst v63  }
0xeb: {  	s20 =	simm.s32 $0xF400;
	s21 =	sld [smem:$0x7F9]  }
0xec: {  	[tilespmem:s20], [sflag:$0x4] =	stream.linear.gather [hbm4b:s19+s4], $0x80, $0x38;
	[tilespmem:$0x1B000] =	vst v63  }
0xed: {  	s22 =	simm.s32 $0xFC00;
	s19 =	sld [smem:$0x7FA]  }
0xee: {  	[tilespmem:s22], [sflag:$0x4] =	stream.linear.gather [hbm4b:s21+s4], $0x80, $0x38;
	[tilespmem:$0x1B000] =	vst v63  }
0xef: {  	s20 =	simm.s32 $0x10400;
	s21 =	sld [smem:$0x7FB]  }
0xf0: {  	[tilespmem:s20], [sflag:$0x4] =	stream.linear.gather [hbm4b:s19+s4], $0x80, $0x38;
	[tilespmem:$0x1B000] =	vst v63  }
0xf1: {  	s22 =	simm.s32 $0x10C00;
	s19 =	sld [smem:$0x7FC]  }
0xf2: {  	[tilespmem:s22], [sflag:$0x4] =	stream.linear.gather [hbm4b:s21+s4], $0x80, $0x38;
	[tilespmem:$0x1B000] =	vst v63  }
0xf3: {  	s20 =	simm.s32 $0x11400;
	s21 =	sld [smem:$0x7FD]  }
0xf4: {  	[tilespmem:s20], [sflag:$0x4] =	stream.linear.gather [hbm4b:s19+s4], $0x80, $0x38;
	[tilespmem:$0x1B000] =	vst v63  }
0xf5: {  	s31 =	simm.s32 $0x0;
	s22 =	simm.s32 $0x11C00  }
0xf6: {  	[tilespmem:s22], [sflag:$0x4] =	stream.linear.gather [hbm4b:s21+s4], $0x80, $0x38;
	[tilespmem:$0x1B000] =	vst v63  }
.LBB2_2:
0xf7: {  	_ =	swait.ge [sflag:s16], $0x2880  }
0xf8: {  	[sflag:s16] =	ssyncset.done $0x0  }
0xf9: {  	[sflag:s16] =	ssyncadd.s32 $0xFFFFD780  }
0xfa: {  	_ =	swait.ge [sflag:s17], $0x2880  }
0xfb: {  	p0 =	seq.s32 s31, $0x0;
	[sflag:s17] =	ssyncset.done $0x0  }
0xfc: {  	s15 =	simm.s32 @!p0 $0x5;
	[sflag:s17] =	ssyncadd.s32 $0xFFFFD780  }
0xfd: {  	_ =	swait.ge @!p0 [sflag:s15], $0x2880  }
0xfe: {  	[sflag:s15] =	ssyncset.done @!p0 $0x0  }
0xff: {  	s18 =	simm.s32 $0x0;
	[sflag:s15] =	ssyncadd.s32 @!p0 $0xFFFFD780  }
0x100: {  	v5 =	vld [tilespmem:s18+$0x0]  }
0x101: {  	v8 =	vld [tilespmem:s18+$0x800]  }
0x102: {  	v11 =	vld [tilespmem:s18+$0x1000]  }
0x103: {  	v9 =	vld [tilespmem:s18+$0x4000]  }
0x104: {  	v12 =	vld [tilespmem:s18+$0xD000]  }
0x105: {  	v14 =	vld [tilespmem:s18+$0x1800]  }
0x106: {  	v4 =	vld [tilespmem:s18+$0x2000]  }
0x107: {  	v3 =	vld [tilespmem:s18+$0x2800]  }
0x108: {  	v1 =	vld [tilespmem:s18+$0x3000]  }
0x109: {  	v2 =	vld [tilespmem:s18+$0x3800];
	vm0 =	vgt.f32 v8, v5;
	v6 =	vmax.f32 v5, v8;
	v18 =	vmul.f32 v12, v9  }
0x10a: {  	v13 =	vld [tilespmem:s18+$0x9000];
	v7 =	vsel vm0, $0x3F800000, v0;
	vm0 =	vgt.f32 v11, v6;
	v6 =	vmax.f32 v6, v11  }
0x10b: {  	s15 =	sshll.u32 s31, $0x1;
	v15 =	vld [tilespmem:s18+$0x9800];
	v7 =	vsel vm0, $0x40000000, v7;
	vm0 =	vgt.f32 v14, v6;
	v6 =	vmax.f32 v6, v14  }
0x10c: {  	s19 =	sadd.s32 s5, s15;
	v17 =	vld [tilespmem:s18+$0xA800];
	v7 =	vsel vm0, $0x40400000, v7;
	vm0 =	vgt.f32 v4, v6;
	v6 =	vmax.f32 v6, v4  }
0x10d: {  	v16 =	vld [tilespmem:s18+$0xA000];
	s20 =	smulhi.u32 $0x38E38E39, s19;
	v7 =	vsel vm0, $0x40800000, v7;
	vm0 =	vgt.f32 v3, v6;
	v6 =	vmax.f32 v6, v3  }
0x10e: {  	v7 =	vsel vm0, $0x40A00000, v7;
	vm0 =	vgt.f32 v1, v6;
	v6 =	vmax.f32 v6, v1  }
0x10f: {  	s20 =	sshrl.u32 s20, $0x3;
	v7 =	vsel vm0, $0x40C00000, v7;
	vm0 =	vgt.f32 v2, v6;
	v6 =	vmax.f32 v6, v2  }
0x110: {  	v10 =	vld [tilespmem:s18+$0xB000];
	s20 =	smul.u32 $0x24, s20;
	v12 =	vmul.f32 v15, v8;
	v7 =	vsel vm0, $0x40E00000, v7;
	vm0 =	vgt.f32 v9, v6  }
0x111: {  	v14 =	vmul.f32 v17, v14;
	v9 =	vmul.f32 v13, v5;
	v6 =	vsel vm0, $0x41000000, v7;
	v7 =	vld [tilespmem:s18+$0xB800]  }
0x112: {  	v8 =	vld [tilespmem:s18+$0xC000];
	s19 =	ssub.s32 s19, s20;
	v13 =	vmul.f32 v16, v11;
	vm1 =	veq.f32 v6, $0.0e+00;
	vm0 =	veq.f32 v6, $8.000000000e+00  }
0x113: {  	s21 =	simm.s32 $0x10;
	s20 =	sshll.u32 s19, $0x7;
	v11 =	vld [tilespmem:s18+$0xC800];
	vm2 =	veq.f32 v6, $1.000000000e+00;
	vm5 =	veq.f32 v6, $2.000000000e+00;
	v5 =	vnsel vm0, $0x0, v18  }
0x114: {  	s22 =	simm.s32 $0x80;
	s20 =	sand.u32 $0x180, s20;
	vm6 =	veq.f32 v6, $3.000000000e+00;
	vm7 =	veq.f32 v6, $4.000000000e+00;
	vm0 =	veq.f32 v6, $5.000000000e+00;
	[tilespmem:s18+$0x16000] =	vst v5;
	v5 =	vld [tilespmem:s21+$0x0]  }
.LBB2_3:
0x115: {  	p1 =	sne.s32 s22, $0x11C0;
	v15 =	vld [tilespmem:s21+$0x800];
	v10 =	vmul.f32 v10, v4;
	vm3 =	veq.f32 v6, $6.000000000e+00;
	vm4 =	veq.f32 v6, $7.000000000e+00  }
0x116: {  	v4 =	vnsel vm1, $0x0, v9;
	v6 =	vnsel vm2, $0x0, v12;
	v16 =	vld [tilespmem:s21+$0x1000];
	v3 =	vmul.f32 v7, v3  }
0x117: {  	v7 =	vnsel vm5, $0x0, v13;
	v9 =	vnsel vm6, $0x0, v14;
	v17 =	vld [tilespmem:s21+$0x1800];
	[tilespmem:s18+$0x12000] =	vst v4;
	v1 =	vmul.f32 v8, v1  }
0x118: {  	v4 =	vld [tilespmem:s21+$0x2000];
	[tilespmem:s18+$0x12800] =	vst v6;
	v6 =	vnsel vm7, $0x0, v10;
	v8 =	vnsel vm0, $0x0, v3;
	v2 =	vmul.f32 v11, v2  }
0x119: {  	v3 =	vld [tilespmem:s21+$0x2800];
	[tilespmem:s18+$0x13000] =	vst v7;
	v7 =	vnsel vm3, $0x0, v1  }
0x11a: {  	v1 =	vld [tilespmem:s21+$0x3000];
	vm0 =	vgt.f32 v15, v5;
	v10 =	vmax.f32 v5, v15;
	[tilespmem:s18+$0x13800] =	vst v9;
	v9 =	vnsel vm4, $0x0, v2  }
0x11b: {  	v2 =	vld [tilespmem:s21+$0x3800];
	v11 =	vsel vm0, $0x3F800000, v0;
	vm0 =	vgt.f32 v16, v10;
	v10 =	vmax.f32 v10, v16;
	[tilespmem:s18+$0x14000] =	vst v6  }
0x11c: {  	v12 =	vld [tilespmem:s21+$0x4000];
	v6 =	vsel vm0, $0x40000000, v11;
	vm0 =	vgt.f32 v17, v10;
	v10 =	vmax.f32 v10, v17;
	[tilespmem:s18+$0x14800] =	vst v8  }
0x11d: {  	v6 =	vsel vm0, $0x40400000, v6;
	vm0 =	vgt.f32 v4, v10;
	v8 =	vmax.f32 v10, v4;
	v11 =	vld [tilespmem:s21+$0xD000];
	[tilespmem:s18+$0x15000] =	vst v7  }
0x11e: {  	v6 =	vsel vm0, $0x40800000, v6;
	vm0 =	vgt.f32 v3, v8;
	v7 =	vmax.f32 v8, v3;
	v8 =	vld [tilespmem:s21+$0x9000];
	[tilespmem:s18+$0x15800] =	vst v9;
	s18 =	smov.u32 s21  }
0x11f: {  	v6 =	vsel vm0, $0x40A00000, v6;
	vm0 =	vgt.f32 v1, v7;
	v7 =	vmax.f32 v7, v1;
	v13 =	vld [tilespmem:s18+$0x9800]  }
0x120: {  	v6 =	vsel vm0, $0x40C00000, v6;
	vm0 =	vgt.f32 v2, v7;
	v7 =	vmax.f32 v7, v2;
	v14 =	vld [tilespmem:s18+$0xA000]  }
0x121: {  	v6 =	vsel vm0, $0x40E00000, v6;
	vm0 =	vgt.f32 v12, v7;
	v18 =	vld [tilespmem:s18+$0xA800]  }
.Ltmp2:
0x122: {  	v6 =	vsel vm0, $0x41000000, v6;
	v10 =	vld [tilespmem:s18+$0xB000];
	v11 =	vmul.f32 v11, v12;
	(pc) =	sbr.rel @p1 .LBB2_3-.Ltmp2, $4  }
0x123: {  	vm1 =	veq.f32 v6, $0.0e+00;
	v9 =	vmul.f32 v8, v5;
	v7 =	vld [tilespmem:s18+$0xB800];
	vm0 =	veq.f32 v6, $8.000000000e+00  }
0x124: {  	vm2 =	veq.f32 v6, $1.000000000e+00;
	v12 =	vmul.f32 v13, v15;
	v8 =	vld [tilespmem:s18+$0xC000];
	v5 =	vnsel vm0, $0x0, v11  }
0x125: {  	s21 =	sshra.s32 s22, $0x2;
	vm5 =	veq.f32 v6, $2.000000000e+00;
	vm6 =	veq.f32 v6, $3.000000000e+00;
	v13 =	vmul.f32 v14, v16;
	v11 =	vld [tilespmem:s18+$0xC800];
	[tilespmem:s18+$0x16000] =	vst v5  }
0x126: {  	s22 =	sadd.s32 $0x40, s22;
	vm7 =	veq.f32 v6, $4.000000000e+00;
	vm0 =	veq.f32 v6, $5.000000000e+00;
	v5 =	vld [tilespmem:s21+$0x0];
	v14 =	vmul.f32 v18, v17  }
0x127: {  	v15 =	vld [tilespmem:s21+$0x800]  }
0x128: {  	v16 =	vld [tilespmem:s21+$0x1000];
	v4 =	vmul.f32 v10, v4  }
0x129: {  	v42 =	vld [tilespmem:s21+$0x1800];
	vm4 =	veq.f32 v6, $6.000000000e+00;
	vm3 =	veq.f32 v6, $7.000000000e+00;
	v43 =	vnsel vm1, $0x0, v9  }
0x12a: {  	v44 =	vld [tilespmem:s21+$0x2000];
	v12 =	vnsel vm2, $0x0, v12;
	v45 =	vnsel vm5, $0x0, v13;
	v3 =	vmul.f32 v7, v3  }
0x12b: {  	v46 =	vld [tilespmem:s21+$0x2800];
	v14 =	vnsel vm6, $0x0, v14;
	v1 =	vmul.f32 v8, v1;
	v4 =	vnsel vm7, $0x0, v4  }
0x12c: {  	v47 =	vld [tilespmem:s21+$0x3000];
	v2 =	vmul.f32 v11, v2;
	vm11 =	vgt.f32 v15, v5;
	v48 =	vmax.f32 v5, v15  }
0x12d: {  	v17 =	vld [tilespmem:s21+$0x3800];
	v18 =	vsel vm11, $0x3F800000, v0;
	vm12 =	vgt.f32 v16, v48;
	v11 =	vmax.f32 v48, v16  }
0x12e: {  	v19 =	vld [tilespmem:s21+$0x4000];
	v18 =	vsel vm12, $0x40000000, v18;
	vm13 =	vgt.f32 v42, v11;
	v11 =	vmax.f32 v11, v42  }
0x12f: {  	v20 =	vld [tilespmem:s21+$0xD000];
	[tilespmem:s18+$0x12000] =	vst v43;
	v49 =	vsel vm13, $0x40400000, v18;
	vm14 =	vgt.f32 v44, v11;
	v11 =	vmax.f32 v11, v44  }
0x130: {  	v50 =	vld [tilespmem:s21+$0x9000];
	[tilespmem:s18+$0x12800] =	vst v12;
	v6 =	vsel vm14, $0x40800000, v49;
	vm15 =	vgt.f32 v46, v11;
	v11 =	vmax.f32 v11, v46  }
0x131: {  	v51 =	vld [tilespmem:s21+$0x9800];
	[tilespmem:s18+$0x13000] =	vst v45;
	v6 =	vsel vm15, $0x40A00000, v6;
	vm5 =	vgt.f32 v47, v11;
	v52 =	vmax.f32 v11, v47  }
0x132: {  	v53 =	vld [tilespmem:s21+$0xA000];
	[tilespmem:s18+$0x13800] =	vst v14;
	v6 =	vsel vm5, $0x40C00000, v6;
	vm6 =	vgt.f32 v17, v52;
	v7 =	vmax.f32 v52, v17  }
0x133: {  	v54 =	vld [tilespmem:s21+$0xA800];
	[tilespmem:s18+$0x14000] =	vst v4;
	v3 =	vnsel vm0, $0x0, v3;
	v55 =	vsel vm6, $0x40E00000, v6;
	vm7 =	vgt.f32 v19, v7  }
0x134: {  	v56 =	vld [tilespmem:s21+$0xB000];
	[tilespmem:s18+$0x14800] =	vst v3;
	v1 =	vnsel vm4, $0x0, v1;
	v57 =	vmul.f32 v20, v19;
	v3 =	vsel vm7, $0x41000000, v55  }
0x135: {  	v58 =	vld [tilespmem:s21+$0xB800];
	[tilespmem:s18+$0x15000] =	vst v1;
	v1 =	vnsel vm3, $0x0, v2;
	v2 =	vmul.f32 v50, v5;
	vm0 =	veq.f32 v3, $8.000000000e+00  }
0x136: {  	v59 =	vld [tilespmem:s21+$0xC000];
	[tilespmem:s18+$0x15800] =	vst v1;
	v1 =	vmul.f32 v51, v15;
	vm8 =	veq.f32 v3, $0.0e+00;
	v4 =	vnsel vm0, $0x0, v57  }
0x137: {  	v60 =	vld [tilespmem:s21+$0xC800];
	v11 =	vmul.f32 v53, v16;
	vm9 =	veq.f32 v3, $1.000000000e+00;
	v2 =	vnsel vm8, $0x0, v2;
	[tilespmem:s21+$0x16000] =	vst v4  }
0x138: {  	v61 =	vmul.f32 v54, v42;
	vm10 =	veq.f32 v3, $2.000000000e+00;
	v1 =	vnsel vm9, $0x0, v1;
	[tilespmem:s21+$0x12000] =	vst v2  }
0x139: {  	vm11 =	veq.f32 v3, $3.000000000e+00;
	v62 =	vnsel vm10, $0x0, v11;
	v2 =	vmul.f32 v56, v44;
	[tilespmem:s21+$0x12800] =	vst v1  }
0x13a: {  	vm12 =	veq.f32 v3, $4.000000000e+00;
	v1 =	vmul.f32 v58, v46;
	v4 =	vnsel vm11, $0x0, v61;
	[tilespmem:s21+$0x13000] =	vst v62  }
0x13b: {  	v5 =	vmul.f32 v59, v47;
	vm13 =	veq.f32 v3, $5.000000000e+00;
	[tilespmem:s21+$0x13800] =	vst v4;
	v2 =	vnsel vm12, $0x0, v2  }
0x13c: {  	s19 =	sshll.u32 s19, $0xD;
	v63 =	vmul.f32 v60, v17;
	vm14 =	veq.f32 v3, $6.000000000e+00;
	v1 =	vnsel vm13, $0x0, v1;
	[tilespmem:s21+$0x14000] =	vst v2  }
0x13d: {  	s18 =	sand.u32 $0x78000, s19;
	vm15 =	veq.f32 v3, $7.000000000e+00;
	v2 =	vnsel vm14, $0x0, v5;
	[tilespmem:s21+$0x14800] =	vst v1  }
0x13e: {  	s18 =	sor.u32 s18, s20;
	v1 =	vnsel vm15, $0x0, v63;
	[tilespmem:s21+$0x15000] =	vst v2  }
0x13f: {  	s20 =	simm.s32 $0x12000;
	s18 =	sadd.s32 s18, s12;
	[tilespmem:s21+$0x15800] =	vst v1  }
0x140: {  	[hbm4b:s18+s4] =	stream.linear.scatter [tilespmem:s20], [sflag:$0x5], $0x400, $0x38;
	[tilespmem:$0x1B000] =	vst v63  }
0x141: {  	s22 =	simm.s32 $0x12800;
	s21 =	sadd.s32 $0x48000, s18  }
0x142: {  	[hbm4b:s21+s4] =	stream.linear.scatter [tilespmem:s22], [sflag:$0x5], $0x400, $0x38;
	[tilespmem:$0x1B000] =	vst v63  }
0x143: {  	s21 =	sadd.s32 $0x90000, s18;
	s22 =	simm.s32 $0x13000  }
0x144: {  	[hbm4b:s21+s4] =	stream.linear.scatter [tilespmem:s22], [sflag:$0x5], $0x400, $0x38;
	[tilespmem:$0x1B000] =	vst v63  }
0x145: {  	s21 =	sadd.s32 $0xD8000, s18;
	s22 =	simm.s32 $0x13800  }
0x146: {  	[hbm4b:s21+s4] =	stream.linear.scatter [tilespmem:s22], [sflag:$0x5], $0x400, $0x38;
	[tilespmem:$0x1B000] =	vst v63  }
0x147: {  	s21 =	sadd.s32 $0x120000, s18;
	s22 =	simm.s32 $0x14000  }
0x148: {  	[hbm4b:s21+s4] =	stream.linear.scatter [tilespmem:s22], [sflag:$0x5], $0x400, $0x38;
	[tilespmem:$0x1B000] =	vst v63  }
0x149: {  	s21 =	sadd.s32 $0x168000, s18;
	s22 =	simm.s32 $0x14800  }
0x14a: {  	[hbm4b:s21+s4] =	stream.linear.scatter [tilespmem:s22], [sflag:$0x5], $0x400, $0x38;
	[tilespmem:$0x1B000] =	vst v63  }
0x14b: {  	s21 =	sadd.s32 $0x1B0000, s18;
	s22 =	simm.s32 $0x15000  }
0x14c: {  	[hbm4b:s21+s4] =	stream.linear.scatter [tilespmem:s22], [sflag:$0x5], $0x400, $0x38;
	[tilespmem:$0x1B000] =	vst v63  }
0x14d: {  	s21 =	sadd.s32 $0x1F8000, s18;
	s22 =	simm.s32 $0x15800  }
0x14e: {  	[hbm4b:s21+s4] =	stream.linear.scatter [tilespmem:s22], [sflag:$0x5], $0x400, $0x38;
	[tilespmem:$0x1B000] =	vst v63  }
0x14f: {  	s21 =	sadd.s32 $0x240000, s18;
	s22 =	simm.s32 $0x16000  }
0x150: {  	[hbm4b:s21+s4] =	stream.linear.scatter [tilespmem:s22], [sflag:$0x5], $0x400, $0x38;
	[tilespmem:$0x1B000] =	vst v63  }
0x151: {  	s21 =	sadd.s32 $0x4000, s18;
	s22 =	simm.s32 $0x12400  }
0x152: {  	[hbm4b:s21+s4] =	stream.linear.scatter [tilespmem:s22], [sflag:$0x5], $0x80, $0x38;
	[tilespmem:$0x1B000] =	vst v63  }
0x153: {  	s21 =	sadd.s32 $0x4C000, s18;
	s22 =	simm.s32 $0x12C00  }
0x154: {  	[hbm4b:s21+s4] =	stream.linear.scatter [tilespmem:s22], [sflag:$0x5], $0x80, $0x38;
	[tilespmem:$0x1B000] =	vst v63  }
0x155: {  	s21 =	sadd.s32 $0x94000, s18;
	s22 =	simm.s32 $0x13400  }
0x156: {  	[hbm4b:s21+s4] =	stream.linear.scatter [tilespmem:s22], [sflag:$0x5], $0x80, $0x38;
	[tilespmem:$0x1B000] =	vst v63  }
0x157: {  	s21 =	sadd.s32 $0xDC000, s18;
	s22 =	simm.s32 $0x13C00  }
0x158: {  	[hbm4b:s21+s4] =	stream.linear.scatter [tilespmem:s22], [sflag:$0x5], $0x80, $0x38;
	[tilespmem:$0x1B000] =	vst v63  }
0x159: {  	s21 =	sadd.s32 $0x124000, s18;
	s22 =	simm.s32 $0x14400  }
0x15a: {  	[hbm4b:s21+s4] =	stream.linear.scatter [tilespmem:s22], [sflag:$0x5], $0x80, $0x38;
	[tilespmem:$0x1B000] =	vst v63  }
0x15b: {  	s21 =	sadd.s32 $0x16C000, s18;
	s22 =	simm.s32 $0x14C00  }
0x15c: {  	[hbm4b:s21+s4] =	stream.linear.scatter [tilespmem:s22], [sflag:$0x5], $0x80, $0x38;
	[tilespmem:$0x1B000] =	vst v63  }
0x15d: {  	p1 =	seq.s32 s31, $0x11;
	s21 =	sadd.s32 $0x1B4000, s18;
	s22 =	simm.s32 $0x15400  }
0x15e: {  	[hbm4b:s21+s4] =	stream.linear.scatter [tilespmem:s22], [sflag:$0x5], $0x80, $0x38;
	[tilespmem:$0x1B000] =	vst v63  }
.Ltmp3:
0x15f: {  	_ = 	snop;
	(pc) =	sbr.rel @p1 .LBB2_6-.Ltmp3, $4  }
0x160: {  	s20 =	sadd.s32 $0x1FC000, s18;
	s21 =	simm.s32 $0x15C00  }
0x161: {  	[hbm4b:s20+s4] =	stream.linear.scatter [tilespmem:s21], [sflag:$0x5], $0x80, $0x38;
	[tilespmem:$0x1B000] =	vst v63  }
0x162: {  	s18 =	sadd.s32 $0x244000, s18;
	s22 =	simm.s32 $0x16400  }
0x163: {  	[hbm4b:s18+s4] =	stream.linear.scatter [tilespmem:s22], [sflag:$0x5], $0x80, $0x38;
	[tilespmem:$0x1B000] =	vst v63  }
0x164: {  	s18 =	rddreg [dreg:$0x8]  }
0x165: {  	s18 =	sadd.s32 s15, s18  }
0x166: {  	s19 =	smulhi.u32 $0x38E38E39, s18;
	_ =	sdelay $0x1  }
0x167: {  	s19 =	sshrl.u32 s19, $0x3  }
0x168: {  	s19 =	smul.u32 $0x24, s19;
	_ =	sdelay $0x1  }
0x169: {  	s18 =	ssub.s32 s18, s19  }
0x16a: {  	s19 =	sshll.u32 s18, $0x7;
	s18 =	sshll.u32 s18, $0xD  }
0x16b: {  	s18 =	sor.u32 s19, s18  }
0x16c: {  	s18 =	sand.u32 $0x78180, s18  }
0x16d: {  	s18 =	sor.u32 s7, s18  }
0x16e: {  	s19 =	sadd.s32 s1, s18  }
0x16f: {  	[tilespmem:s4], [sflag:$0x1] =	stream.linear.gather [hbm4b:s19+s4], $0x400, $0x38;
	[tilespmem:$0x1B000] =	vst v63  }
0x170: {  	s21 =	simm.s32 $0x800;
	s20 =	sadd.s32 $0x48000, s19  }
0x171: {  	[tilespmem:s21], [sflag:$0x1] =	stream.linear.gather [hbm4b:s20+s4], $0x400, $0x38;
	[tilespmem:$0x1B000] =	vst v63  }
0x172: {  	s22 =	simm.s32 $0x1000;
	s21 =	sadd.s32 $0x90000, s19  }
0x173: {  	[tilespmem:s22], [sflag:$0x1] =	stream.linear.gather [hbm4b:s21+s4], $0x400, $0x38;
	[tilespmem:$0x1B000] =	vst v63  }
0x174: {  	s21 =	sadd.s32 $0xD8000, s19;
	s22 =	simm.s32 $0x1800  }
0x175: {  	[tilespmem:s22], [sflag:$0x1] =	stream.linear.gather [hbm4b:s21+s4], $0x400, $0x38;
	[tilespmem:$0x1B000] =	vst v63  }
0x176: {  	s21 =	sadd.s32 $0x120000, s19;
	s22 =	simm.s32 $0x2000  }
0x177: {  	[tilespmem:s22], [sflag:$0x1] =	stream.linear.gather [hbm4b:s21+s4], $0x400, $0x38;
	[tilespmem:$0x1B000] =	vst v63  }
0x178: {  	s21 =	sadd.s32 $0x168000, s19;
	s22 =	simm.s32 $0x2800  }
0x179: {  	[tilespmem:s22], [sflag:$0x1] =	stream.linear.gather [hbm4b:s21+s4], $0x400, $0x38;
	[tilespmem:$0x1B000] =	vst v63  }
0x17a: {  	s21 =	sadd.s32 $0x1B0000, s19;
	s22 =	simm.s32 $0x3000  }
0x17b: {  	[tilespmem:s22], [sflag:$0x1] =	stream.linear.gather [hbm4b:s21+s4], $0x400, $0x38;
	[tilespmem:$0x1B000] =	vst v63  }
0x17c: {  	s21 =	sadd.s32 $0x1F8000, s19;
	s22 =	simm.s32 $0x3800  }
0x17d: {  	[tilespmem:s22], [sflag:$0x1] =	stream.linear.gather [hbm4b:s21+s4], $0x400, $0x38;
	[tilespmem:$0x1B000] =	vst v63  }
0x17e: {  	s21 =	sadd.s32 $0x240000, s19;
	s22 =	simm.s32 $0x4000  }
0x17f: {  	[tilespmem:s22], [sflag:$0x1] =	stream.linear.gather [hbm4b:s21+s4], $0x400, $0x38;
	[tilespmem:$0x1B000] =	vst v63  }
0x180: {  	s21 =	sadd.s32 $0x4000, s19;
	s22 =	simm.s32 $0x400  }
0x181: {  	[tilespmem:s22], [sflag:$0x1] =	stream.linear.gather [hbm4b:s21+s4], $0x80, $0x38;
	[tilespmem:$0x1B000] =	vst v63  }
0x182: {  	s21 =	sadd.s32 $0x4C000, s19;
	s22 =	simm.s32 $0xC00  }
0x183: {  	[tilespmem:s22], [sflag:$0x1] =	stream.linear.gather [hbm4b:s21+s4], $0x80, $0x38;
	[tilespmem:$0x1B000] =	vst v63  }
0x184: {  	s21 =	sadd.s32 $0x94000, s19;
	s22 =	simm.s32 $0x1400  }
0x185: {  	[tilespmem:s22], [sflag:$0x1] =	stream.linear.gather [hbm4b:s21+s4], $0x80, $0x38;
	[tilespmem:$0x1B000] =	vst v63  }
0x186: {  	s21 =	sadd.s32 $0xDC000, s19;
	s22 =	simm.s32 $0x1C00  }
0x187: {  	[tilespmem:s22], [sflag:$0x1] =	stream.linear.gather [hbm4b:s21+s4], $0x80, $0x38;
	[tilespmem:$0x1B000] =	vst v63  }
0x188: {  	s21 =	sadd.s32 $0x124000, s19;
	s22 =	simm.s32 $0x2400  }
0x189: {  	[tilespmem:s22], [sflag:$0x1] =	stream.linear.gather [hbm4b:s21+s4], $0x80, $0x38;
	[tilespmem:$0x1B000] =	vst v63  }
0x18a: {  	s21 =	sadd.s32 $0x16C000, s19;
	s22 =	simm.s32 $0x2C00  }
0x18b: {  	[tilespmem:s22], [sflag:$0x1] =	stream.linear.gather [hbm4b:s21+s4], $0x80, $0x38;
	[tilespmem:$0x1B000] =	vst v63  }
0x18c: {  	s21 =	sadd.s32 $0x1B4000, s19;
	s22 =	simm.s32 $0x3400  }
0x18d: {  	[tilespmem:s22], [sflag:$0x1] =	stream.linear.gather [hbm4b:s21+s4], $0x80, $0x38;
	[tilespmem:$0x1B000] =	vst v63  }
0x18e: {  	s21 =	sadd.s32 $0x1FC000, s19;
	s22 =	simm.s32 $0x3C00  }
0x18f: {  	[tilespmem:s22], [sflag:$0x1] =	stream.linear.gather [hbm4b:s21+s4], $0x80, $0x38;
	[tilespmem:$0x1B000] =	vst v63  }
0x190: {  	s19 =	sadd.s32 $0x244000, s19;
	s22 =	simm.s32 $0x4400  }
0x191: {  	[tilespmem:s22], [sflag:$0x1] =	stream.linear.gather [hbm4b:s19+s4], $0x80, $0x38;
	[tilespmem:$0x1B000] =	vst v63  }
0x192: {  	s18 =	sadd.s32 s2, s18;
	s20 =	simm.s32 $0x9000  }
0x193: {  	[tilespmem:s20], [sflag:$0x3] =	stream.linear.gather [hbm4b:s18+s4], $0x400, $0x38;
	[tilespmem:$0x1B000] =	vst v63  }
0x194: {  	s21 =	sadd.s32 $0x48000, s18;
	s22 =	simm.s32 $0x9800  }
0x195: {  	[tilespmem:s22], [sflag:$0x3] =	stream.linear.gather [hbm4b:s21+s4], $0x400, $0x38;
	[tilespmem:$0x1B000] =	vst v63  }
0x196: {  	s21 =	sadd.s32 $0x90000, s18;
	s22 =	simm.s32 $0xA000  }
0x197: {  	[tilespmem:s22], [sflag:$0x3] =	stream.linear.gather [hbm4b:s21+s4], $0x400, $0x38;
	[tilespmem:$0x1B000] =	vst v63  }
0x198: {  	s21 =	sadd.s32 $0xD8000, s18;
	s22 =	simm.s32 $0xA800  }
0x199: {  	[tilespmem:s22], [sflag:$0x3] =	stream.linear.gather [hbm4b:s21+s4], $0x400, $0x38;
	[tilespmem:$0x1B000] =	vst v63  }
0x19a: {  	s21 =	sadd.s32 $0x120000, s18;
	s22 =	simm.s32 $0xB000  }
0x19b: {  	[tilespmem:s22], [sflag:$0x3] =	stream.linear.gather [hbm4b:s21+s4], $0x400, $0x38;
	[tilespmem:$0x1B000] =	vst v63  }
0x19c: {  	s21 =	sadd.s32 $0x168000, s18;
	s22 =	simm.s32 $0xB800  }
0x19d: {  	[tilespmem:s22], [sflag:$0x3] =	stream.linear.gather [hbm4b:s21+s4], $0x400, $0x38;
	[tilespmem:$0x1B000] =	vst v63  }
0x19e: {  	s21 =	sadd.s32 $0x1B0000, s18;
	s22 =	simm.s32 $0xC000  }
0x19f: {  	[tilespmem:s22], [sflag:$0x3] =	stream.linear.gather [hbm4b:s21+s4], $0x400, $0x38;
	[tilespmem:$0x1B000] =	vst v63  }
0x1a0: {  	s21 =	sadd.s32 $0x1F8000, s18;
	s22 =	simm.s32 $0xC800  }
0x1a1: {  	[tilespmem:s22], [sflag:$0x3] =	stream.linear.gather [hbm4b:s21+s4], $0x400, $0x38;
	[tilespmem:$0x1B000] =	vst v63  }
0x1a2: {  	s21 =	sadd.s32 $0x240000, s18;
	s22 =	simm.s32 $0xD000  }
0x1a3: {  	[tilespmem:s22], [sflag:$0x3] =	stream.linear.gather [hbm4b:s21+s4], $0x400, $0x38;
	[tilespmem:$0x1B000] =	vst v63  }
0x1a4: {  	s21 =	sadd.s32 $0x4000, s18;
	s22 =	simm.s32 $0x9400  }
0x1a5: {  	[tilespmem:s22], [sflag:$0x3] =	stream.linear.gather [hbm4b:s21+s4], $0x80, $0x38;
	[tilespmem:$0x1B000] =	vst v63  }
0x1a6: {  	s21 =	sadd.s32 $0x4C000, s18;
	s22 =	simm.s32 $0x9C00  }
0x1a7: {  	[tilespmem:s22], [sflag:$0x3] =	stream.linear.gather [hbm4b:s21+s4], $0x80, $0x38;
	[tilespmem:$0x1B000] =	vst v63  }
0x1a8: {  	s21 =	sadd.s32 $0x94000, s18;
	s22 =	simm.s32 $0xA400  }
0x1a9: {  	[tilespmem:s22], [sflag:$0x3] =	stream.linear.gather [hbm4b:s21+s4], $0x80, $0x38;
	[tilespmem:$0x1B000] =	vst v63  }
0x1aa: {  	s21 =	sadd.s32 $0xDC000, s18;
	s22 =	simm.s32 $0xAC00  }
0x1ab: {  	[tilespmem:s22], [sflag:$0x3] =	stream.linear.gather [hbm4b:s21+s4], $0x80, $0x38;
	[tilespmem:$0x1B000] =	vst v63  }
0x1ac: {  	s21 =	sadd.s32 $0x124000, s18;
	s22 =	simm.s32 $0xB400  }
0x1ad: {  	[tilespmem:s22], [sflag:$0x3] =	stream.linear.gather [hbm4b:s21+s4], $0x80, $0x38;
	[tilespmem:$0x1B000] =	vst v63  }
0x1ae: {  	s21 =	sadd.s32 $0x16C000, s18;
	s22 =	simm.s32 $0xBC00  }
0x1af: {  	[tilespmem:s22], [sflag:$0x3] =	stream.linear.gather [hbm4b:s21+s4], $0x80, $0x38;
	[tilespmem:$0x1B000] =	vst v63  }
0x1b0: {  	s21 =	sadd.s32 $0x1B4000, s18;
	s22 =	simm.s32 $0xC400  }
0x1b1: {  	[tilespmem:s22], [sflag:$0x3] =	stream.linear.gather [hbm4b:s21+s4], $0x80, $0x38;
	[tilespmem:$0x1B000] =	vst v63  }
0x1b2: {  	s20 =	sadd.s32 $0x1FC000, s18;
	s21 =	simm.s32 $0xCC00  }
0x1b3: {  	[tilespmem:s21], [sflag:$0x3] =	stream.linear.gather [hbm4b:s20+s4], $0x80, $0x38;
	[tilespmem:$0x1B000] =	vst v63  }
0x1b4: {  	s18 =	sadd.s32 $0x244000, s18;
	s22 =	simm.s32 $0xD400  }
0x1b5: {  	[tilespmem:s22], [sflag:$0x3] =	stream.linear.gather [hbm4b:s18+s4], $0x80, $0x38;
	[tilespmem:$0x1B000] =	vst v63  }
.LBB2_6:
0x1b6: {  	_ =	swait.ge [sflag:s0], $0x2880  }
0x1b7: {  	[sflag:s0] =	ssyncset.done $0x0  }
0x1b8: {  	[sflag:s0] =	ssyncadd.s32 $0xFFFFD780  }
0x1b9: {  	_ =	swait.ge [sflag:s3], $0x2880  }
0x1ba: {  	[sflag:s3] =	ssyncset.done $0x0  }
0x1bb: {  	s18 =	simm.s32 @!p0 $0x6;
	[sflag:s3] =	ssyncadd.s32 $0xFFFFD780  }
0x1bc: {  	_ =	swait.ge @!p0 [sflag:s18], $0x2880  }
0x1bd: {  	[sflag:s18] =	ssyncset.done @!p0 $0x0  }
0x1be: {  	[sflag:s18] =	ssyncadd.s32 @!p0 $0xFFFFD780;
	s18 =	simm.s32 $0x0  }
0x1bf: {  	v4 =	vld [tilespmem:s18+$0x4800]  }
0x1c0: {  	v8 =	vld [tilespmem:s18+$0x5000]  }
0x1c1: {  	v11 =	vld [tilespmem:s18+$0x5800]  }
0x1c2: {  	v9 =	vld [tilespmem:s18+$0x8800]  }
0x1c3: {  	v12 =	vld [tilespmem:s18+$0x11800]  }
0x1c4: {  	v14 =	vld [tilespmem:s18+$0x6000]  }
0x1c5: {  	v5 =	vld [tilespmem:s18+$0x6800]  }
0x1c6: {  	v3 =	vld [tilespmem:s18+$0x7000]  }
0x1c7: {  	v1 =	vld [tilespmem:s18+$0x7800]  }
0x1c8: {  	v2 =	vld [tilespmem:s18+$0x8000];
	vm0 =	vgt.f32 v8, v4;
	v6 =	vmax.f32 v4, v8;
	v18 =	vmul.f32 v12, v9  }
0x1c9: {  	v13 =	vld [tilespmem:s18+$0xD800];
	v7 =	vsel vm0, $0x3F800000, v0;
	vm0 =	vgt.f32 v11, v6;
	v6 =	vmax.f32 v6, v11  }
0x1ca: {  	v15 =	vld [tilespmem:s18+$0xE000];
	v7 =	vsel vm0, $0x40000000, v7;
	vm0 =	vgt.f32 v14, v6;
	v6 =	vmax.f32 v6, v14  }
0x1cb: {  	s19 =	sadd.s32 s15, s6;
	v17 =	vld [tilespmem:s18+$0xF000];
	v7 =	vsel vm0, $0x40400000, v7;
	vm0 =	vgt.f32 v5, v6;
	v6 =	vmax.f32 v6, v5  }
0x1cc: {  	s20 =	smulhi.u32 $0x38E38E39, s19;
	v16 =	vld [tilespmem:s18+$0xE800];
	v7 =	vsel vm0, $0x40800000, v7;
	vm0 =	vgt.f32 v3, v6;
	v6 =	vmax.f32 v6, v3  }
0x1cd: {  	v7 =	vsel vm0, $0x40A00000, v7;
	vm0 =	vgt.f32 v1, v6;
	v6 =	vmax.f32 v6, v1  }
0x1ce: {  	s20 =	sshrl.u32 s20, $0x3;
	v7 =	vsel vm0, $0x40C00000, v7;
	vm0 =	vgt.f32 v2, v6;
	v6 =	vmax.f32 v6, v2  }
0x1cf: {  	s20 =	smul.u32 $0x24, s20;
	v10 =	vld [tilespmem:s18+$0xF800];
	v12 =	vmul.f32 v15, v8;
	v7 =	vsel vm0, $0x40E00000, v7;
	vm0 =	vgt.f32 v9, v6  }
0x1d0: {  	v14 =	vmul.f32 v17, v14;
	v9 =	vmul.f32 v13, v4;
	v6 =	vsel vm0, $0x41000000, v7;
	v7 =	vld [tilespmem:s18+$0x10000]  }
0x1d1: {  	s19 =	ssub.s32 s19, s20;
	v8 =	vld [tilespmem:s18+$0x10800];
	v13 =	vmul.f32 v16, v11;
	vm1 =	veq.f32 v6, $0.0e+00;
	vm0 =	veq.f32 v6, $8.000000000e+00  }
0x1d2: {  	s21 =	simm.s32 $0x10;
	s20 =	sshll.u32 s19, $0x7;
	v11 =	vld [tilespmem:s18+$0x11000];
	vm2 =	veq.f32 v6, $1.000000000e+00;
	vm5 =	veq.f32 v6, $2.000000000e+00;
	v4 =	vnsel vm0, $0x0, v18  }
0x1d3: {  	s22 =	simm.s32 $0x80;
	s20 =	sand.u32 $0x180, s20;
	vm6 =	veq.f32 v6, $3.000000000e+00;
	vm7 =	veq.f32 v6, $4.000000000e+00;
	vm0 =	veq.f32 v6, $5.000000000e+00;
	[tilespmem:s18+$0x1A800] =	vst v4;
	v4 =	vld [tilespmem:s21+$0x4800]  }
.LBB2_7:
0x1d4: {  	p0 =	sne.s32 s22, $0x11C0;
	v15 =	vld [tilespmem:s21+$0x5000];
	v10 =	vmul.f32 v10, v5;
	vm3 =	veq.f32 v6, $6.000000000e+00;
	vm4 =	veq.f32 v6, $7.000000000e+00  }
0x1d5: {  	v5 =	vnsel vm1, $0x0, v9;
	v6 =	vnsel vm2, $0x0, v12;
	v16 =	vld [tilespmem:s21+$0x5800];
	v3 =	vmul.f32 v7, v3  }
0x1d6: {  	v7 =	vnsel vm5, $0x0, v13;
	v9 =	vnsel vm6, $0x0, v14;
	v17 =	vld [tilespmem:s21+$0x6000];
	[tilespmem:s18+$0x16800] =	vst v5;
	v1 =	vmul.f32 v8, v1  }
0x1d7: {  	v5 =	vld [tilespmem:s21+$0x6800];
	[tilespmem:s18+$0x17000] =	vst v6;
	v6 =	vnsel vm7, $0x0, v10;
	v8 =	vnsel vm0, $0x0, v3;
	v2 =	vmul.f32 v11, v2  }
0x1d8: {  	v3 =	vld [tilespmem:s21+$0x7000];
	[tilespmem:s18+$0x17800] =	vst v7;
	v7 =	vnsel vm3, $0x0, v1  }
0x1d9: {  	v1 =	vld [tilespmem:s21+$0x7800];
	vm0 =	vgt.f32 v15, v4;
	v10 =	vmax.f32 v4, v15;
	[tilespmem:s18+$0x18000] =	vst v9;
	v9 =	vnsel vm4, $0x0, v2  }
0x1da: {  	v2 =	vld [tilespmem:s21+$0x8000];
	v11 =	vsel vm0, $0x3F800000, v0;
	vm0 =	vgt.f32 v16, v10;
	v10 =	vmax.f32 v10, v16;
	[tilespmem:s18+$0x18800] =	vst v6  }
0x1db: {  	v12 =	vld [tilespmem:s21+$0x8800];
	v6 =	vsel vm0, $0x40000000, v11;
	vm0 =	vgt.f32 v17, v10;
	v10 =	vmax.f32 v10, v17;
	[tilespmem:s18+$0x19000] =	vst v8  }
0x1dc: {  	v6 =	vsel vm0, $0x40400000, v6;
	vm0 =	vgt.f32 v5, v10;
	v8 =	vmax.f32 v10, v5;
	v11 =	vld [tilespmem:s21+$0x11800];
	[tilespmem:s18+$0x19800] =	vst v7  }
0x1dd: {  	v6 =	vsel vm0, $0x40800000, v6;
	vm0 =	vgt.f32 v3, v8;
	v7 =	vmax.f32 v8, v3;
	v8 =	vld [tilespmem:s21+$0xD800];
	[tilespmem:s18+$0x1A000] =	vst v9;
	s18 =	smov.u32 s21  }
0x1de: {  	v6 =	vsel vm0, $0x40A00000, v6;
	vm0 =	vgt.f32 v1, v7;
	v7 =	vmax.f32 v7, v1;
	v13 =	vld [tilespmem:s18+$0xE000]  }
0x1df: {  	v6 =	vsel vm0, $0x40C00000, v6;
	vm0 =	vgt.f32 v2, v7;
	v7 =	vmax.f32 v7, v2;
	v14 =	vld [tilespmem:s18+$0xE800]  }
0x1e0: {  	v6 =	vsel vm0, $0x40E00000, v6;
	vm0 =	vgt.f32 v12, v7;
	v18 =	vld [tilespmem:s18+$0xF000]  }
.Ltmp4:
0x1e1: {  	v6 =	vsel vm0, $0x41000000, v6;
	v10 =	vld [tilespmem:s18+$0xF800];
	v11 =	vmul.f32 v11, v12;
	(pc) =	sbr.rel @p0 .LBB2_7-.Ltmp4, $4  }
0x1e2: {  	vm1 =	veq.f32 v6, $0.0e+00;
	v9 =	vmul.f32 v8, v4;
	v7 =	vld [tilespmem:s18+$0x10000];
	vm0 =	veq.f32 v6, $8.000000000e+00  }
0x1e3: {  	vm2 =	veq.f32 v6, $1.000000000e+00;
	v12 =	vmul.f32 v13, v15;
	v8 =	vld [tilespmem:s18+$0x10800];
	v4 =	vnsel vm0, $0x0, v11  }
0x1e4: {  	s21 =	sshra.s32 s22, $0x2;
	vm5 =	veq.f32 v6, $2.000000000e+00;
	vm6 =	veq.f32 v6, $3.000000000e+00;
	v13 =	vmul.f32 v14, v16;
	v11 =	vld [tilespmem:s18+$0x11000];
	[tilespmem:s18+$0x1A800] =	vst v4  }
0x1e5: {  	s22 =	sadd.s32 $0x40, s22;
	vm7 =	veq.f32 v6, $4.000000000e+00;
	vm0 =	veq.f32 v6, $5.000000000e+00;
	v4 =	vld [tilespmem:s21+$0x4800];
	v14 =	vmul.f32 v18, v17  }
0x1e6: {  	v15 =	vld [tilespmem:s21+$0x5000]  }
0x1e7: {  	v16 =	vld [tilespmem:s21+$0x5800];
	v5 =	vmul.f32 v10, v5  }
0x1e8: {  	v42 =	vld [tilespmem:s21+$0x6000];
	vm4 =	veq.f32 v6, $6.000000000e+00;
	vm3 =	veq.f32 v6, $7.000000000e+00;
	v43 =	vnsel vm1, $0x0, v9  }
0x1e9: {  	v44 =	vld [tilespmem:s21+$0x6800];
	v12 =	vnsel vm2, $0x0, v12;
	v45 =	vnsel vm5, $0x0, v13;
	v3 =	vmul.f32 v7, v3  }
0x1ea: {  	v46 =	vld [tilespmem:s21+$0x7000];
	v14 =	vnsel vm6, $0x0, v14;
	v1 =	vmul.f32 v8, v1;
	v5 =	vnsel vm7, $0x0, v5  }
0x1eb: {  	v47 =	vld [tilespmem:s21+$0x7800];
	v2 =	vmul.f32 v11, v2;
	vm11 =	vgt.f32 v15, v4;
	v48 =	vmax.f32 v4, v15  }
0x1ec: {  	v17 =	vld [tilespmem:s21+$0x8000];
	v18 =	vsel vm11, $0x3F800000, v0;
	vm12 =	vgt.f32 v16, v48;
	v11 =	vmax.f32 v48, v16  }
0x1ed: {  	v19 =	vld [tilespmem:s21+$0x8800];
	v18 =	vsel vm12, $0x40000000, v18;
	vm13 =	vgt.f32 v42, v11;
	v11 =	vmax.f32 v11, v42  }
0x1ee: {  	v20 =	vld [tilespmem:s21+$0x11800];
	[tilespmem:s18+$0x16800] =	vst v43;
	v49 =	vsel vm13, $0x40400000, v18;
	vm14 =	vgt.f32 v44, v11;
	v11 =	vmax.f32 v11, v44  }
0x1ef: {  	v50 =	vld [tilespmem:s21+$0xD800];
	[tilespmem:s18+$0x17000] =	vst v12;
	v6 =	vsel vm14, $0x40800000, v49;
	vm15 =	vgt.f32 v46, v11;
	v11 =	vmax.f32 v11, v46  }
0x1f0: {  	v51 =	vld [tilespmem:s21+$0xE000];
	[tilespmem:s18+$0x17800] =	vst v45;
	v6 =	vsel vm15, $0x40A00000, v6;
	vm5 =	vgt.f32 v47, v11;
	v52 =	vmax.f32 v11, v47  }
0x1f1: {  	v53 =	vld [tilespmem:s21+$0xE800];
	[tilespmem:s18+$0x18000] =	vst v14;
	v6 =	vsel vm5, $0x40C00000, v6;
	vm6 =	vgt.f32 v17, v52;
	v7 =	vmax.f32 v52, v17  }
0x1f2: {  	v54 =	vld [tilespmem:s21+$0xF000];
	[tilespmem:s18+$0x18800] =	vst v5;
	v3 =	vnsel vm0, $0x0, v3;
	v55 =	vsel vm6, $0x40E00000, v6;
	vm7 =	vgt.f32 v19, v7  }
0x1f3: {  	v56 =	vld [tilespmem:s21+$0xF800];
	[tilespmem:s18+$0x19000] =	vst v3;
	v1 =	vnsel vm4, $0x0, v1;
	v57 =	vmul.f32 v20, v19;
	v3 =	vsel vm7, $0x41000000, v55  }
0x1f4: {  	v58 =	vld [tilespmem:s21+$0x10000];
	[tilespmem:s18+$0x19800] =	vst v1;
	v1 =	vnsel vm3, $0x0, v2;
	v2 =	vmul.f32 v50, v4;
	vm0 =	veq.f32 v3, $8.000000000e+00  }
0x1f5: {  	v59 =	vld [tilespmem:s21+$0x10800];
	[tilespmem:s18+$0x1A000] =	vst v1;
	v1 =	vmul.f32 v51, v15;
	vm8 =	veq.f32 v3, $0.0e+00;
	v5 =	vnsel vm0, $0x0, v57  }
0x1f6: {  	v60 =	vld [tilespmem:s21+$0x11000];
	v11 =	vmul.f32 v53, v16;
	vm9 =	veq.f32 v3, $1.000000000e+00;
	v2 =	vnsel vm8, $0x0, v2;
	[tilespmem:s21+$0x1A800] =	vst v5  }
0x1f7: {  	v61 =	vmul.f32 v54, v42;
	vm10 =	veq.f32 v3, $2.000000000e+00;
	v1 =	vnsel vm9, $0x0, v1;
	[tilespmem:s21+$0x16800] =	vst v2  }
0x1f8: {  	vm11 =	veq.f32 v3, $3.000000000e+00;
	v62 =	vnsel vm10, $0x0, v11;
	v2 =	vmul.f32 v56, v44;
	[tilespmem:s21+$0x17000] =	vst v1  }
0x1f9: {  	vm12 =	veq.f32 v3, $4.000000000e+00;
	v1 =	vmul.f32 v58, v46;
	v5 =	vnsel vm11, $0x0, v61;
	[tilespmem:s21+$0x17800] =	vst v62  }
0x1fa: {  	v4 =	vmul.f32 v59, v47;
	vm13 =	veq.f32 v3, $5.000000000e+00;
	[tilespmem:s21+$0x18000] =	vst v5;
	v2 =	vnsel vm12, $0x0, v2  }
0x1fb: {  	s19 =	sshll.u32 s19, $0xD;
	v63 =	vmul.f32 v60, v17;
	vm14 =	veq.f32 v3, $6.000000000e+00;
	v1 =	vnsel vm13, $0x0, v1;
	[tilespmem:s21+$0x18800] =	vst v2  }
0x1fc: {  	s18 =	sand.u32 $0x78000, s19;
	vm15 =	veq.f32 v3, $7.000000000e+00;
	v2 =	vnsel vm14, $0x0, v4;
	[tilespmem:s21+$0x19000] =	vst v1  }
0x1fd: {  	s18 =	sor.u32 s18, s20;
	v1 =	vnsel vm15, $0x0, v63;
	[tilespmem:s21+$0x19800] =	vst v2  }
0x1fe: {  	s20 =	simm.s32 $0x16800;
	s18 =	sadd.s32 s18, s12;
	[tilespmem:s21+$0x1A000] =	vst v1  }
0x1ff: {  	[hbm4b:s18+s4] =	stream.linear.scatter [tilespmem:s20], [sflag:$0x6], $0x400, $0x38;
	[tilespmem:$0x1B000] =	vst v63  }
0x200: {  	s22 =	simm.s32 $0x17000;
	s21 =	sadd.s32 $0x48000, s18  }
0x201: {  	[hbm4b:s21+s4] =	stream.linear.scatter [tilespmem:s22], [sflag:$0x6], $0x400, $0x38;
	[tilespmem:$0x1B000] =	vst v63  }
0x202: {  	s21 =	sadd.s32 $0x90000, s18;
	s22 =	simm.s32 $0x17800  }
0x203: {  	[hbm4b:s21+s4] =	stream.linear.scatter [tilespmem:s22], [sflag:$0x6], $0x400, $0x38;
	[tilespmem:$0x1B000] =	vst v63  }
0x204: {  	s21 =	sadd.s32 $0xD8000, s18;
	s22 =	simm.s32 $0x18000  }
0x205: {  	[hbm4b:s21+s4] =	stream.linear.scatter [tilespmem:s22], [sflag:$0x6], $0x400, $0x38;
	[tilespmem:$0x1B000] =	vst v63  }
0x206: {  	s21 =	sadd.s32 $0x120000, s18;
	s22 =	simm.s32 $0x18800  }
0x207: {  	[hbm4b:s21+s4] =	stream.linear.scatter [tilespmem:s22], [sflag:$0x6], $0x400, $0x38;
	[tilespmem:$0x1B000] =	vst v63  }
0x208: {  	s21 =	sadd.s32 $0x168000, s18;
	s22 =	simm.s32 $0x19000  }
0x209: {  	[hbm4b:s21+s4] =	stream.linear.scatter [tilespmem:s22], [sflag:$0x6], $0x400, $0x38;
	[tilespmem:$0x1B000] =	vst v63  }
0x20a: {  	s21 =	sadd.s32 $0x1B0000, s18  }
0x20b: {  	[hbm4b:s21+s4] =	stream.linear.scatter [tilespmem:s23], [sflag:$0x6], $0x400, $0x38;
	[tilespmem:$0x1B000] =	vst v63  }
0x20c: {  	s22 =	sadd.s32 $0x1F8000, s18  }
0x20d: {  	[hbm4b:s22+s4] =	stream.linear.scatter [tilespmem:s24], [sflag:$0x6], $0x400, $0x38;
	[tilespmem:$0x1B000] =	vst v63  }
0x20e: {  	s20 =	sadd.s32 $0x240000, s18  }
0x20f: {  	[hbm4b:s20+s4] =	stream.linear.scatter [tilespmem:s13], [sflag:$0x6], $0x400, $0x38;
	[tilespmem:$0x1B000] =	vst v63  }
0x210: {  	s21 =	sadd.s32 $0x4000, s18  }
0x211: {  	[hbm4b:s21+s4] =	stream.linear.scatter [tilespmem:s25], [sflag:$0x6], $0x80, $0x38;
	[tilespmem:$0x1B000] =	vst v63  }
0x212: {  	s22 =	sadd.s32 $0x4C000, s18  }
0x213: {  	[hbm4b:s22+s4] =	stream.linear.scatter [tilespmem:s26], [sflag:$0x6], $0x80, $0x38;
	[tilespmem:$0x1B000] =	vst v63  }
0x214: {  	s20 =	sadd.s32 $0x94000, s18  }
0x215: {  	[hbm4b:s20+s4] =	stream.linear.scatter [tilespmem:s28], [sflag:$0x6], $0x80, $0x38;
	[tilespmem:$0x1B000] =	vst v63  }
0x216: {  	s21 =	sadd.s32 $0xDC000, s18  }
0x217: {  	[hbm4b:s21+s4] =	stream.linear.scatter [tilespmem:s29], [sflag:$0x6], $0x80, $0x38;
	[tilespmem:$0x1B000] =	vst v63  }
0x218: {  	s22 =	sadd.s32 $0x124000, s18  }
0x219: {  	[hbm4b:s22+s4] =	stream.linear.scatter [tilespmem:s30], [sflag:$0x6], $0x80, $0x38;
	[tilespmem:$0x1B000] =	vst v63  }
0x21a: {  	s20 =	sadd.s32 $0x16C000, s18  }
0x21b: {  	[hbm4b:s20+s4] =	stream.linear.scatter [tilespmem:s8], [sflag:$0x6], $0x80, $0x38;
	[tilespmem:$0x1B000] =	vst v63  }
0x21c: {  	s21 =	sadd.s32 $0x1B4000, s18  }
0x21d: {  	[hbm4b:s21+s4] =	stream.linear.scatter [tilespmem:s9], [sflag:$0x6], $0x80, $0x38;
	[tilespmem:$0x1B000] =	vst v63  }
.Ltmp5:
0x21e: {  	_ = 	snop;
	(pc) =	sbr.rel @p1 .LBB2_10-.Ltmp5, $4  }
0x21f: {  	s22 =	sadd.s32 $0x1FC000, s18  }
0x220: {  	[hbm4b:s22+s4] =	stream.linear.scatter [tilespmem:s10], [sflag:$0x6], $0x80, $0x38;
	[tilespmem:$0x1B000] =	vst v63  }
0x221: {  	s18 =	sadd.s32 $0x244000, s18  }
0x222: {  	[hbm4b:s18+s4] =	stream.linear.scatter [tilespmem:s11], [sflag:$0x6], $0x80, $0x38;
	[tilespmem:$0x1B000] =	vst v63  }
0x223: {  	s15 =	sadd.s32 s15, s14  }
0x224: {  	s18 =	smulhi.u32 $0x38E38E39, s15;
	_ =	sdelay $0x1  }
0x225: {  	s18 =	sshrl.u32 s18, $0x3  }
0x226: {  	s18 =	smul.u32 $0x24, s18;
	_ =	sdelay $0x1  }
0x227: {  	s15 =	ssub.s32 s15, s18  }
0x228: {  	s18 =	sshll.u32 s15, $0x7;
	s15 =	sshll.u32 s15, $0xD  }
0x229: {  	s15 =	sor.u32 s18, s15  }
0x22a: {  	s15 =	sand.u32 $0x78180, s15  }
0x22b: {  	s15 =	sor.u32 s7, s15  }
0x22c: {  	s19 =	simm.s32 $0x4800;
	s18 =	sadd.s32 s1, s15  }
0x22d: {  	[tilespmem:s19], [sflag:$0x2] =	stream.linear.gather [hbm4b:s18+s4], $0x400, $0x38;
	[tilespmem:$0x1B000] =	vst v63  }
0x22e: {  	s20 =	simm.s32 $0x5000;
	s22 =	sadd.s32 $0x48000, s18  }
0x22f: {  	[tilespmem:s20], [sflag:$0x2] =	stream.linear.gather [hbm4b:s22+s4], $0x400, $0x38;
	[tilespmem:$0x1B000] =	vst v63  }
0x230: {  	s21 =	sadd.s32 $0x90000, s18;
	s22 =	simm.s32 $0x5800  }
0x231: {  	[tilespmem:s22], [sflag:$0x2] =	stream.linear.gather [hbm4b:s21+s4], $0x400, $0x38;
	[tilespmem:$0x1B000] =	vst v63  }
0x232: {  	s21 =	sadd.s32 $0xD8000, s18;
	s22 =	simm.s32 $0x6000  }
0x233: {  	[tilespmem:s22], [sflag:$0x2] =	stream.linear.gather [hbm4b:s21+s4], $0x400, $0x38;
	[tilespmem:$0x1B000] =	vst v63  }
0x234: {  	s21 =	sadd.s32 $0x120000, s18;
	s22 =	simm.s32 $0x6800  }
0x235: {  	[tilespmem:s22], [sflag:$0x2] =	stream.linear.gather [hbm4b:s21+s4], $0x400, $0x38;
	[tilespmem:$0x1B000] =	vst v63  }
0x236: {  	s21 =	sadd.s32 $0x168000, s18;
	s22 =	simm.s32 $0x7000  }
0x237: {  	[tilespmem:s22], [sflag:$0x2] =	stream.linear.gather [hbm4b:s21+s4], $0x400, $0x38;
	[tilespmem:$0x1B000] =	vst v63  }
0x238: {  	s21 =	sadd.s32 $0x1B0000, s18;
	s22 =	simm.s32 $0x7800  }
0x239: {  	[tilespmem:s22], [sflag:$0x2] =	stream.linear.gather [hbm4b:s21+s4], $0x400, $0x38;
	[tilespmem:$0x1B000] =	vst v63  }
0x23a: {  	s21 =	sadd.s32 $0x1F8000, s18;
	s22 =	simm.s32 $0x8000  }
0x23b: {  	[tilespmem:s22], [sflag:$0x2] =	stream.linear.gather [hbm4b:s21+s4], $0x400, $0x38;
	[tilespmem:$0x1B000] =	vst v63  }
0x23c: {  	s21 =	sadd.s32 $0x240000, s18;
	s22 =	simm.s32 $0x8800  }
0x23d: {  	[tilespmem:s22], [sflag:$0x2] =	stream.linear.gather [hbm4b:s21+s4], $0x400, $0x38;
	[tilespmem:$0x1B000] =	vst v63  }
0x23e: {  	s21 =	sadd.s32 $0x4000, s18;
	s22 =	simm.s32 $0x4C00  }
0x23f: {  	[tilespmem:s22], [sflag:$0x2] =	stream.linear.gather [hbm4b:s21+s4], $0x80, $0x38;
	[tilespmem:$0x1B000] =	vst v63  }
0x240: {  	s21 =	sadd.s32 $0x4C000, s18;
	s22 =	simm.s32 $0x5400  }
0x241: {  	[tilespmem:s22], [sflag:$0x2] =	stream.linear.gather [hbm4b:s21+s4], $0x80, $0x38;
	[tilespmem:$0x1B000] =	vst v63  }
0x242: {  	s21 =	sadd.s32 $0x94000, s18;
	s22 =	simm.s32 $0x5C00  }
0x243: {  	[tilespmem:s22], [sflag:$0x2] =	stream.linear.gather [hbm4b:s21+s4], $0x80, $0x38;
	[tilespmem:$0x1B000] =	vst v63  }
0x244: {  	s21 =	sadd.s32 $0xDC000, s18;
	s22 =	simm.s32 $0x6400  }
0x245: {  	[tilespmem:s22], [sflag:$0x2] =	stream.linear.gather [hbm4b:s21+s4], $0x80, $0x38;
	[tilespmem:$0x1B000] =	vst v63  }
0x246: {  	s21 =	sadd.s32 $0x124000, s18;
	s22 =	simm.s32 $0x6C00  }
0x247: {  	[tilespmem:s22], [sflag:$0x2] =	stream.linear.gather [hbm4b:s21+s4], $0x80, $0x38;
	[tilespmem:$0x1B000] =	vst v63  }
0x248: {  	s21 =	sadd.s32 $0x16C000, s18;
	s22 =	simm.s32 $0x7400  }
0x249: {  	[tilespmem:s22], [sflag:$0x2] =	stream.linear.gather [hbm4b:s21+s4], $0x80, $0x38;
	[tilespmem:$0x1B000] =	vst v63  }
0x24a: {  	s21 =	sadd.s32 $0x1B4000, s18;
	s22 =	simm.s32 $0x7C00  }
0x24b: {  	[tilespmem:s22], [sflag:$0x2] =	stream.linear.gather [hbm4b:s21+s4], $0x80, $0x38;
	[tilespmem:$0x1B000] =	vst v63  }
0x24c: {  	s20 =	sadd.s32 $0x1FC000, s18;
	s21 =	simm.s32 $0x8400  }
0x24d: {  	[tilespmem:s21], [sflag:$0x2] =	stream.linear.gather [hbm4b:s20+s4], $0x80, $0x38;
	[tilespmem:$0x1B000] =	vst v63  }
0x24e: {  	s18 =	sadd.s32 $0x244000, s18;
	s22 =	simm.s32 $0x8C00  }
0x24f: {  	[tilespmem:s22], [sflag:$0x2] =	stream.linear.gather [hbm4b:s18+s4], $0x80, $0x38;
	[tilespmem:$0x1B000] =	vst v63  }
0x250: {  	s15 =	sadd.s32 s2, s15;
	s20 =	simm.s32 $0xD800  }
0x251: {  	[tilespmem:s20], [sflag:$0x4] =	stream.linear.gather [hbm4b:s15+s4], $0x400, $0x38;
	[tilespmem:$0x1B000] =	vst v63  }
0x252: {  	s21 =	sadd.s32 $0x48000, s15;
	s22 =	simm.s32 $0xE000  }
0x253: {  	[tilespmem:s22], [sflag:$0x4] =	stream.linear.gather [hbm4b:s21+s4], $0x400, $0x38;
	[tilespmem:$0x1B000] =	vst v63  }
0x254: {  	s19 =	sadd.s32 $0x90000, s15;
	s20 =	simm.s32 $0xE800  }
0x255: {  	[tilespmem:s20], [sflag:$0x4] =	stream.linear.gather [hbm4b:s19+s4], $0x400, $0x38;
	[tilespmem:$0x1B000] =	vst v63  }
0x256: {  	s21 =	sadd.s32 $0xD8000, s15;
	s22 =	simm.s32 $0xF000  }
0x257: {  	[tilespmem:s22], [sflag:$0x4] =	stream.linear.gather [hbm4b:s21+s4], $0x400, $0x38;
	[tilespmem:$0x1B000] =	vst v63  }
0x258: {  	s19 =	sadd.s32 $0x120000, s15;
	s20 =	simm.s32 $0xF800  }
0x259: {  	[tilespmem:s20], [sflag:$0x4] =	stream.linear.gather [hbm4b:s19+s4], $0x400, $0x38;
	[tilespmem:$0x1B000] =	vst v63  }
0x25a: {  	s21 =	sadd.s32 $0x168000, s15;
	s22 =	simm.s32 $0x10000  }
0x25b: {  	[tilespmem:s22], [sflag:$0x4] =	stream.linear.gather [hbm4b:s21+s4], $0x400, $0x38;
	[tilespmem:$0x1B000] =	vst v63  }
0x25c: {  	s19 =	sadd.s32 $0x1B0000, s15;
	s20 =	simm.s32 $0x10800  }
0x25d: {  	[tilespmem:s20], [sflag:$0x4] =	stream.linear.gather [hbm4b:s19+s4], $0x400, $0x38;
	[tilespmem:$0x1B000] =	vst v63  }
0x25e: {  	s21 =	sadd.s32 $0x1F8000, s15;
	s22 =	simm.s32 $0x11000  }
0x25f: {  	[tilespmem:s22], [sflag:$0x4] =	stream.linear.gather [hbm4b:s21+s4], $0x400, $0x38;
	[tilespmem:$0x1B000] =	vst v63  }
0x260: {  	s19 =	sadd.s32 $0x240000, s15;
	s20 =	simm.s32 $0x11800  }
0x261: {  	[tilespmem:s20], [sflag:$0x4] =	stream.linear.gather [hbm4b:s19+s4], $0x400, $0x38;
	[tilespmem:$0x1B000] =	vst v63  }
0x262: {  	s21 =	sadd.s32 $0x4000, s15;
	s22 =	simm.s32 $0xDC00  }
0x263: {  	[tilespmem:s22], [sflag:$0x4] =	stream.linear.gather [hbm4b:s21+s4], $0x80, $0x38;
	[tilespmem:$0x1B000] =	vst v63  }
0x264: {  	s19 =	sadd.s32 $0x4C000, s15;
	s20 =	simm.s32 $0xE400  }
0x265: {  	[tilespmem:s20], [sflag:$0x4] =	stream.linear.gather [hbm4b:s19+s4], $0x80, $0x38;
	[tilespmem:$0x1B000] =	vst v63  }
0x266: {  	s21 =	sadd.s32 $0x94000, s15;
	s22 =	simm.s32 $0xEC00  }
0x267: {  	[tilespmem:s22], [sflag:$0x4] =	stream.linear.gather [hbm4b:s21+s4], $0x80, $0x38;
	[tilespmem:$0x1B000] =	vst v63  }
0x268: {  	s19 =	sadd.s32 $0xDC000, s15;
	s20 =	simm.s32 $0xF400  }
0x269: {  	[tilespmem:s20], [sflag:$0x4] =	stream.linear.gather [hbm4b:s19+s4], $0x80, $0x38;
	[tilespmem:$0x1B000] =	vst v63  }
0x26a: {  	s21 =	sadd.s32 $0x124000, s15;
	s22 =	simm.s32 $0xFC00  }
0x26b: {  	[tilespmem:s22], [sflag:$0x4] =	stream.linear.gather [hbm4b:s21+s4], $0x80, $0x38;
	[tilespmem:$0x1B000] =	vst v63  }
0x26c: {  	s19 =	sadd.s32 $0x16C000, s15;
	s20 =	simm.s32 $0x10400  }
0x26d: {  	[tilespmem:s20], [sflag:$0x4] =	stream.linear.gather [hbm4b:s19+s4], $0x80, $0x38;
	[tilespmem:$0x1B000] =	vst v63  }
0x26e: {  	s21 =	sadd.s32 $0x1B4000, s15;
	s22 =	simm.s32 $0x10C00  }
0x26f: {  	[tilespmem:s22], [sflag:$0x4] =	stream.linear.gather [hbm4b:s21+s4], $0x80, $0x38;
	[tilespmem:$0x1B000] =	vst v63  }
.Ltmp6:
0x270: {  	_ = 	snop;
	(pc) =	sbr.rel .LBB2_2-.Ltmp6, $4  }
0x271: {  	s20 =	sadd.s32 $0x1FC000, s15;
	s21 =	simm.s32 $0x11400  }
0x272: {  	[tilespmem:s21], [sflag:$0x4] =	stream.linear.gather [hbm4b:s20+s4], $0x80, $0x38;
	[tilespmem:$0x1B000] =	vst v63  }
0x273: {  	s31 =	sadd.s32 $0x1, s31;
	s15 =	sadd.s32 $0x244000, s15;
	s22 =	simm.s32 $0x11C00  }
0x274: {  	[tilespmem:s22], [sflag:$0x4] =	stream.linear.gather [hbm4b:s15+s4], $0x80, $0x38;
	[tilespmem:$0x1B000] =	vst v63  }
.LBB2_11:
0x275: {  	_ =	sfence.sel $0x180000  }
0x276: {  	[bflag:$0x0] =	sbarrier.arrive $0xFFFF  }
0x277: {  	_ =	strace $0x90000047  }
0x278: {  	s0 =	stileid.u32;
	[bflag:$0x2] =	sbarrier.arrive $0xFFFF  }
0x279: {  	p0 =	sne.s32 s0, $0x0;
	s0 =	rddreg [dreg:$0x3]  }
0x27a: {  	s0 =	sadd.s32 @!p0 $0x100000, s0  }
0x27b: {  	[sflag:s0] =	ssyncadd.tile.s32 @!p0 $0x1;
	_ =	shalt  }
.Lfunc_end2:
_tile_overlayer_lowered:
.L_overlay_start_2:
0x27c: {  	(tag) =	ssettag $0x2  }
0x27d: {  	s0 =	rddreg [dreg:$0x0];
	s2 =	stileid.u32  }
0x27e: {  	s1 =	rddreg [dreg:$0x1];
	p0 =	sne.s32 s2, $0x0  }
0x27f: {  	s3 =	rddreg [dreg:$0x2];
	[bflag:$0x3] =	sbarrier.arrive $0xFFFF;
	s2 =	simm.s32 @!p0 $0x1C07  }
0x280: {  	[timem:s3], [sflag:s2] =	dma.local @!p0 [hbm:s0], s1  }
0x281: {  	s0 =	simm.s32 @!p0 $0x7  }
0x282: {  	_ =	swait.ge @!p0 [sflag:s0], s1  }
0x283: {  	s1 =	ssub.s32 @!p0 $0x0, s1;
	[sflag:s0] =	ssyncset.done @!p0 $0x0  }
0x284: {  	[sflag:s0] =	ssyncadd.s32 @!p0 s1  }
0x285: {  	[bflag:$0x3] =	sbarrier.arrive $0xFFFF  }
0x286: {  	_ =	shalt  }

</sc_bundles>
